<compile_context>
chip_gen: v7x
topology: tpu7x:2x2x1
jax: 0.10.2.dev20260603
libtpu: 0.0.44.dev20260713+nightly
codegen_flags: <defaults>
</compile_context>

<pallas_src>
import jax
import jax.numpy as jnp
from jax import lax
from jax.experimental import pallas as pl
from jax.experimental.pallas import tpu as pltpu
from jax.experimental.pallas import tpu_sc as plsc

N_USER = 10000
N_ITEM = 40000
N_NODES = N_USER + N_ITEM
DIM = 64
HDIM = 32
FEAT = 128
HID = 256
N_EDGES = 800000

NC = 2
NS = 16
NT = NC * NS
CHUNK = 128
EPT = 25088
PAD_E = NT * EPT
NCH = EPT // CHUNK
ACC_ROWS = N_NODES + 8
K = 2
SLOTS = 2 * K
HSLOTS = 4

_PP = N_NODES << 16
PAD_PACKED = _PP - (1 << 32) if _PP >= (1 << 31) else _PP

_MESH = plsc.VectorSubcoreMesh(core_axis_name="c", subcore_axis_name="s")
_SC_PARAMS = pltpu.CompilerParams(use_tc_tiling_on_sc=False)


def _hist_body(pk_hbm, ones_hbm, zeros_hbm, out_hbm,
               ebuf, idxsl, ones_v, acc, sem_s, sem_z):
    c = lax.axis_index("c")
    s = lax.axis_index("s")

    @pl.when(s == 0)
    def _init():
        pltpu.async_copy(zeros_hbm, acc, sem_z)
    pltpu.sync_copy(ones_hbm, ones_v)
    g = c * NS + s
    pltpu.sync_copy(pk_hbm.at[pl.ds(g * EPT, EPT)], ebuf)

    @pl.when(s == 0)
    def _initw():
        pltpu.make_async_copy(zeros_hbm, acc, sem_z).wait()
    plsc.subcore_barrier()

    def step(i, carry):
        sl = lax.rem(i, HSLOTS)

        @pl.when(i >= HSLOTS)
        def _reclaim():
            pltpu.make_async_copy(
                ones_v, acc.at[idxsl.at[sl]], sem_s.at[sl]).wait()
        for j in range(CHUNK // 16):
            p = ebuf[pl.ds(i * CHUNK + j * 16, 16)]
            idxsl[sl, pl.ds(j * 16, 16)] = lax.shift_right_logical(p, 16)
        pltpu.async_copy(ones_v, acc.at[idxsl.at[sl]], sem_s.at[sl], add=True)
        return carry

    lax.fori_loop(0, NCH, step, 0)

    def drain(i, carry):
        sl = lax.rem(i, HSLOTS)
        pltpu.make_async_copy(
            ones_v, acc.at[idxsl.at[sl]], sem_s.at[sl]).wait()
        return carry

    lax.fori_loop(NCH - HSLOTS, NCH, drain, 0)
    plsc.subcore_barrier()

    @pl.when(s == 0)
    def _flush():
        pltpu.sync_copy(acc, out_hbm.at[c])


def _degree_histogram(packed):
    ones = jnp.ones((CHUNK, 8), jnp.float32)
    zeros = jnp.zeros((ACC_ROWS, 8), jnp.float32)
    fn = pl.kernel(
        _hist_body,
        out_type=jax.ShapeDtypeStruct((NC, ACC_ROWS, 8), jnp.float32),
        mesh=_MESH,
        scratch_types=[
            pltpu.VMEM((EPT,), jnp.int32),
            pltpu.VMEM((HSLOTS, CHUNK), jnp.int32),
            pltpu.VMEM((CHUNK, 8), jnp.float32),
            pltpu.VMEM_SHARED((ACC_ROWS, 8), jnp.float32),
            pltpu.SemaphoreType.DMA((HSLOTS,)),
            pltpu.SemaphoreType.DMA,
        ],
        compiler_params=_SC_PARAMS,
    )
    return fn(packed, ones, zeros)


def _conv_body(pk_hbm, y_hbm, zeros_hbm, out_hbm,
               pkbuf, idxsl, rowsl, rows_v, acc, sem_p, sem_g, sem_s, sem_z):
    c = lax.axis_index("c")
    s = lax.axis_index("s")

    @pl.when(s == 0)
    def _init():
        pltpu.async_copy(zeros_hbm, acc, sem_z)
    ebase = s * (2 * EPT)
    rowbase = c * N_NODES

    def fire_pk(t):
        sl = lax.rem(t, SLOTS)
        pltpu.async_copy(pk_hbm.at[pl.ds(ebase + t * CHUNK, CHUNK)],
                         pkbuf.at[sl], sem_p.at[sl])

    def unpack_fire(t):
        sl = lax.rem(t, SLOTS)
        pltpu.make_async_copy(
            pk_hbm.at[pl.ds(ebase + t * CHUNK, CHUNK)],
            pkbuf.at[sl], sem_p.at[sl]).wait()
        for j in range(CHUNK // 16):
            p = pkbuf[sl, pl.ds(j * 16, 16)]
            idxsl[sl, pl.ds(j * 16, 16)] = lax.shift_right_logical(p, 16)
            rowsl[sl, pl.ds(j * 16, 16)] = (p & 0xFFFF) + rowbase
        pltpu.async_copy(y_hbm.at[rowsl.at[sl]], rows_v.at[sl], sem_g.at[sl])

    for b in range(SLOTS):
        fire_pk(jnp.int32(b))

    @pl.when(s == 0)
    def _initw():
        pltpu.make_async_copy(zeros_hbm, acc, sem_z).wait()
    plsc.subcore_barrier()

    def step(i, carry):
        sl = lax.rem(i, SLOTS)
        unpack_fire(i)
        pltpu.make_async_copy(
            y_hbm.at[rowsl.at[sl]], rows_v.at[sl], sem_g.at[sl]).wait()
        pltpu.async_copy(
            rows_v.at[sl], acc.at[idxsl.at[sl]], sem_s.at[sl], add=True)
        pltpu.make_async_copy(
            rows_v.at[sl], acc.at[idxsl.at[sl]], sem_s.at[sl]).wait()
        t3 = i + SLOTS

        @pl.when(t3 < 2 * NCH)
        def _refill():
            fire_pk(t3)
        return carry

    lax.fori_loop(0, 2 * NCH, step, 0)
    plsc.subcore_barrier()

    @pl.when(s == 0)
    def _flush():
        pltpu.sync_copy(acc, out_hbm.at[c])


def _edge_aggregate(packed, y):
    zeros = jnp.zeros((ACC_ROWS, HDIM), jnp.float32)
    fn = pl.kernel(
        _conv_body,
        out_type=jax.ShapeDtypeStruct((NC, ACC_ROWS, HDIM), jnp.float32),
        mesh=_MESH,
        scratch_types=[
            pltpu.VMEM((SLOTS, CHUNK), jnp.int32),
            pltpu.VMEM((SLOTS, CHUNK), jnp.int32),
            pltpu.VMEM((SLOTS, CHUNK), jnp.int32),
            pltpu.VMEM((SLOTS, CHUNK, HDIM), jnp.float32),
            pltpu.VMEM_SHARED((ACC_ROWS, HDIM), jnp.float32),
            pltpu.SemaphoreType.DMA((SLOTS,)),
            pltpu.SemaphoreType.DMA((SLOTS,)),
            pltpu.SemaphoreType.DMA((SLOTS,)),
            pltpu.SemaphoreType.DMA,
        ],
        compiler_params=_SC_PARAMS,
    )
    return fn(packed, y, zeros)


def _pack_body(r_ref, c_ref, o_ref):
    o_ref[...] = (c_ref[...] << 16) | r_ref[...]


def _pack_edges(row, col):
    out = pl.pallas_call(
        _pack_body,
        out_shape=jax.ShapeDtypeStruct((1000, 800), jnp.int32),
    )(row.reshape(1000, 800), col.reshape(1000, 800))
    return out.reshape(N_EDGES)


def _mlp_norm_body(f_ref, w1_ref, b1_ref, w2_ref, b2_ref, o_ref):
    z = jnp.dot(f_ref[...], w1_ref[...], preferred_element_type=jnp.float32)
    z = z + b1_ref[...]
    z = jnp.where(z > 0, z, 0.01 * z)
    t = jnp.dot(z, w2_ref[...], preferred_element_type=jnp.float32) + b2_ref[...]
    n = jnp.sqrt(jnp.sum(t * t, axis=1, keepdims=True))
    o_ref[...] = t / jnp.maximum(n, 1e-12)


def _mlp_norm(features, W1, b1, W2, b2):
    blk, grid = 800, N_ITEM // 800
    return pl.pallas_call(
        _mlp_norm_body,
        grid=(grid,),
        in_specs=[
            pl.BlockSpec((blk, FEAT), lambda i: (i, 0)),
            pl.BlockSpec((FEAT, HID), lambda i: (0, 0)),
            pl.BlockSpec((1, HID), lambda i: (0, 0)),
            pl.BlockSpec((HID, DIM), lambda i: (0, 0)),
            pl.BlockSpec((1, DIM), lambda i: (0, 0)),
        ],
        out_specs=pl.BlockSpec((blk, DIM), lambda i: (i, 0)),
        out_shape=jax.ShapeDtypeStruct((N_ITEM, DIM), jnp.float32),
    )(features, W1, b1.reshape(1, HID), W2, b2.reshape(1, DIM))


def _norm_body(p_ref, o_ref):
    t = p_ref[...]
    n = jnp.sqrt(jnp.sum(t * t, axis=1, keepdims=True))
    o_ref[...] = t / jnp.maximum(n, 1e-12)


def _norm_rows(p):
    blk, grid = 1000, N_USER // 1000
    return pl.pallas_call(
        _norm_body,
        grid=(grid,),
        in_specs=[pl.BlockSpec((blk, DIM), lambda i: (i, 0))],
        out_specs=pl.BlockSpec((blk, DIM), lambda i: (i, 0)),
        out_shape=jax.ShapeDtypeStruct((N_USER, DIM), jnp.float32),
    )(p)


def _dinv(h0_blk, h1_blk):
    d = h0_blk[:, 0:1] + h1_blk[:, 0:1] + 1.0
    return lax.rsqrt(d)


def _scale_body(x_ref, h0_ref, h1_ref, wc_ref, y_ref, self_ref):
    xw = jnp.dot(x_ref[...], wc_ref[...], preferred_element_type=jnp.float32)
    di = _dinv(h0_ref[...], h1_ref[...])
    y_ref[...] = xw * di
    self_ref[...] = xw * (di * di)


def _scale(x, h0, h1, Wc):
    blk, grid = 1000, N_NODES // 1000
    return pl.pallas_call(
        _scale_body,
        grid=(grid,),
        in_specs=[
            pl.BlockSpec((blk, DIM), lambda i: (i, 0)),
            pl.BlockSpec((blk, 8), lambda i: (i, 0)),
            pl.BlockSpec((blk, 8), lambda i: (i, 0)),
            pl.BlockSpec((DIM, DIM), lambda i: (0, 0)),
        ],
        out_specs=[
            pl.BlockSpec((blk, DIM), lambda i: (i, 0)),
            pl.BlockSpec((blk, DIM), lambda i: (i, 0)),
        ],
        out_shape=[
            jax.ShapeDtypeStruct((N_NODES, DIM), jnp.float32),
            jax.ShapeDtypeStruct((N_NODES, DIM), jnp.float32),
        ],
    )(x, h0, h1, Wc)


def _mid_body(slo_ref, shi_ref, self_ref, h0_ref, h1_ref, wc_ref, bc_ref,
              h_ref, y_ref, self1_ref):
    di = _dinv(h0_ref[...], h1_ref[...])
    sagg = jnp.concatenate([slo_ref[...], shi_ref[...]], axis=1)
    h = sagg * di + self_ref[...] + bc_ref[...]
    h_ref[...] = h
    hw = jnp.dot(h, wc_ref[...], preferred_element_type=jnp.float32)
    y_ref[...] = hw * di
    self1_ref[...] = hw * (di * di)


def _mid(s_lo, s_hi, self0, h0, h1, Wc, bc):
    blk, grid = 1000, N_NODES // 1000
    return pl.pallas_call(
        _mid_body,
        grid=(grid,),
        in_specs=[
            pl.BlockSpec((blk, HDIM), lambda i: (i, 0)),
            pl.BlockSpec((blk, HDIM), lambda i: (i, 0)),
            pl.BlockSpec((blk, DIM), lambda i: (i, 0)),
            pl.BlockSpec((blk, 8), lambda i: (i, 0)),
            pl.BlockSpec((blk, 8), lambda i: (i, 0)),
            pl.BlockSpec((DIM, DIM), lambda i: (0, 0)),
            pl.BlockSpec((1, DIM), lambda i: (0, 0)),
        ],
        out_specs=[
            pl.BlockSpec((blk, DIM), lambda i: (i, 0)),
            pl.BlockSpec((blk, DIM), lambda i: (i, 0)),
            pl.BlockSpec((blk, DIM), lambda i: (i, 0)),
        ],
        out_shape=[
            jax.ShapeDtypeStruct((N_NODES, DIM), jnp.float32),
            jax.ShapeDtypeStruct((N_NODES, DIM), jnp.float32),
            jax.ShapeDtypeStruct((N_NODES, DIM), jnp.float32),
        ],
    )(s_lo, s_hi, self0, h0, h1, Wc, bc.reshape(1, DIM))


def _final_body(slo_ref, shi_ref, self_ref, h0_ref, h1_ref, x_ref, h_ref,
                bc_ref, o_ref):
    di = _dinv(h0_ref[...], h1_ref[...])
    sagg = jnp.concatenate([slo_ref[...], shi_ref[...]], axis=1)
    h1c = sagg * di + self_ref[...] + bc_ref[...]
    o_ref[...] = x_ref[...] + h_ref[...] + h1c


def _final(s_lo, s_hi, self1, h0, h1, x, h, bc):
    blk, grid = 1000, N_NODES // 1000
    return pl.pallas_call(
        _final_body,
        grid=(grid,),
        in_specs=[
            pl.BlockSpec((blk, HDIM), lambda i: (i, 0)),
            pl.BlockSpec((blk, HDIM), lambda i: (i, 0)),
            pl.BlockSpec((blk, DIM), lambda i: (i, 0)),
            pl.BlockSpec((blk, 8), lambda i: (i, 0)),
            pl.BlockSpec((blk, 8), lambda i: (i, 0)),
            pl.BlockSpec((blk, DIM), lambda i: (i, 0)),
            pl.BlockSpec((blk, DIM), lambda i: (i, 0)),
            pl.BlockSpec((1, DIM), lambda i: (0, 0)),
        ],
        out_specs=pl.BlockSpec((blk, DIM), lambda i: (i, 0)),
        out_shape=jax.ShapeDtypeStruct((N_NODES, DIM), jnp.float32),
    )(s_lo, s_hi, self1, h0, h1, x, h, bc.reshape(1, DIM))


def kernel(edge_index, features, preference, W1, b1, W2, b2, Wc, bc):
    packed = _pack_edges(edge_index[0], edge_index[1])
    packed = jnp.concatenate(
        [packed, jnp.full((PAD_E - N_EDGES,), PAD_PACKED, jnp.int32)])

    hist = _degree_histogram(packed)
    h0 = hist[0, :N_NODES]
    h1 = hist[1, :N_NODES]

    x_items = _mlp_norm(features, W1, b1, W2, b2)
    x_pref = _norm_rows(preference)
    x = jnp.concatenate([x_pref, x_items], axis=0)

    y0, self0 = _scale(x, h0, h1, Wc)
    y0s = jnp.concatenate([y0[:, :HDIM], y0[:, HDIM:]], axis=0)
    s1 = _edge_aggregate(packed, y0s)
    h, y1, self1 = _mid(s1[0, :N_NODES], s1[1, :N_NODES],
                        self0, h0, h1, Wc, bc)
    y1s = jnp.concatenate([y1[:, :HDIM], y1[:, HDIM:]], axis=0)
    s2 = _edge_aggregate(packed, y1s)
    x_hat = _final(s2[0, :N_NODES], s2[1, :N_NODES],
                   self1, h0, h1, x, h, bc)
    return (x_hat, preference)

# --- scband reference (transcript-rebuilt; emitter-appended) ---
"""Pipeline reference for scband-gcn-33457795236328 (READ-ONLY COPY).

The authoritative reference and input builder live on the scoring server;
editing this copy changes nothing except your own understanding.
"""

import jax, jax.numpy as jnp
import numpy as np

NUM_USER = 10000
NUM_ITEM = 40000
NUM_NODES = NUM_USER + NUM_ITEM
DIM_LATENT = 64
FEAT_SIZE = 128
N_EDGES = 800000


def setup_inputs(seed: int = 0) -> dict:
    key = jax.random.key(seed)
    ks = jax.random.split(key, 10)
    edge_index = jax.random.randint(ks[0], (2, N_EDGES), 0, NUM_NODES, dtype=jnp.int32)
    features = jax.random.normal(ks[1], (NUM_ITEM, FEAT_SIZE), dtype=jnp.float32)
    # xavier-normal preference
    pref_std = float(np.sqrt(2.0 / (NUM_USER + DIM_LATENT)))
    preference = jax.random.normal(ks[2], (NUM_USER, DIM_LATENT), dtype=jnp.float32) * pref_std
    # MLP: feat_size -> 4*dim_latent
    W1 = jax.random.normal(ks[3], (FEAT_SIZE, 4 * DIM_LATENT), dtype=jnp.float32) * 0.05
    b1 = jnp.zeros((4 * DIM_LATENT,), dtype=jnp.float32)
    # MLP_1: 4*dim_latent -> dim_latent
    W2 = jax.random.normal(ks[4], (4 * DIM_LATENT, DIM_LATENT), dtype=jnp.float32) * 0.05
    b2 = jnp.zeros((DIM_LATENT,), dtype=jnp.float32)
    # GCNConv weight + bias
    Wc = jax.random.normal(ks[5], (DIM_LATENT, DIM_LATENT), dtype=jnp.float32) * 0.05
    bc = jnp.zeros((DIM_LATENT,), dtype=jnp.float32)
    return {"edge_index": edge_index, "features": features, "preference": preference,
            "W1": W1, "b1": b1, "W2": W2, "b2": b2, "Wc": Wc, "bc": bc}


def _l2_normalize(x):
    n = jnp.linalg.norm(x, axis=1, keepdims=True)
    return x / jnp.maximum(n, 1e-12)


def _gcn_conv(x, edge_index, W, b):
    # PyG GCNConv: add self-loops, symmetric normalization, sum aggregation
    x_lin = x @ W
    loop = jnp.arange(NUM_NODES, dtype=edge_index.dtype)
    row = jnp.concatenate([edge_index[0], loop])  # source
    col = jnp.concatenate([edge_index[1], loop])  # target
    ones = jnp.ones(row.shape[0], dtype=x.dtype)
    deg = jax.ops.segment_sum(ones, col, num_segments=NUM_NODES)
    dinv = jnp.where(deg > 0, 1.0 / jnp.sqrt(deg), 0.0)
    norm = dinv[row] * dinv[col]
    msg = x_lin[row] * norm[:, None]
    out = jax.ops.segment_sum(msg, col, num_segments=NUM_NODES)
    return out + b


def reference(edge_index, features, preference, W1, b1, W2, b2, Wc, bc):
    temp = jax.nn.leaky_relu(features @ W1 + b1, negative_slope=0.01) @ W2 + b2
    x = jnp.concatenate([preference, temp], axis=0)
    x = _l2_normalize(x)
    h = _gcn_conv(x, edge_index, Wc, bc)
    h1 = _gcn_conv(h, edge_index, Wc, bc)
    x_hat = x + h + h1
    return (x_hat, preference)

if __name__ == "__main__":
    import jax
    _d = setup_inputs()
    print(jax.jit(kernel)(*tuple(_d.values())))

</pallas_src>

<mosaic_0001>
#map = affine_map<(d0, d1) -> (0)>
#map1 = affine_map<(d0, d1) -> (0, 0)>
#map2 = affine_map<(d0, d1) -> (0, 0, 0)>
module attributes {stable_mosaic.version = 14 : i64} {
  func.func @_conv_body(%arg0: i32, %arg1: i32, %arg2: memref<802816xi32, #tpu.memory_space<hbm>>, %arg3: memref<100000x32xf32, #tpu.memory_space<hbm>>, %arg4: memref<50008x32xf32, #tpu.memory_space<hbm>>, %arg5: memref<2x50008x32xf32, #tpu.memory_space<hbm>>, %arg6: memref<4x128xi32, #tpu.memory_space<vmem>>, %arg7: memref<4x128xi32, #tpu.memory_space<vmem>>, %arg8: memref<4x128xi32, #tpu.memory_space<vmem>>, %arg9: memref<4x128x32xf32, #tpu.memory_space<vmem>>, %arg10: memref<50008x32xf32, #tpu.memory_space<vmem_shared>>, %arg11: memref<4x!tpu.dma_semaphore, #tpu.memory_space<semaphore_mem>>, %arg12: memref<4x!tpu.dma_semaphore, #tpu.memory_space<semaphore_mem>>, %arg13: memref<4x!tpu.dma_semaphore, #tpu.memory_space<semaphore_mem>>, %arg14: memref<!tpu.dma_semaphore, #tpu.memory_space<semaphore_mem>>) attributes {dimension_semantics = [#tpu.dimension_semantics<core_parallel>, #tpu.dimension_semantics<subcore_parallel>], iteration_bounds = array<i64: 2, 16>, scalar_prefetch = 0 : i64, scratch_operands = 9 : i64, tpu.core_type = #tpu.core_type<sc_vector_subcore>, window_params = [{transform_indices = #map}, {transform_indices = #map1}, {transform_indices = #map1}, {transform_indices = #map2}]} {
    %eq3A = arith.constant 0 : i32
    %eq3A_0 = arith.cmpi eq, %arg1, %eq3A : i32
    %convert_element_type3A = arith.extui %eq3A_0 : i1 to i32
    %cond3A = arith.constant 0 : i32
    %cond3A_1 = arith.cmpi ne, %convert_element_type3A, %cond3A : i32
    scf.if %cond3A_1 {
      tpu.enqueue_dma source(%arg4 : memref<50008x32xf32, #tpu.memory_space<hbm>>) target(%arg10 : memref<50008x32xf32, #tpu.memory_space<vmem_shared>>) target_semaphore(%arg14 : memref<!tpu.dma_semaphore, #tpu.memory_space<semaphore_mem>>)
    } else {
    }
    %mul3A = arith.constant 50176 : i32
    %mul3A_2 = arith.muli %arg1, %mul3A : i32
    %mul3A_3 = arith.constant 50000 : i32
    %mul3A_4 = arith.muli %arg0, %mul3A_3 : i32
    %rem3A = arith.constant 0 : i32
    %rem3A_5 = arith.constant 4 : i32
    %rem3A_6 = arith.remsi %rem3A, %rem3A_5 : i32
    %mul3A_7 = arith.constant 0 : i32
    %mul3A_8 = arith.constant 128 : i32
    %mul3A_9 = arith.muli %mul3A_7, %mul3A_8 : i32
    %add3A = arith.addi %mul3A_2, %mul3A_9 : i32
    %dma_start3A = arith.constant 0 : i32
    %dma_start3A_10 = tpu.memref_slice %arg6[%rem3A_6, %dma_start3A] : memref<4x128xi32, #tpu.memory_space<vmem>> -> memref<1x128xi32, #tpu.memory_space<vmem>>
    %dma_start3A_11 = tpu.memref_squeeze %dma_start3A_10 : memref<1x128xi32, #tpu.memory_space<vmem>> -> memref<128xi32, #tpu.memory_space<vmem>>
    %dma_start3A_12 = tpu.memref_slice %arg2[%add3A] : memref<802816xi32, #tpu.memory_space<hbm>> -> memref<128xi32, #tpu.memory_space<hbm>>
    %dma_start3A_13 = tpu.memref_slice %arg11[%rem3A_6] : memref<4x!tpu.dma_semaphore, #tpu.memory_space<semaphore_mem>> -> memref<1x!tpu.dma_semaphore, #tpu.memory_space<semaphore_mem>>
    %dma_start3A_14 = tpu.memref_squeeze %dma_start3A_13 : memref<1x!tpu.dma_semaphore, #tpu.memory_space<semaphore_mem>> -> memref<!tpu.dma_semaphore, #tpu.memory_space<semaphore_mem>>
    %dma_start3A_15 = arith.constant 0 : i32
    %dma_start3A_16 = tpu.memref_slice %arg6[%rem3A_6, %dma_start3A_15] : memref<4x128xi32, #tpu.memory_space<vmem>> -> memref<1x128xi32, #tpu.memory_space<vmem>>
    %dma_start3A_17 = tpu.memref_squeeze %dma_start3A_16 : memref<1x128xi32, #tpu.memory_space<vmem>> -> memref<128xi32, #tpu.memory_space<vmem>>
    %dma_start3A_18 = tpu.memref_slice %arg2[%add3A] : memref<802816xi32, #tpu.memory_space<hbm>> -> memref<128xi32, #tpu.memory_space<hbm>>
    tpu.enqueue_dma source(%dma_start3A_18 : memref<128xi32, #tpu.memory_space<hbm>>) target(%dma_start3A_17 : memref<128xi32, #tpu.memory_space<vmem>>) target_semaphore(%dma_start3A_14 : memref<!tpu.dma_semaphore, #tpu.memory_space<semaphore_mem>>)
    %rem3A_19 = arith.constant 1 : i32
    %rem3A_20 = arith.constant 4 : i32
    %rem3A_21 = arith.remsi %rem3A_19, %rem3A_20 : i32
    %mul3A_22 = arith.constant 1 : i32
    %mul3A_23 = arith.constant 128 : i32
    %mul3A_24 = arith.muli %mul3A_22, %mul3A_23 : i32
    %add3A_25 = arith.addi %mul3A_2, %mul3A_24 : i32
    %dma_start3A_26 = arith.constant 0 : i32
    %dma_start3A_27 = tpu.memref_slice %arg6[%rem3A_21, %dma_start3A_26] : memref<4x128xi32, #tpu.memory_space<vmem>> -> memref<1x128xi32, #tpu.memory_space<vmem>>
    %dma_start3A_28 = tpu.memref_squeeze %dma_start3A_27 : memref<1x128xi32, #tpu.memory_space<vmem>> -> memref<128xi32, #tpu.memory_space<vmem>>
    %dma_start3A_29 = tpu.memref_slice %arg2[%add3A_25] : memref<802816xi32, #tpu.memory_space<hbm>> -> memref<128xi32, #tpu.memory_space<hbm>>
    %dma_start3A_30 = tpu.memref_slice %arg11[%rem3A_21] : memref<4x!tpu.dma_semaphore, #tpu.memory_space<semaphore_mem>> -> memref<1x!tpu.dma_semaphore, #tpu.memory_space<semaphore_mem>>
    %dma_start3A_31 = tpu.memref_squeeze %dma_start3A_30 : memref<1x!tpu.dma_semaphore, #tpu.memory_space<semaphore_mem>> -> memref<!tpu.dma_semaphore, #tpu.memory_space<semaphore_mem>>
    %dma_start3A_32 = arith.constant 0 : i32
    %dma_start3A_33 = tpu.memref_slice %arg6[%rem3A_21, %dma_start3A_32] : memref<4x128xi32, #tpu.memory_space<vmem>> -> memref<1x128xi32, #tpu.memory_space<vmem>>
    %dma_start3A_34 = tpu.memref_squeeze %dma_start3A_33 : memref<1x128xi32, #tpu.memory_space<vmem>> -> memref<128xi32, #tpu.memory_space<vmem>>
    %dma_start3A_35 = tpu.memref_slice %arg2[%add3A_25] : memref<802816xi32, #tpu.memory_space<hbm>> -> memref<128xi32, #tpu.memory_space<hbm>>
    tpu.enqueue_dma source(%dma_start3A_35 : memref<128xi32, #tpu.memory_space<hbm>>) target(%dma_start3A_34 : memref<128xi32, #tpu.memory_space<vmem>>) target_semaphore(%dma_start3A_31 : memref<!tpu.dma_semaphore, #tpu.memory_space<semaphore_mem>>)
    %rem3A_36 = arith.constant 2 : i32
    %rem3A_37 = arith.constant 4 : i32
    %rem3A_38 = arith.remsi %rem3A_36, %rem3A_37 : i32
    %mul3A_39 = arith.constant 2 : i32
    %mul3A_40 = arith.constant 128 : i32
    %mul3A_41 = arith.muli %mul3A_39, %mul3A_40 : i32
    %add3A_42 = arith.addi %mul3A_2, %mul3A_41 : i32
    %dma_start3A_43 = arith.constant 0 : i32
    %dma_start3A_44 = tpu.memref_slice %arg6[%rem3A_38, %dma_start3A_43] : memref<4x128xi32, #tpu.memory_space<vmem>> -> memref<1x128xi32, #tpu.memory_space<vmem>>
    %dma_start3A_45 = tpu.memref_squeeze %dma_start3A_44 : memref<1x128xi32, #tpu.memory_space<vmem>> -> memref<128xi32, #tpu.memory_space<vmem>>
    %dma_start3A_46 = tpu.memref_slice %arg2[%add3A_42] : memref<802816xi32, #tpu.memory_space<hbm>> -> memref<128xi32, #tpu.memory_space<hbm>>
    %dma_start3A_47 = tpu.memref_slice %arg11[%rem3A_38] : memref<4x!tpu.dma_semaphore, #tpu.memory_space<semaphore_mem>> -> memref<1x!tpu.dma_semaphore, #tpu.memory_space<semaphore_mem>>
    %dma_start3A_48 = tpu.memref_squeeze %dma_start3A_47 : memref<1x!tpu.dma_semaphore, #tpu.memory_space<semaphore_mem>> -> memref<!tpu.dma_semaphore, #tpu.memory_space<semaphore_mem>>
    %dma_start3A_49 = arith.constant 0 : i32
    %dma_start3A_50 = tpu.memref_slice %arg6[%rem3A_38, %dma_start3A_49] : memref<4x128xi32, #tpu.memory_space<vmem>> -> memref<1x128xi32, #tpu.memory_space<vmem>>
    %dma_start3A_51 = tpu.memref_squeeze %dma_start3A_50 : memref<1x128xi32, #tpu.memory_space<vmem>> -> memref<128xi32, #tpu.memory_space<vmem>>
    %dma_start3A_52 = tpu.memref_slice %arg2[%add3A_42] : memref<802816xi32, #tpu.memory_space<hbm>> -> memref<128xi32, #tpu.memory_space<hbm>>
    tpu.enqueue_dma source(%dma_start3A_52 : memref<128xi32, #tpu.memory_space<hbm>>) target(%dma_start3A_51 : memref<128xi32, #tpu.memory_space<vmem>>) target_semaphore(%dma_start3A_48 : memref<!tpu.dma_semaphore, #tpu.memory_space<semaphore_mem>>)
    %rem3A_53 = arith.constant 3 : i32
    %rem3A_54 = arith.constant 4 : i32
    %rem3A_55 = arith.remsi %rem3A_53, %rem3A_54 : i32
    %mul3A_56 = arith.constant 3 : i32
    %mul3A_57 = arith.constant 128 : i32
    %mul3A_58 = arith.muli %mul3A_56, %mul3A_57 : i32
    %add3A_59 = arith.addi %mul3A_2, %mul3A_58 : i32
    %dma_start3A_60 = arith.constant 0 : i32
    %dma_start3A_61 = tpu.memref_slice %arg6[%rem3A_55, %dma_start3A_60] : memref<4x128xi32, #tpu.memory_space<vmem>> -> memref<1x128xi32, #tpu.memory_space<vmem>>
    %dma_start3A_62 = tpu.memref_squeeze %dma_start3A_61 : memref<1x128xi32, #tpu.memory_space<vmem>> -> memref<128xi32, #tpu.memory_space<vmem>>
    %dma_start3A_63 = tpu.memref_slice %arg2[%add3A_59] : memref<802816xi32, #tpu.memory_space<hbm>> -> memref<128xi32, #tpu.memory_space<hbm>>
    %dma_start3A_64 = tpu.memref_slice %arg11[%rem3A_55] : memref<4x!tpu.dma_semaphore, #tpu.memory_space<semaphore_mem>> -> memref<1x!tpu.dma_semaphore, #tpu.memory_space<semaphore_mem>>
    %dma_start3A_65 = tpu.memref_squeeze %dma_start3A_64 : memref<1x!tpu.dma_semaphore, #tpu.memory_space<semaphore_mem>> -> memref<!tpu.dma_semaphore, #tpu.memory_space<semaphore_mem>>
    %dma_start3A_66 = arith.constant 0 : i32
    %dma_start3A_67 = tpu.memref_slice %arg6[%rem3A_55, %dma_start3A_66] : memref<4x128xi32, #tpu.memory_space<vmem>> -> memref<1x128xi32, #tpu.memory_space<vmem>>
    %dma_start3A_68 = tpu.memref_squeeze %dma_start3A_67 : memref<1x128xi32, #tpu.memory_space<vmem>> -> memref<128xi32, #tpu.memory_space<vmem>>
    %dma_start3A_69 = tpu.memref_slice %arg2[%add3A_59] : memref<802816xi32, #tpu.memory_space<hbm>> -> memref<128xi32, #tpu.memory_space<hbm>>
    tpu.enqueue_dma source(%dma_start3A_69 : memref<128xi32, #tpu.memory_space<hbm>>) target(%dma_start3A_68 : memref<128xi32, #tpu.memory_space<vmem>>) target_semaphore(%dma_start3A_65 : memref<!tpu.dma_semaphore, #tpu.memory_space<semaphore_mem>>)
    %eq3A_70 = arith.constant 0 : i32
    %eq3A_71 = arith.cmpi eq, %arg1, %eq3A_70 : i32
    %convert_element_type3A_72 = arith.extui %eq3A_71 : i1 to i32
    %cond3A_73 = arith.constant 0 : i32
    %cond3A_74 = arith.cmpi ne, %convert_element_type3A_72, %cond3A_73 : i32
    scf.if %cond3A_74 {
      tpu.wait_dma2 semaphore(%arg14 : memref<!tpu.dma_semaphore, #tpu.memory_space<semaphore_mem>>) src(%arg4 : memref<50008x32xf32, #tpu.memory_space<hbm>>) dst(%arg10 : memref<50008x32xf32, #tpu.memory_space<vmem_shared>>)
    } else {
    }
    %barrier3A = arith.constant 0 : index
    tpu.barrier barrier_id(%barrier3A)
    %scan3A = arith.constant 0 : i32
    %scan3A_75 = arith.constant 0 : i32
    %scan3A_76 = arith.constant 392 : i32
    %scan3A_77 = arith.addi %scan3A_75, %scan3A_76 : i32
    %scan3A_78 = arith.constant 1 : i32
    scf.for %scan3A_86 = %scan3A_75 to %scan3A_77 step %scan3A_78  : i32 {
      %rem3A_87 = arith.constant 4 : i32
      %rem3A_88 = arith.remsi %scan3A_86, %rem3A_87 : i32
      %rem3A_89 = arith.constant 4 : i32
      %rem3A_90 = arith.remsi %scan3A_86, %rem3A_89 : i32
      %mul3A_91 = arith.constant 128 : i32
      %mul3A_92 = arith.muli %scan3A_86, %mul3A_91 : i32
      %add3A_93 = arith.addi %mul3A_2, %mul3A_92 : i32
      %dma_wait3A = arith.constant 0 : i32
      %dma_wait3A_94 = tpu.memref_slice %arg6[%rem3A_90, %dma_wait3A] : memref<4x128xi32, #tpu.memory_space<vmem>> -> memref<1x128xi32, #tpu.memory_space<vmem>>
      %dma_wait3A_95 = tpu.memref_squeeze %dma_wait3A_94 : memref<1x128xi32, #tpu.memory_space<vmem>> -> memref<128xi32, #tpu.memory_space<vmem>>
      %dma_wait3A_96 = tpu.memref_slice %arg2[%add3A_93] : memref<802816xi32, #tpu.memory_space<hbm>> -> memref<128xi32, #tpu.memory_space<hbm>>
      %dma_wait3A_97 = tpu.memref_slice %arg11[%rem3A_90] : memref<4x!tpu.dma_semaphore, #tpu.memory_space<semaphore_mem>> -> memref<1x!tpu.dma_semaphore, #tpu.memory_space<semaphore_mem>>
      %dma_wait3A_98 = tpu.memref_squeeze %dma_wait3A_97 : memref<1x!tpu.dma_semaphore, #tpu.memory_space<semaphore_mem>> -> memref<!tpu.dma_semaphore, #tpu.memory_space<semaphore_mem>>
      %dma_wait3A_99 = arith.constant 0 : i32
      %dma_wait3A_100 = tpu.memref_slice %arg6[%rem3A_90, %dma_wait3A_99] : memref<4x128xi32, #tpu.memory_space<vmem>> -> memref<1x128xi32, #tpu.memory_space<vmem>>
      %dma_wait3A_101 = tpu.memref_squeeze %dma_wait3A_100 : memref<1x128xi32, #tpu.memory_space<vmem>> -> memref<128xi32, #tpu.memory_space<vmem>>
      %dma_wait3A_102 = tpu.memref_slice %arg2[%add3A_93] : memref<802816xi32, #tpu.memory_space<hbm>> -> memref<128xi32, #tpu.memory_space<hbm>>
      tpu.wait_dma2 semaphore(%dma_wait3A_98 : memref<!tpu.dma_semaphore, #tpu.memory_space<semaphore_mem>>) src(%dma_wait3A_102 : memref<128xi32, #tpu.memory_space<hbm>>) dst(%dma_wait3A_101 : memref<128xi32, #tpu.memory_space<vmem>>)
      %get3A = arith.index_cast %rem3A_90 : i32 to index
      %get3A_103 = arith.constant 0 : index
      %get3A_104 = tpu.vector_load %arg6[%get3A, %get3A_103] {strides = array<i32>} : memref<4x128xi32, #tpu.memory_space<vmem>>, vector<1x16xi32>,
      %get3A_105 = vector.shape_cast %get3A_104 : vector<1x16xi32> to vector<16xi32>
      %shift_right_logical3A = arith.constant 16 : i32
      %shift_right_logical3A_106 = vector.broadcast %shift_right_logical3A : i32 to vector<16xi32>
      %shift_right_logical3A_107 = arith.shrui %get3A_105, %shift_right_logical3A_106 : vector<16xi32>
      %swap3A = arith.index_cast %rem3A_90 : i32 to index
      %swap3A_108 = arith.constant 0 : index
      %swap3A_109 = tpu.vector_load %arg7[%swap3A, %swap3A_108] {strides = array<i32>} : memref<4x128xi32, #tpu.memory_space<vmem>>, vector<1x16xi32>,
      %swap3A_110 = vector.shape_cast %swap3A_109 : vector<1x16xi32> to vector<16xi32>
      %swap3A_111 = vector.shape_cast %shift_right_logical3A_107 : vector<16xi32> to vector<1x16xi32>
      tpu.vector_store %arg7[%swap3A, %swap3A_108], %swap3A_111 {strides = array<i32>} : memref<4x128xi32, #tpu.memory_space<vmem>>, vector<1x16xi32>,
      %and3A = arith.constant 65535 : i32
      %and3A_112 = vector.broadcast %and3A : i32 to vector<16xi32>
      %and3A_113 = arith.andi %get3A_105, %and3A_112 : vector<16xi32>
      %add3A_114 = vector.broadcast %mul3A_4 : i32 to vector<16xi32>
      %add3A_115 = arith.addi %and3A_113, %add3A_114 : vector<16xi32>
      %swap3A_116 = arith.index_cast %rem3A_90 : i32 to index
      %swap3A_117 = arith.constant 0 : index
      %swap3A_118 = tpu.vector_load %arg8[%swap3A_116, %swap3A_117] {strides = array<i32>} : memref<4x128xi32, #tpu.memory_space<vmem>>, vector<1x16xi32>,
      %swap3A_119 = vector.shape_cast %swap3A_118 : vector<1x16xi32> to vector<16xi32>
      %swap3A_120 = vector.shape_cast %add3A_115 : vector<16xi32> to vector<1x16xi32>
      tpu.vector_store %arg8[%swap3A_116, %swap3A_117], %swap3A_120 {strides = array<i32>} : memref<4x128xi32, #tpu.memory_space<vmem>>, vector<1x16xi32>,
      %get3A_121 = arith.index_cast %rem3A_90 : i32 to index
      %get3A_122 = arith.constant 16 : index
      %get3A_123 = tpu.vector_load %arg6[%get3A_121, %get3A_122] {strides = array<i32>} : memref<4x128xi32, #tpu.memory_space<vmem>>, vector<1x16xi32>,
      %get3A_124 = vector.shape_cast %get3A_123 : vector<1x16xi32> to vector<16xi32>
      %shift_right_logical3A_125 = arith.constant 16 : i32
      %shift_right_logical3A_126 = vector.broadcast %shift_right_logical3A_125 : i32 to vector<16xi32>
      %shift_right_logical3A_127 = arith.shrui %get3A_124, %shift_right_logical3A_126 : vector<16xi32>
      %swap3A_128 = arith.index_cast %rem3A_90 : i32 to index
      %swap3A_129 = arith.constant 16 : index
      %swap3A_130 = tpu.vector_load %arg7[%swap3A_128, %swap3A_129] {strides = array<i32>} : memref<4x128xi32, #tpu.memory_space<vmem>>, vector<1x16xi32>,
      %swap3A_131 = vector.shape_cast %swap3A_130 : vector<1x16xi32> to vector<16xi32>
      %swap3A_132 = vector.shape_cast %shift_right_logical3A_127 : vector<16xi32> to vector<1x16xi32>
      tpu.vector_store %arg7[%swap3A_128, %swap3A_129], %swap3A_132 {strides = array<i32>} : memref<4x128xi32, #tpu.memory_space<vmem>>, vector<1x16xi32>,
      %and3A_133 = arith.constant 65535 : i32
      %and3A_134 = vector.broadcast %and3A_133 : i32 to vector<16xi32>
      %and3A_135 = arith.andi %get3A_124, %and3A_134 : vector<16xi32>
      %add3A_136 = vector.broadcast %mul3A_4 : i32 to vector<16xi32>
      %add3A_137 = arith.addi %and3A_135, %add3A_136 : vector<16xi32>
      %swap3A_138 = arith.index_cast %rem3A_90 : i32 to index
      %swap3A_139 = arith.constant 16 : index
      %swap3A_140 = tpu.vector_load %arg8[%swap3A_138, %swap3A_139] {strides = array<i32>} : memref<4x128xi32, #tpu.memory_space<vmem>>, vector<1x16xi32>,
      %swap3A_141 = vector.shape_cast %swap3A_140 : vector<1x16xi32> to vector<16xi32>
      %swap3A_142 = vector.shape_cast %add3A_137 : vector<16xi32> to vector<1x16xi32>
      tpu.vector_store %arg8[%swap3A_138, %swap3A_139], %swap3A_142 {strides = array<i32>} : memref<4x128xi32, #tpu.memory_space<vmem>>, vector<1x16xi32>,
      %get3A_143 = arith.index_cast %rem3A_90 : i32 to index
      %get3A_144 = arith.constant 32 : index
      %get3A_145 = tpu.vector_load %arg6[%get3A_143, %get3A_144] {strides = array<i32>} : memref<4x128xi32, #tpu.memory_space<vmem>>, vector<1x16xi32>,
      %get3A_146 = vector.shape_cast %get3A_145 : vector<1x16xi32> to vector<16xi32>
      %shift_right_logical3A_147 = arith.constant 16 : i32
      %shift_right_logical3A_148 = vector.broadcast %shift_right_logical3A_147 : i32 to vector<16xi32>
      %shift_right_logical3A_149 = arith.shrui %get3A_146, %shift_right_logical3A_148 : vector<16xi32>
      %swap3A_150 = arith.index_cast %rem3A_90 : i32 to index
      %swap3A_151 = arith.constant 32 : index
      %swap3A_152 = tpu.vector_load %arg7[%swap3A_150, %swap3A_151] {strides = array<i32>} : memref<4x128xi32, #tpu.memory_space<vmem>>, vector<1x16xi32>,
      %swap3A_153 = vector.shape_cast %swap3A_152 : vector<1x16xi32> to vector<16xi32>
      %swap3A_154 = vector.shape_cast %shift_right_logical3A_149 : vector<16xi32> to vector<1x16xi32>
      tpu.vector_store %arg7[%swap3A_150, %swap3A_151], %swap3A_154 {strides = array<i32>} : memref<4x128xi32, #tpu.memory_space<vmem>>, vector<1x16xi32>,
      %and3A_155 = arith.constant 65535 : i32
      %and3A_156 = vector.broadcast %and3A_155 : i32 to vector<16xi32>
      %and3A_157 = arith.andi %get3A_146, %and3A_156 : vector<16xi32>
      %add3A_158 = vector.broadcast %mul3A_4 : i32 to vector<16xi32>
      %add3A_159 = arith.addi %and3A_157, %add3A_158 : vector<16xi32>
      %swap3A_160 = arith.index_cast %rem3A_90 : i32 to index
      %swap3A_161 = arith.constant 32 : index
      %swap3A_162 = tpu.vector_load %arg8[%swap3A_160, %swap3A_161] {strides = array<i32>} : memref<4x128xi32, #tpu.memory_space<vmem>>, vector<1x16xi32>,
      %swap3A_163 = vector.shape_cast %swap3A_162 : vector<1x16xi32> to vector<16xi32>
      %swap3A_164 = vector.shape_cast %add3A_159 : vector<16xi32> to vector<1x16xi32>
      tpu.vector_store %arg8[%swap3A_160, %swap3A_161], %swap3A_164 {strides = array<i32>} : memref<4x128xi32, #tpu.memory_space<vmem>>, vector<1x16xi32>,
      %get3A_165 = arith.index_cast %rem3A_90 : i32 to index
      %get3A_166 = arith.constant 48 : index
      %get3A_167 = tpu.vector_load %arg6[%get3A_165, %get3A_166] {strides = array<i32>} : memref<4x128xi32, #tpu.memory_space<vmem>>, vector<1x16xi32>,
      %get3A_168 = vector.shape_cast %get3A_167 : vector<1x16xi32> to vector<16xi32>
      %shift_right_logical3A_169 = arith.constant 16 : i32
      %shift_right_logical3A_170 = vector.broadcast %shift_right_logical3A_169 : i32 to vector<16xi32>
      %shift_right_logical3A_171 = arith.shrui %get3A_168, %shift_right_logical3A_170 : vector<16xi32>
      %swap3A_172 = arith.index_cast %rem3A_90 : i32 to index
      %swap3A_173 = arith.constant 48 : index
      %swap3A_174 = tpu.vector_load %arg7[%swap3A_172, %swap3A_173] {strides = array<i32>} : memref<4x128xi32, #tpu.memory_space<vmem>>, vector<1x16xi32>,
      %swap3A_175 = vector.shape_cast %swap3A_174 : vector<1x16xi32> to vector<16xi32>
      %swap3A_176 = vector.shape_cast %shift_right_logical3A_171 : vector<16xi32> to vector<1x16xi32>
      tpu.vector_store %arg7[%swap3A_172, %swap3A_173], %swap3A_176 {strides = array<i32>} : memref<4x128xi32, #tpu.memory_space<vmem>>, vector<1x16xi32>,
      %and3A_177 = arith.constant 65535 : i32
      %and3A_178 = vector.broadcast %and3A_177 : i32 to vector<16xi32>
      %and3A_179 = arith.andi %get3A_168, %and3A_178 : vector<16xi32>
      %add3A_180 = vector.broadcast %mul3A_4 : i32 to vector<16xi32>
      %add3A_181 = arith.addi %and3A_179, %add3A_180 : vector<16xi32>
      %swap3A_182 = arith.index_cast %rem3A_90 : i32 to index
      %swap3A_183 = arith.constant 48 : index
      %swap3A_184 = tpu.vector_load %arg8[%swap3A_182, %swap3A_183] {strides = array<i32>} : memref<4x128xi32, #tpu.memory_space<vmem>>, vector<1x16xi32>,
      %swap3A_185 = vector.shape_cast %swap3A_184 : vector<1x16xi32> to vector<16xi32>
      %swap3A_186 = vector.shape_cast %add3A_181 : vector<16xi32> to vector<1x16xi32>
      tpu.vector_store %arg8[%swap3A_182, %swap3A_183], %swap3A_186 {strides = array<i32>} : memref<4x128xi32, #tpu.memory_space<vmem>>, vector<1x16xi32>,
      %get3A_187 = arith.index_cast %rem3A_90 : i32 to index
      %get3A_188 = arith.constant 64 : index
      %get3A_189 = tpu.vector_load %arg6[%get3A_187, %get3A_188] {strides = array<i32>} : memref<4x128xi32, #tpu.memory_space<vmem>>, vector<1x16xi32>,
      %get3A_190 = vector.shape_cast %get3A_189 : vector<1x16xi32> to vector<16xi32>
      %shift_right_logical3A_191 = arith.constant 16 : i32
      %shift_right_logical3A_192 = vector.broadcast %shift_right_logical3A_191 : i32 to vector<16xi32>
      %shift_right_logical3A_193 = arith.shrui %get3A_190, %shift_right_logical3A_192 : vector<16xi32>
      %swap3A_194 = arith.index_cast %rem3A_90 : i32 to index
      %swap3A_195 = arith.constant 64 : index
      %swap3A_196 = tpu.vector_load %arg7[%swap3A_194, %swap3A_195] {strides = array<i32>} : memref<4x128xi32, #tpu.memory_space<vmem>>, vector<1x16xi32>,
      %swap3A_197 = vector.shape_cast %swap3A_196 : vector<1x16xi32> to vector<16xi32>
      %swap3A_198 = vector.shape_cast %shift_right_logical3A_193 : vector<16xi32> to vector<1x16xi32>
      tpu.vector_store %arg7[%swap3A_194, %swap3A_195], %swap3A_198 {strides = array<i32>} : memref<4x128xi32, #tpu.memory_space<vmem>>, vector<1x16xi32>,
      %and3A_199 = arith.constant 65535 : i32
      %and3A_200 = vector.broadcast %and3A_199 : i32 to vector<16xi32>
      %and3A_201 = arith.andi %get3A_190, %and3A_200 : vector<16xi32>
      %add3A_202 = vector.broadcast %mul3A_4 : i32 to vector<16xi32>
      %add3A_203 = arith.addi %and3A_201, %add3A_202 : vector<16xi32>
      %swap3A_204 = arith.index_cast %rem3A_90 : i32 to index
      %swap3A_205 = arith.constant 64 : index
      %swap3A_206 = tpu.vector_load %arg8[%swap3A_204, %swap3A_205] {strides = array<i32>} : memref<4x128xi32, #tpu.memory_space<vmem>>, vector<1x16xi32>,
      %swap3A_207 = vector.shape_cast %swap3A_206 : vector<1x16xi32> to vector<16xi32>
      %swap3A_208 = vector.shape_cast %add3A_203 : vector<16xi32> to vector<1x16xi32>
      tpu.vector_store %arg8[%swap3A_204, %swap3A_205], %swap3A_208 {strides = array<i32>} : memref<4x128xi32, #tpu.memory_space<vmem>>, vector<1x16xi32>,
      %get3A_209 = arith.index_cast %rem3A_90 : i32 to index
      %get3A_210 = arith.constant 80 : index
      %get3A_211 = tpu.vector_load %arg6[%get3A_209, %get3A_210] {strides = array<i32>} : memref<4x128xi32, #tpu.memory_space<vmem>>, vector<1x16xi32>,
      %get3A_212 = vector.shape_cast %get3A_211 : vector<1x16xi32> to vector<16xi32>
      %shift_right_logical3A_213 = arith.constant 16 : i32
      %shift_right_logical3A_214 = vector.broadcast %shift_right_logical3A_213 : i32 to vector<16xi32>
      %shift_right_logical3A_215 = arith.shrui %get3A_212, %shift_right_logical3A_214 : vector<16xi32>
      %swap3A_216 = arith.index_cast %rem3A_90 : i32 to index
      %swap3A_217 = arith.constant 80 : index
      %swap3A_218 = tpu.vector_load %arg7[%swap3A_216, %swap3A_217] {strides = array<i32>} : memref<4x128xi32, #tpu.memory_space<vmem>>, vector<1x16xi32>,
      %swap3A_219 = vector.shape_cast %swap3A_218 : vector<1x16xi32> to vector<16xi32>
      %swap3A_220 = vector.shape_cast %shift_right_logical3A_215 : vector<16xi32> to vector<1x16xi32>
      tpu.vector_store %arg7[%swap3A_216, %swap3A_217], %swap3A_220 {strides = array<i32>} : memref<4x128xi32, #tpu.memory_space<vmem>>, vector<1x16xi32>,
      %and3A_221 = arith.constant 65535 : i32
      %and3A_222 = vector.broadcast %and3A_221 : i32 to vector<16xi32>
      %and3A_223 = arith.andi %get3A_212, %and3A_222 : vector<16xi32>
      %add3A_224 = vector.broadcast %mul3A_4 : i32 to vector<16xi32>
      %add3A_225 = arith.addi %and3A_223, %add3A_224 : vector<16xi32>
      %swap3A_226 = arith.index_cast %rem3A_90 : i32 to index
      %swap3A_227 = arith.constant 80 : index
      %swap3A_228 = tpu.vector_load %arg8[%swap3A_226, %swap3A_227] {strides = array<i32>} : memref<4x128xi32, #tpu.memory_space<vmem>>, vector<1x16xi32>,
      %swap3A_229 = vector.shape_cast %swap3A_228 : vector<1x16xi32> to vector<16xi32>
      %swap3A_230 = vector.shape_cast %add3A_225 : vector<16xi32> to vector<1x16xi32>
      tpu.vector_store %arg8[%swap3A_226, %swap3A_227], %swap3A_230 {strides = array<i32>} : memref<4x128xi32, #tpu.memory_space<vmem>>, vector<1x16xi32>,
      %get3A_231 = arith.index_cast %rem3A_90 : i32 to index
      %get3A_232 = arith.constant 96 : index
      %get3A_233 = tpu.vector_load %arg6[%get3A_231, %get3A_232] {strides = array<i32>} : memref<4x128xi32, #tpu.memory_space<vmem>>, vector<1x16xi32>,
      %get3A_234 = vector.shape_cast %get3A_233 : vector<1x16xi32> to vector<16xi32>
      %shift_right_logical3A_235 = arith.constant 16 : i32
      %shift_right_logical3A_236 = vector.broadcast %shift_right_logical3A_235 : i32 to vector<16xi32>
      %shift_right_logical3A_237 = arith.shrui %get3A_234, %shift_right_logical3A_236 : vector<16xi32>
      %swap3A_238 = arith.index_cast %rem3A_90 : i32 to index
      %swap3A_239 = arith.constant 96 : index
      %swap3A_240 = tpu.vector_load %arg7[%swap3A_238, %swap3A_239] {strides = array<i32>} : memref<4x128xi32, #tpu.memory_space<vmem>>, vector<1x16xi32>,
      %swap3A_241 = vector.shape_cast %swap3A_240 : vector<1x16xi32> to vector<16xi32>
      %swap3A_242 = vector.shape_cast %shift_right_logical3A_237 : vector<16xi32> to vector<1x16xi32>
      tpu.vector_store %arg7[%swap3A_238, %swap3A_239], %swap3A_242 {strides = array<i32>} : memref<4x128xi32, #tpu.memory_space<vmem>>, vector<1x16xi32>,
      %and3A_243 = arith.constant 65535 : i32
      %and3A_244 = vector.broadcast %and3A_243 : i32 to vector<16xi32>
      %and3A_245 = arith.andi %get3A_234, %and3A_244 : vector<16xi32>
      %add3A_246 = vector.broadcast %mul3A_4 : i32 to vector<16xi32>
      %add3A_247 = arith.addi %and3A_245, %add3A_246 : vector<16xi32>
      %swap3A_248 = arith.index_cast %rem3A_90 : i32 to index
      %swap3A_249 = arith.constant 96 : index
      %swap3A_250 = tpu.vector_load %arg8[%swap3A_248, %swap3A_249] {strides = array<i32>} : memref<4x128xi32, #tpu.memory_space<vmem>>, vector<1x16xi32>,
      %swap3A_251 = vector.shape_cast %swap3A_250 : vector<1x16xi32> to vector<16xi32>
      %swap3A_252 = vector.shape_cast %add3A_247 : vector<16xi32> to vector<1x16xi32>
      tpu.vector_store %arg8[%swap3A_248, %swap3A_249], %swap3A_252 {strides = array<i32>} : memref<4x128xi32, #tpu.memory_space<vmem>>, vector<1x16xi32>,
      %get3A_253 = arith.index_cast %rem3A_90 : i32 to index
      %get3A_254 = arith.constant 112 : index
      %get3A_255 = tpu.vector_load %arg6[%get3A_253, %get3A_254] {strides = array<i32>} : memref<4x128xi32, #tpu.memory_space<vmem>>, vector<1x16xi32>,
      %get3A_256 = vector.shape_cast %get3A_255 : vector<1x16xi32> to vector<16xi32>
      %shift_right_logical3A_257 = arith.constant 16 : i32
      %shift_right_logical3A_258 = vector.broadcast %shift_right_logical3A_257 : i32 to vector<16xi32>
      %shift_right_logical3A_259 = arith.shrui %get3A_256, %shift_right_logical3A_258 : vector<16xi32>
      %swap3A_260 = arith.index_cast %rem3A_90 : i32 to index
      %swap3A_261 = arith.constant 112 : index
      %swap3A_262 = tpu.vector_load %arg7[%swap3A_260, %swap3A_261] {strides = array<i32>} : memref<4x128xi32, #tpu.memory_space<vmem>>, vector<1x16xi32>,
      %swap3A_263 = vector.shape_cast %swap3A_262 : vector<1x16xi32> to vector<16xi32>
      %swap3A_264 = vector.shape_cast %shift_right_logical3A_259 : vector<16xi32> to vector<1x16xi32>
      tpu.vector_store %arg7[%swap3A_260, %swap3A_261], %swap3A_264 {strides = array<i32>} : memref<4x128xi32, #tpu.memory_space<vmem>>, vector<1x16xi32>,
      %and3A_265 = arith.constant 65535 : i32
      %and3A_266 = vector.broadcast %and3A_265 : i32 to vector<16xi32>
      %and3A_267 = arith.andi %get3A_256, %and3A_266 : vector<16xi32>
      %add3A_268 = vector.broadcast %mul3A_4 : i32 to vector<16xi32>
      %add3A_269 = arith.addi %and3A_267, %add3A_268 : vector<16xi32>
      %swap3A_270 = arith.index_cast %rem3A_90 : i32 to index
      %swap3A_271 = arith.constant 112 : index
      %swap3A_272 = tpu.vector_load %arg8[%swap3A_270, %swap3A_271] {strides = array<i32>} : memref<4x128xi32, #tpu.memory_space<vmem>>, vector<1x16xi32>,
      %swap3A_273 = vector.shape_cast %swap3A_272 : vector<1x16xi32> to vector<16xi32>
      %swap3A_274 = vector.shape_cast %add3A_269 : vector<16xi32> to vector<1x16xi32>
      tpu.vector_store %arg8[%swap3A_270, %swap3A_271], %swap3A_274 {strides = array<i32>} : memref<4x128xi32, #tpu.memory_space<vmem>>, vector<1x16xi32>,
      %dma_start3A_275 = arith.constant 0 : i32
      %dma_start3A_276 = arith.constant 0 : i32
      %dma_start3A_277 = tpu.memref_slice %arg9[%rem3A_90, %dma_start3A_275, %dma_start3A_276] : memref<4x128x32xf32, #tpu.memory_space<vmem>> -> memref<1x128x32xf32, #tpu.memory_space<vmem>>
      %dma_start3A_278 = tpu.memref_squeeze %dma_start3A_277 : memref<1x128x32xf32, #tpu.memory_space<vmem>> -> memref<128x32xf32, #tpu.memory_space<vmem>>
      %dma_start3A_279 = arith.constant 0 : i32
      %dma_start3A_280 = tpu.memref_slice %arg8[%rem3A_90, %dma_start3A_279] : memref<4x128xi32, #tpu.memory_space<vmem>> -> memref<1x128xi32, #tpu.memory_space<vmem>>
      %dma_start3A_281 = tpu.memref_squeeze %dma_start3A_280 : memref<1x128xi32, #tpu.memory_space<vmem>> -> memref<128xi32, #tpu.memory_space<vmem>>
      %dma_start3A_282 = arith.constant 0 : i32
      %dma_start3A_283 = arith.constant 0 : i32
      %dma_start3A_284 = tpu.memref_slice %arg3[%dma_start3A_282, %dma_start3A_283] : memref<100000x32xf32, #tpu.memory_space<hbm>> -> memref<100000x32xf32, #tpu.memory_space<hbm>>
      %dma_start3A_285 = tpu.memref_slice %arg12[%rem3A_90] : memref<4x!tpu.dma_semaphore, #tpu.memory_space<semaphore_mem>> -> memref<1x!tpu.dma_semaphore, #tpu.memory_space<semaphore_mem>>
      %dma_start3A_286 = tpu.memref_squeeze %dma_start3A_285 : memref<1x!tpu.dma_semaphore, #tpu.memory_space<semaphore_mem>> -> memref<!tpu.dma_semaphore, #tpu.memory_space<semaphore_mem>>
      tpu.enqueue_indirect_dma source(%dma_start3A_284 : memref<100000x32xf32, #tpu.memory_space<hbm>>) target(%dma_start3A_278 : memref<128x32xf32, #tpu.memory_space<vmem>>) offsets(%dma_start3A_281 : memref<128xi32, #tpu.memory_space<vmem>>) semaphore(%dma_start3A_286 : memref<!tpu.dma_semaphore, #tpu.memory_space<semaphore_mem>>)
      %dma_wait3A_287 = arith.constant 0 : i32
      %dma_wait3A_288 = arith.constant 0 : i32
      %dma_wait3A_289 = tpu.memref_slice %arg9[%rem3A_88, %dma_wait3A_287, %dma_wait3A_288] : memref<4x128x32xf32, #tpu.memory_space<vmem>> -> memref<1x128x32xf32, #tpu.memory_space<vmem>>
      %dma_wait3A_290 = tpu.memref_squeeze %dma_wait3A_289 : memref<1x128x32xf32, #tpu.memory_space<vmem>> -> memref<128x32xf32, #tpu.memory_space<vmem>>
      %dma_wait3A_291 = arith.constant 0 : i32
      %dma_wait3A_292 = tpu.memref_slice %arg8[%rem3A_88, %dma_wait3A_291] : memref<4x128xi32, #tpu.memory_space<vmem>> -> memref<1x128xi32, #tpu.memory_space<vmem>>
      %dma_wait3A_293 = tpu.memref_squeeze %dma_wait3A_292 : memref<1x128xi32, #tpu.memory_space<vmem>> -> memref<128xi32, #tpu.memory_space<vmem>>
      %dma_wait3A_294 = arith.constant 0 : i32
      %dma_wait3A_295 = arith.constant 0 : i32
      %dma_wait3A_296 = tpu.memref_slice %arg3[%dma_wait3A_294, %dma_wait3A_295] : memref<100000x32xf32, #tpu.memory_space<hbm>> -> memref<100000x32xf32, #tpu.memory_space<hbm>>
      %dma_wait3A_297 = tpu.memref_slice %arg12[%rem3A_88] : memref<4x!tpu.dma_semaphore, #tpu.memory_space<semaphore_mem>> -> memref<1x!tpu.dma_semaphore, #tpu.memory_space<semaphore_mem>>
      %dma_wait3A_298 = tpu.memref_squeeze %dma_wait3A_297 : memref<1x!tpu.dma_semaphore, #tpu.memory_space<semaphore_mem>> -> memref<!tpu.dma_semaphore, #tpu.memory_space<semaphore_mem>>
      tpu.wait_indirect_dma semaphore(%dma_wait3A_298 : memref<!tpu.dma_semaphore, #tpu.memory_space<semaphore_mem>>) src(%dma_wait3A_296 : memref<100000x32xf32, #tpu.memory_space<hbm>>) dst(%dma_wait3A_290 : memref<128x32xf32, #tpu.memory_space<vmem>>)
      %dma_start3A_299 = arith.constant 0 : i32
      %dma_start3A_300 = arith.constant 0 : i32
      %dma_start3A_301 = tpu.memref_slice %arg9[%rem3A_88, %dma_start3A_299, %dma_start3A_300] : memref<4x128x32xf32, #tpu.memory_space<vmem>> -> memref<1x128x32xf32, #tpu.memory_space<vmem>>
      %dma_start3A_302 = tpu.memref_squeeze %dma_start3A_301 : memref<1x128x32xf32, #tpu.memory_space<vmem>> -> memref<128x32xf32, #tpu.memory_space<vmem>>
      %dma_start3A_303 = arith.constant 0 : i32
      %dma_start3A_304 = tpu.memref_slice %arg7[%rem3A_88, %dma_start3A_303] : memref<4x128xi32, #tpu.memory_space<vmem>> -> memref<1x128xi32, #tpu.memory_space<vmem>>
      %dma_start3A_305 = tpu.memref_squeeze %dma_start3A_304 : memref<1x128xi32, #tpu.memory_space<vmem>> -> memref<128xi32, #tpu.memory_space<vmem>>
      %dma_start3A_306 = arith.constant 0 : i32
      %dma_start3A_307 = arith.constant 0 : i32
      %dma_start3A_308 = tpu.memref_slice %arg10[%dma_start3A_306, %dma_start3A_307] : memref<50008x32xf32, #tpu.memory_space<vmem_shared>> -> memref<50008x32xf32, #tpu.memory_space<vmem_shared>>
      %dma_start3A_309 = tpu.memref_slice %arg13[%rem3A_88] : memref<4x!tpu.dma_semaphore, #tpu.memory_space<semaphore_mem>> -> memref<1x!tpu.dma_semaphore, #tpu.memory_space<semaphore_mem>>
      %dma_start3A_310 = tpu.memref_squeeze %dma_start3A_309 : memref<1x!tpu.dma_semaphore, #tpu.memory_space<semaphore_mem>> -> memref<!tpu.dma_semaphore, #tpu.memory_space<semaphore_mem>>
      tpu.enqueue_indirect_dma source(%dma_start3A_302 : memref<128x32xf32, #tpu.memory_space<vmem>>) target(%dma_start3A_308 : memref<50008x32xf32, #tpu.memory_space<vmem_shared>>) offsets(%dma_start3A_305 : memref<128xi32, #tpu.memory_space<vmem>>) semaphore(%dma_start3A_310 : memref<!tpu.dma_semaphore, #tpu.memory_space<semaphore_mem>>) {add = true}
      %dma_wait3A_311 = arith.constant 0 : i32
      %dma_wait3A_312 = arith.constant 0 : i32
      %dma_wait3A_313 = tpu.memref_slice %arg9[%rem3A_88, %dma_wait3A_311, %dma_wait3A_312] : memref<4x128x32xf32, #tpu.memory_space<vmem>> -> memref<1x128x32xf32, #tpu.memory_space<vmem>>
      %dma_wait3A_314 = tpu.memref_squeeze %dma_wait3A_313 : memref<1x128x32xf32, #tpu.memory_space<vmem>> -> memref<128x32xf32, #tpu.memory_space<vmem>>
      %dma_wait3A_315 = arith.constant 0 : i32
      %dma_wait3A_316 = tpu.memref_slice %arg7[%rem3A_88, %dma_wait3A_315] : memref<4x128xi32, #tpu.memory_space<vmem>> -> memref<1x128xi32, #tpu.memory_space<vmem>>
      %dma_wait3A_317 = tpu.memref_squeeze %dma_wait3A_316 : memref<1x128xi32, #tpu.memory_space<vmem>> -> memref<128xi32, #tpu.memory_space<vmem>>
      %dma_wait3A_318 = arith.constant 0 : i32
      %dma_wait3A_319 = arith.constant 0 : i32
      %dma_wait3A_320 = tpu.memref_slice %arg10[%dma_wait3A_318, %dma_wait3A_319] : memref<50008x32xf32, #tpu.memory_space<vmem_shared>> -> memref<50008x32xf32, #tpu.memory_space<vmem_shared>>
      %dma_wait3A_321 = tpu.memref_slice %arg13[%rem3A_88] : memref<4x!tpu.dma_semaphore, #tpu.memory_space<semaphore_mem>> -> memref<1x!tpu.dma_semaphore, #tpu.memory_space<semaphore_mem>>
      %dma_wait3A_322 = tpu.memref_squeeze %dma_wait3A_321 : memref<1x!tpu.dma_semaphore, #tpu.memory_space<semaphore_mem>> -> memref<!tpu.dma_semaphore, #tpu.memory_space<semaphore_mem>>
      tpu.wait_indirect_dma semaphore(%dma_wait3A_322 : memref<!tpu.dma_semaphore, #tpu.memory_space<semaphore_mem>>) src(%dma_wait3A_314 : memref<128x32xf32, #tpu.memory_space<vmem>>) dst(%dma_wait3A_320 : memref<50008x32xf32, #tpu.memory_space<vmem_shared>>)
      %add3A_323 = arith.constant 4 : i32
      %add3A_324 = arith.addi %scan3A_86, %add3A_323 : i32
      %lt3A = arith.constant 392 : i32
      %lt3A_325 = arith.cmpi slt, %add3A_324, %lt3A : i32
      %convert_element_type3A_326 = arith.extui %lt3A_325 : i1 to i32
      %cond3A_327 = arith.constant 0 : i32
      %cond3A_328 = arith.cmpi ne, %convert_element_type3A_326, %cond3A_327 : i32
      scf.if %cond3A_328 {
        %rem3A_329 = arith.constant 4 : i32
        %rem3A_330 = arith.remsi %add3A_324, %rem3A_329 : i32
        %mul3A_331 = arith.constant 128 : i32
        %mul3A_332 = arith.muli %add3A_324, %mul3A_331 : i32
        %add3A_333 = arith.addi %mul3A_2, %mul3A_332 : i32
        %dma_start3A_334 = arith.constant 0 : i32
        %dma_start3A_335 = tpu.memref_slice %arg6[%rem3A_330, %dma_start3A_334] : memref<4x128xi32, #tpu.memory_space<vmem>> -> memref<1x128xi32, #tpu.memory_space<vmem>>
        %dma_start3A_336 = tpu.memref_squeeze %dma_start3A_335 : memref<1x128xi32, #tpu.memory_space<vmem>> -> memref<128xi32, #tpu.memory_space<vmem>>
        %dma_start3A_337 = tpu.memref_slice %arg2[%add3A_333] : memref<802816xi32, #tpu.memory_space<hbm>> -> memref<128xi32, #tpu.memory_space<hbm>>
        %dma_start3A_338 = tpu.memref_slice %arg11[%rem3A_330] : memref<4x!tpu.dma_semaphore, #tpu.memory_space<semaphore_mem>> -> memref<1x!tpu.dma_semaphore, #tpu.memory_space<semaphore_mem>>
        %dma_start3A_339 = tpu.memref_squeeze %dma_start3A_338 : memref<1x!tpu.dma_semaphore, #tpu.memory_space<semaphore_mem>> -> memref<!tpu.dma_semaphore, #tpu.memory_space<semaphore_mem>>
        %dma_start3A_340 = arith.constant 0 : i32
        %dma_start3A_341 = tpu.memref_slice %arg6[%rem3A_330, %dma_start3A_340] : memref<4x128xi32, #tpu.memory_space<vmem>> -> memref<1x128xi32, #tpu.memory_space<vmem>>
        %dma_start3A_342 = tpu.memref_squeeze %dma_start3A_341 : memref<1x128xi32, #tpu.memory_space<vmem>> -> memref<128xi32, #tpu.memory_space<vmem>>
        %dma_start3A_343 = tpu.memref_slice %arg2[%add3A_333] : memref<802816xi32, #tpu.memory_space<hbm>> -> memref<128xi32, #tpu.memory_space<hbm>>
        tpu.enqueue_dma source(%dma_start3A_343 : memref<128xi32, #tpu.memory_space<hbm>>) target(%dma_start3A_342 : memref<128xi32, #tpu.memory_space<vmem>>) target_semaphore(%dma_start3A_339 : memref<!tpu.dma_semaphore, #tpu.memory_space<semaphore_mem>>)
      } else {
      }
    }
    %scan3A_79 = arith.constant 392 : i32
    %barrier3A_80 = arith.constant 0 : index
    tpu.barrier barrier_id(%barrier3A_80)
    %eq3A_81 = arith.constant 0 : i32
    %eq3A_82 = arith.cmpi eq, %arg1, %eq3A_81 : i32
    %convert_element_type3A_83 = arith.extui %eq3A_82 : i1 to i32
    %cond3A_84 = arith.constant 0 : i32
    %cond3A_85 = arith.cmpi ne, %convert_element_type3A_83, %cond3A_84 : i32
    scf.if %cond3A_85 {
      "tpu.region"() ({
        %run_scoped3A = tpu.sem_alloc : memref<!tpu.dma_semaphore, #tpu.memory_space<semaphore_mem>>
        %dma_start3A_86 = arith.constant 0 : i32
        %dma_start3A_87 = arith.constant 0 : i32
        %dma_start3A_88 = tpu.memref_slice %arg5[%arg0, %dma_start3A_86, %dma_start3A_87] : memref<2x50008x32xf32, #tpu.memory_space<hbm>> -> memref<1x50008x32xf32, #tpu.memory_space<hbm>>
        %dma_start3A_89 = tpu.memref_squeeze %dma_start3A_88 : memref<1x50008x32xf32, #tpu.memory_space<hbm>> -> memref<50008x32xf32, #tpu.memory_space<hbm>>
        tpu.enqueue_dma source(%arg10 : memref<50008x32xf32, #tpu.memory_space<vmem_shared>>) target(%dma_start3A_89 : memref<50008x32xf32, #tpu.memory_space<hbm>>) target_semaphore(%run_scoped3A : memref<!tpu.dma_semaphore, #tpu.memory_space<semaphore_mem>>)
        %dma_wait3A = arith.constant 0 : i32
        %dma_wait3A_90 = arith.constant 0 : i32
        %dma_wait3A_91 = tpu.memref_slice %arg5[%arg0, %dma_wait3A, %dma_wait3A_90] : memref<2x50008x32xf32, #tpu.memory_space<hbm>> -> memref<1x50008x32xf32, #tpu.memory_space<hbm>>
        %dma_wait3A_92 = tpu.memref_squeeze %dma_wait3A_91 : memref<1x50008x32xf32, #tpu.memory_space<hbm>> -> memref<50008x32xf32, #tpu.memory_space<hbm>>
        tpu.wait_dma2 semaphore(%run_scoped3A : memref<!tpu.dma_semaphore, #tpu.memory_space<semaphore_mem>>) src(%arg10 : memref<50008x32xf32, #tpu.memory_space<vmem_shared>>) dst(%dma_wait3A_92 : memref<50008x32xf32, #tpu.memory_space<hbm>>)
        tpu.yield
      }) : () -> ()
    } else {
    }
    return
  }
}

#map = affine_map<(d0, d1) -> (0)>
#map1 = affine_map<(d0, d1) -> (0, 0)>
#map2 = affine_map<(d0, d1) -> (0, 0, 0)>
module attributes {stable_mosaic.version = 14 : i64} {
  func.func @_hist_body(%arg0: i32, %arg1: i32, %arg2: memref<802816xi32, #tpu.memory_space<hbm>>, %arg3: memref<128x8xf32, #tpu.memory_space<hbm>>, %arg4: memref<50008x8xf32, #tpu.memory_space<hbm>>, %arg5: memref<2x50008x8xf32, #tpu.memory_space<hbm>>, %arg6: memref<25088xi32, #tpu.memory_space<vmem>>, %arg7: memref<4x128xi32, #tpu.memory_space<vmem>>, %arg8: memref<128x8xf32, #tpu.memory_space<vmem>>, %arg9: memref<50008x8xf32, #tpu.memory_space<vmem_shared>>, %arg10: memref<4x!tpu.dma_semaphore, #tpu.memory_space<semaphore_mem>>, %arg11: memref<!tpu.dma_semaphore, #tpu.memory_space<semaphore_mem>>) attributes {dimension_semantics = [#tpu.dimension_semantics<core_parallel>, #tpu.dimension_semantics<subcore_parallel>], iteration_bounds = array<i64: 2, 16>, scalar_prefetch = 0 : i64, scratch_operands = 6 : i64, tpu.core_type = #tpu.core_type<sc_vector_subcore>, window_params = [{transform_indices = #map}, {transform_indices = #map1}, {transform_indices = #map1}, {transform_indices = #map2}]} {
    %eq3A = arith.constant 0 : i32
    %eq3A_0 = arith.cmpi eq, %arg1, %eq3A : i32
    %convert_element_type3A = arith.extui %eq3A_0 : i1 to i32
    %cond3A = arith.constant 0 : i32
    %cond3A_1 = arith.cmpi ne, %convert_element_type3A, %cond3A : i32
    scf.if %cond3A_1 {
      tpu.enqueue_dma source(%arg4 : memref<50008x8xf32, #tpu.memory_space<hbm>>) target(%arg9 : memref<50008x8xf32, #tpu.memory_space<vmem_shared>>) target_semaphore(%arg11 : memref<!tpu.dma_semaphore, #tpu.memory_space<semaphore_mem>>)
    } else {
    }
    "tpu.region"() ({
      %run_scoped3A = tpu.sem_alloc : memref<!tpu.dma_semaphore, #tpu.memory_space<semaphore_mem>>
      tpu.enqueue_dma source(%arg3 : memref<128x8xf32, #tpu.memory_space<hbm>>) target(%arg8 : memref<128x8xf32, #tpu.memory_space<vmem>>) target_semaphore(%run_scoped3A : memref<!tpu.dma_semaphore, #tpu.memory_space<semaphore_mem>>)
      tpu.wait_dma2 semaphore(%run_scoped3A : memref<!tpu.dma_semaphore, #tpu.memory_space<semaphore_mem>>) src(%arg3 : memref<128x8xf32, #tpu.memory_space<hbm>>) dst(%arg8 : memref<128x8xf32, #tpu.memory_space<vmem>>)
      tpu.yield
    }) : () -> ()
    %mul3A = arith.constant 16 : i32
    %mul3A_2 = arith.muli %arg0, %mul3A : i32
    %add3A = arith.addi %mul3A_2, %arg1 : i32
    %mul3A_3 = arith.constant 25088 : i32
    %mul3A_4 = arith.muli %add3A, %mul3A_3 : i32
    "tpu.region"() ({
      %run_scoped3A = tpu.sem_alloc : memref<!tpu.dma_semaphore, #tpu.memory_space<semaphore_mem>>
      %dma_start3A = tpu.memref_slice %arg2[%mul3A_4] : memref<802816xi32, #tpu.memory_space<hbm>> -> memref<25088xi32, #tpu.memory_space<hbm>>
      %dma_start3A_27 = tpu.memref_slice %arg2[%mul3A_4] : memref<802816xi32, #tpu.memory_space<hbm>> -> memref<25088xi32, #tpu.memory_space<hbm>>
      tpu.enqueue_dma source(%dma_start3A_27 : memref<25088xi32, #tpu.memory_space<hbm>>) target(%arg6 : memref<25088xi32, #tpu.memory_space<vmem>>) target_semaphore(%run_scoped3A : memref<!tpu.dma_semaphore, #tpu.memory_space<semaphore_mem>>)
      %dma_wait3A = tpu.memref_slice %arg2[%mul3A_4] : memref<802816xi32, #tpu.memory_space<hbm>> -> memref<25088xi32, #tpu.memory_space<hbm>>
      %dma_wait3A_28 = tpu.memref_slice %arg2[%mul3A_4] : memref<802816xi32, #tpu.memory_space<hbm>> -> memref<25088xi32, #tpu.memory_space<hbm>>
      tpu.wait_dma2 semaphore(%run_scoped3A : memref<!tpu.dma_semaphore, #tpu.memory_space<semaphore_mem>>) src(%dma_wait3A_28 : memref<25088xi32, #tpu.memory_space<hbm>>) dst(%arg6 : memref<25088xi32, #tpu.memory_space<vmem>>)
      tpu.yield
    }) : () -> ()
    %eq3A_5 = arith.constant 0 : i32
    %eq3A_6 = arith.cmpi eq, %arg1, %eq3A_5 : i32
    %convert_element_type3A_7 = arith.extui %eq3A_6 : i1 to i32
    %cond3A_8 = arith.constant 0 : i32
    %cond3A_9 = arith.cmpi ne, %convert_element_type3A_7, %cond3A_8 : i32
    scf.if %cond3A_9 {
      tpu.wait_dma2 semaphore(%arg11 : memref<!tpu.dma_semaphore, #tpu.memory_space<semaphore_mem>>) src(%arg4 : memref<50008x8xf32, #tpu.memory_space<hbm>>) dst(%arg9 : memref<50008x8xf32, #tpu.memory_space<vmem_shared>>)
    } else {
    }
    %barrier3A = arith.constant 0 : index
    tpu.barrier barrier_id(%barrier3A)
    %scan3A = arith.constant 0 : i32
    %scan3A_10 = arith.constant 0 : i32
    %scan3A_11 = arith.constant 196 : i32
    %scan3A_12 = arith.addi %scan3A_10, %scan3A_11 : i32
    %scan3A_13 = arith.constant 1 : i32
    scf.for %scan3A_27 = %scan3A_10 to %scan3A_12 step %scan3A_13  : i32 {
      %rem3A = arith.constant 4 : i32
      %rem3A_28 = arith.remsi %scan3A_27, %rem3A : i32
      %ge3A = arith.constant 4 : i32
      %ge3A_29 = arith.cmpi sge, %scan3A_27, %ge3A : i32
      %convert_element_type3A_30 = arith.extui %ge3A_29 : i1 to i32
      %cond3A_31 = arith.constant 0 : i32
      %cond3A_32 = arith.cmpi ne, %convert_element_type3A_30, %cond3A_31 : i32
      scf.if %cond3A_32 {
        %dma_wait3A = arith.constant 0 : i32
        %dma_wait3A_157 = tpu.memref_slice %arg7[%rem3A_28, %dma_wait3A] : memref<4x128xi32, #tpu.memory_space<vmem>> -> memref<1x128xi32, #tpu.memory_space<vmem>>
        %dma_wait3A_158 = tpu.memref_squeeze %dma_wait3A_157 : memref<1x128xi32, #tpu.memory_space<vmem>> -> memref<128xi32, #tpu.memory_space<vmem>>
        %dma_wait3A_159 = arith.constant 0 : i32
        %dma_wait3A_160 = arith.constant 0 : i32
        %dma_wait3A_161 = tpu.memref_slice %arg9[%dma_wait3A_159, %dma_wait3A_160] : memref<50008x8xf32, #tpu.memory_space<vmem_shared>> -> memref<50008x8xf32, #tpu.memory_space<vmem_shared>>
        %dma_wait3A_162 = tpu.memref_slice %arg10[%rem3A_28] : memref<4x!tpu.dma_semaphore, #tpu.memory_space<semaphore_mem>> -> memref<1x!tpu.dma_semaphore, #tpu.memory_space<semaphore_mem>>
        %dma_wait3A_163 = tpu.memref_squeeze %dma_wait3A_162 : memref<1x!tpu.dma_semaphore, #tpu.memory_space<semaphore_mem>> -> memref<!tpu.dma_semaphore, #tpu.memory_space<semaphore_mem>>
        tpu.wait_indirect_dma semaphore(%dma_wait3A_163 : memref<!tpu.dma_semaphore, #tpu.memory_space<semaphore_mem>>) src(%arg8 : memref<128x8xf32, #tpu.memory_space<vmem>>) dst(%dma_wait3A_161 : memref<50008x8xf32, #tpu.memory_space<vmem_shared>>)
      } else {
      }
      %mul3A_33 = arith.constant 128 : i32
      %mul3A_34 = arith.muli %scan3A_27, %mul3A_33 : i32
      %add3A_35 = arith.constant 0 : i32
      %add3A_36 = arith.addi %mul3A_34, %add3A_35 : i32
      %get3A = arith.index_cast %add3A_36 : i32 to index
      %get3A_37 = tpu.vector_load %arg6[%get3A] {strides = array<i32>} : memref<25088xi32, #tpu.memory_space<vmem>>, vector<16xi32>,
      %get3A_38 = vector.shape_cast %get3A_37 : vector<16xi32> to vector<16xi32>
      %shift_right_logical3A = arith.constant 16 : i32
      %shift_right_logical3A_39 = vector.broadcast %shift_right_logical3A : i32 to vector<16xi32>
      %shift_right_logical3A_40 = arith.shrui %get3A_38, %shift_right_logical3A_39 : vector<16xi32>
      %swap3A = arith.index_cast %rem3A_28 : i32 to index
      %swap3A_41 = arith.constant 0 : index
      %swap3A_42 = tpu.vector_load %arg7[%swap3A, %swap3A_41] {strides = array<i32>} : memref<4x128xi32, #tpu.memory_space<vmem>>, vector<1x16xi32>,
      %swap3A_43 = vector.shape_cast %swap3A_42 : vector<1x16xi32> to vector<16xi32>
      %swap3A_44 = vector.shape_cast %shift_right_logical3A_40 : vector<16xi32> to vector<1x16xi32>
      tpu.vector_store %arg7[%swap3A, %swap3A_41], %swap3A_44 {strides = array<i32>} : memref<4x128xi32, #tpu.memory_space<vmem>>, vector<1x16xi32>,
      %mul3A_45 = arith.constant 128 : i32
      %mul3A_46 = arith.muli %scan3A_27, %mul3A_45 : i32
      %add3A_47 = arith.constant 16 : i32
      %add3A_48 = arith.addi %mul3A_46, %add3A_47 : i32
      %get3A_49 = arith.index_cast %add3A_48 : i32 to index
      %get3A_50 = tpu.vector_load %arg6[%get3A_49] {strides = array<i32>} : memref<25088xi32, #tpu.memory_space<vmem>>, vector<16xi32>,
      %get3A_51 = vector.shape_cast %get3A_50 : vector<16xi32> to vector<16xi32>
      %shift_right_logical3A_52 = arith.constant 16 : i32
      %shift_right_logical3A_53 = vector.broadcast %shift_right_logical3A_52 : i32 to vector<16xi32>
      %shift_right_logical3A_54 = arith.shrui %get3A_51, %shift_right_logical3A_53 : vector<16xi32>
      %swap3A_55 = arith.index_cast %rem3A_28 : i32 to index
      %swap3A_56 = arith.constant 16 : index
      %swap3A_57 = tpu.vector_load %arg7[%swap3A_55, %swap3A_56] {strides = array<i32>} : memref<4x128xi32, #tpu.memory_space<vmem>>, vector<1x16xi32>,
      %swap3A_58 = vector.shape_cast %swap3A_57 : vector<1x16xi32> to vector<16xi32>
      %swap3A_59 = vector.shape_cast %shift_right_logical3A_54 : vector<16xi32> to vector<1x16xi32>
      tpu.vector_store %arg7[%swap3A_55, %swap3A_56], %swap3A_59 {strides = array<i32>} : memref<4x128xi32, #tpu.memory_space<vmem>>, vector<1x16xi32>,
      %mul3A_60 = arith.constant 128 : i32
      %mul3A_61 = arith.muli %scan3A_27, %mul3A_60 : i32
      %add3A_62 = arith.constant 32 : i32
      %add3A_63 = arith.addi %mul3A_61, %add3A_62 : i32
      %get3A_64 = arith.index_cast %add3A_63 : i32 to index
      %get3A_65 = tpu.vector_load %arg6[%get3A_64] {strides = array<i32>} : memref<25088xi32, #tpu.memory_space<vmem>>, vector<16xi32>,
      %get3A_66 = vector.shape_cast %get3A_65 : vector<16xi32> to vector<16xi32>
      %shift_right_logical3A_67 = arith.constant 16 : i32
      %shift_right_logical3A_68 = vector.broadcast %shift_right_logical3A_67 : i32 to vector<16xi32>
      %shift_right_logical3A_69 = arith.shrui %get3A_66, %shift_right_logical3A_68 : vector<16xi32>
      %swap3A_70 = arith.index_cast %rem3A_28 : i32 to index
      %swap3A_71 = arith.constant 32 : index
      %swap3A_72 = tpu.vector_load %arg7[%swap3A_70, %swap3A_71] {strides = array<i32>} : memref<4x128xi32, #tpu.memory_space<vmem>>, vector<1x16xi32>,
      %swap3A_73 = vector.shape_cast %swap3A_72 : vector<1x16xi32> to vector<16xi32>
      %swap3A_74 = vector.shape_cast %shift_right_logical3A_69 : vector<16xi32> to vector<1x16xi32>
      tpu.vector_store %arg7[%swap3A_70, %swap3A_71], %swap3A_74 {strides = array<i32>} : memref<4x128xi32, #tpu.memory_space<vmem>>, vector<1x16xi32>,
      %mul3A_75 = arith.constant 128 : i32
      %mul3A_76 = arith.muli %scan3A_27, %mul3A_75 : i32
      %add3A_77 = arith.constant 48 : i32
      %add3A_78 = arith.addi %mul3A_76, %add3A_77 : i32
      %get3A_79 = arith.index_cast %add3A_78 : i32 to index
      %get3A_80 = tpu.vector_load %arg6[%get3A_79] {strides = array<i32>} : memref<25088xi32, #tpu.memory_space<vmem>>, vector<16xi32>,
      %get3A_81 = vector.shape_cast %get3A_80 : vector<16xi32> to vector<16xi32>
      %shift_right_logical3A_82 = arith.constant 16 : i32
      %shift_right_logical3A_83 = vector.broadcast %shift_right_logical3A_82 : i32 to vector<16xi32>
      %shift_right_logical3A_84 = arith.shrui %get3A_81, %shift_right_logical3A_83 : vector<16xi32>
      %swap3A_85 = arith.index_cast %rem3A_28 : i32 to index
      %swap3A_86 = arith.constant 48 : index
      %swap3A_87 = tpu.vector_load %arg7[%swap3A_85, %swap3A_86] {strides = array<i32>} : memref<4x128xi32, #tpu.memory_space<vmem>>, vector<1x16xi32>,
      %swap3A_88 = vector.shape_cast %swap3A_87 : vector<1x16xi32> to vector<16xi32>
      %swap3A_89 = vector.shape_cast %shift_right_logical3A_84 : vector<16xi32> to vector<1x16xi32>
      tpu.vector_store %arg7[%swap3A_85, %swap3A_86], %swap3A_89 {strides = array<i32>} : memref<4x128xi32, #tpu.memory_space<vmem>>, vector<1x16xi32>,
      %mul3A_90 = arith.constant 128 : i32
      %mul3A_91 = arith.muli %scan3A_27, %mul3A_90 : i32
      %add3A_92 = arith.constant 64 : i32
      %add3A_93 = arith.addi %mul3A_91, %add3A_92 : i32
      %get3A_94 = arith.index_cast %add3A_93 : i32 to index
      %get3A_95 = tpu.vector_load %arg6[%get3A_94] {strides = array<i32>} : memref<25088xi32, #tpu.memory_space<vmem>>, vector<16xi32>,
      %get3A_96 = vector.shape_cast %get3A_95 : vector<16xi32> to vector<16xi32>
      %shift_right_logical3A_97 = arith.constant 16 : i32
      %shift_right_logical3A_98 = vector.broadcast %shift_right_logical3A_97 : i32 to vector<16xi32>
      %shift_right_logical3A_99 = arith.shrui %get3A_96, %shift_right_logical3A_98 : vector<16xi32>
      %swap3A_100 = arith.index_cast %rem3A_28 : i32 to index
      %swap3A_101 = arith.constant 64 : index
      %swap3A_102 = tpu.vector_load %arg7[%swap3A_100, %swap3A_101] {strides = array<i32>} : memref<4x128xi32, #tpu.memory_space<vmem>>, vector<1x16xi32>,
      %swap3A_103 = vector.shape_cast %swap3A_102 : vector<1x16xi32> to vector<16xi32>
      %swap3A_104 = vector.shape_cast %shift_right_logical3A_99 : vector<16xi32> to vector<1x16xi32>
      tpu.vector_store %arg7[%swap3A_100, %swap3A_101], %swap3A_104 {strides = array<i32>} : memref<4x128xi32, #tpu.memory_space<vmem>>, vector<1x16xi32>,
      %mul3A_105 = arith.constant 128 : i32
      %mul3A_106 = arith.muli %scan3A_27, %mul3A_105 : i32
      %add3A_107 = arith.constant 80 : i32
      %add3A_108 = arith.addi %mul3A_106, %add3A_107 : i32
      %get3A_109 = arith.index_cast %add3A_108 : i32 to index
      %get3A_110 = tpu.vector_load %arg6[%get3A_109] {strides = array<i32>} : memref<25088xi32, #tpu.memory_space<vmem>>, vector<16xi32>,
      %get3A_111 = vector.shape_cast %get3A_110 : vector<16xi32> to vector<16xi32>
      %shift_right_logical3A_112 = arith.constant 16 : i32
      %shift_right_logical3A_113 = vector.broadcast %shift_right_logical3A_112 : i32 to vector<16xi32>
      %shift_right_logical3A_114 = arith.shrui %get3A_111, %shift_right_logical3A_113 : vector<16xi32>
      %swap3A_115 = arith.index_cast %rem3A_28 : i32 to index
      %swap3A_116 = arith.constant 80 : index
      %swap3A_117 = tpu.vector_load %arg7[%swap3A_115, %swap3A_116] {strides = array<i32>} : memref<4x128xi32, #tpu.memory_space<vmem>>, vector<1x16xi32>,
      %swap3A_118 = vector.shape_cast %swap3A_117 : vector<1x16xi32> to vector<16xi32>
      %swap3A_119 = vector.shape_cast %shift_right_logical3A_114 : vector<16xi32> to vector<1x16xi32>
      tpu.vector_store %arg7[%swap3A_115, %swap3A_116], %swap3A_119 {strides = array<i32>} : memref<4x128xi32, #tpu.memory_space<vmem>>, vector<1x16xi32>,
      %mul3A_120 = arith.constant 128 : i32
      %mul3A_121 = arith.muli %scan3A_27, %mul3A_120 : i32
      %add3A_122 = arith.constant 96 : i32
      %add3A_123 = arith.addi %mul3A_121, %add3A_122 : i32
      %get3A_124 = arith.index_cast %add3A_123 : i32 to index
      %get3A_125 = tpu.vector_load %arg6[%get3A_124] {strides = array<i32>} : memref<25088xi32, #tpu.memory_space<vmem>>, vector<16xi32>,
      %get3A_126 = vector.shape_cast %get3A_125 : vector<16xi32> to vector<16xi32>
      %shift_right_logical3A_127 = arith.constant 16 : i32
      %shift_right_logical3A_128 = vector.broadcast %shift_right_logical3A_127 : i32 to vector<16xi32>
      %shift_right_logical3A_129 = arith.shrui %get3A_126, %shift_right_logical3A_128 : vector<16xi32>
      %swap3A_130 = arith.index_cast %rem3A_28 : i32 to index
      %swap3A_131 = arith.constant 96 : index
      %swap3A_132 = tpu.vector_load %arg7[%swap3A_130, %swap3A_131] {strides = array<i32>} : memref<4x128xi32, #tpu.memory_space<vmem>>, vector<1x16xi32>,
      %swap3A_133 = vector.shape_cast %swap3A_132 : vector<1x16xi32> to vector<16xi32>
      %swap3A_134 = vector.shape_cast %shift_right_logical3A_129 : vector<16xi32> to vector<1x16xi32>
      tpu.vector_store %arg7[%swap3A_130, %swap3A_131], %swap3A_134 {strides = array<i32>} : memref<4x128xi32, #tpu.memory_space<vmem>>, vector<1x16xi32>,
      %mul3A_135 = arith.constant 128 : i32
      %mul3A_136 = arith.muli %scan3A_27, %mul3A_135 : i32
      %add3A_137 = arith.constant 112 : i32
      %add3A_138 = arith.addi %mul3A_136, %add3A_137 : i32
      %get3A_139 = arith.index_cast %add3A_138 : i32 to index
      %get3A_140 = tpu.vector_load %arg6[%get3A_139] {strides = array<i32>} : memref<25088xi32, #tpu.memory_space<vmem>>, vector<16xi32>,
      %get3A_141 = vector.shape_cast %get3A_140 : vector<16xi32> to vector<16xi32>
      %shift_right_logical3A_142 = arith.constant 16 : i32
      %shift_right_logical3A_143 = vector.broadcast %shift_right_logical3A_142 : i32 to vector<16xi32>
      %shift_right_logical3A_144 = arith.shrui %get3A_141, %shift_right_logical3A_143 : vector<16xi32>
      %swap3A_145 = arith.index_cast %rem3A_28 : i32 to index
      %swap3A_146 = arith.constant 112 : index
      %swap3A_147 = tpu.vector_load %arg7[%swap3A_145, %swap3A_146] {strides = array<i32>} : memref<4x128xi32, #tpu.memory_space<vmem>>, vector<1x16xi32>,
      %swap3A_148 = vector.shape_cast %swap3A_147 : vector<1x16xi32> to vector<16xi32>
      %swap3A_149 = vector.shape_cast %shift_right_logical3A_144 : vector<16xi32> to vector<1x16xi32>
      tpu.vector_store %arg7[%swap3A_145, %swap3A_146], %swap3A_149 {strides = array<i32>} : memref<4x128xi32, #tpu.memory_space<vmem>>, vector<1x16xi32>,
      %dma_start3A = arith.constant 0 : i32
      %dma_start3A_150 = tpu.memref_slice %arg7[%rem3A_28, %dma_start3A] : memref<4x128xi32, #tpu.memory_space<vmem>> -> memref<1x128xi32, #tpu.memory_space<vmem>>
      %dma_start3A_151 = tpu.memref_squeeze %dma_start3A_150 : memref<1x128xi32, #tpu.memory_space<vmem>> -> memref<128xi32, #tpu.memory_space<vmem>>
      %dma_start3A_152 = arith.constant 0 : i32
      %dma_start3A_153 = arith.constant 0 : i32
      %dma_start3A_154 = tpu.memref_slice %arg9[%dma_start3A_152, %dma_start3A_153] : memref<50008x8xf32, #tpu.memory_space<vmem_shared>> -> memref<50008x8xf32, #tpu.memory_space<vmem_shared>>
      %dma_start3A_155 = tpu.memref_slice %arg10[%rem3A_28] : memref<4x!tpu.dma_semaphore, #tpu.memory_space<semaphore_mem>> -> memref<1x!tpu.dma_semaphore, #tpu.memory_space<semaphore_mem>>
      %dma_start3A_156 = tpu.memref_squeeze %dma_start3A_155 : memref<1x!tpu.dma_semaphore, #tpu.memory_space<semaphore_mem>> -> memref<!tpu.dma_semaphore, #tpu.memory_space<semaphore_mem>>
      tpu.enqueue_indirect_dma source(%arg8 : memref<128x8xf32, #tpu.memory_space<vmem>>) target(%dma_start3A_154 : memref<50008x8xf32, #tpu.memory_space<vmem_shared>>) offsets(%dma_start3A_151 : memref<128xi32, #tpu.memory_space<vmem>>) semaphore(%dma_start3A_156 : memref<!tpu.dma_semaphore, #tpu.memory_space<semaphore_mem>>) {add = true}
    }
    %scan3A_14 = arith.constant 196 : i32
    %scan3A_15 = arith.constant 0 : i32
    %scan3A_16 = arith.constant 192 : i32
    %scan3A_17 = arith.constant 4 : i32
    %scan3A_18 = arith.addi %scan3A_16, %scan3A_17 : i32
    %scan3A_19 = arith.constant 1 : i32
    scf.for %scan3A_27 = %scan3A_16 to %scan3A_18 step %scan3A_19  : i32 {
      %rem3A = arith.constant 4 : i32
      %rem3A_28 = arith.remsi %scan3A_27, %rem3A : i32
      %dma_wait3A = arith.constant 0 : i32
      %dma_wait3A_29 = tpu.memref_slice %arg7[%rem3A_28, %dma_wait3A] : memref<4x128xi32, #tpu.memory_space<vmem>> -> memref<1x128xi32, #tpu.memory_space<vmem>>
      %dma_wait3A_30 = tpu.memref_squeeze %dma_wait3A_29 : memref<1x128xi32, #tpu.memory_space<vmem>> -> memref<128xi32, #tpu.memory_space<vmem>>
      %dma_wait3A_31 = arith.constant 0 : i32
      %dma_wait3A_32 = arith.constant 0 : i32
      %dma_wait3A_33 = tpu.memref_slice %arg9[%dma_wait3A_31, %dma_wait3A_32] : memref<50008x8xf32, #tpu.memory_space<vmem_shared>> -> memref<50008x8xf32, #tpu.memory_space<vmem_shared>>
      %dma_wait3A_34 = tpu.memref_slice %arg10[%rem3A_28] : memref<4x!tpu.dma_semaphore, #tpu.memory_space<semaphore_mem>> -> memref<1x!tpu.dma_semaphore, #tpu.memory_space<semaphore_mem>>
      %dma_wait3A_35 = tpu.memref_squeeze %dma_wait3A_34 : memref<1x!tpu.dma_semaphore, #tpu.memory_space<semaphore_mem>> -> memref<!tpu.dma_semaphore, #tpu.memory_space<semaphore_mem>>
      tpu.wait_indirect_dma semaphore(%dma_wait3A_35 : memref<!tpu.dma_semaphore, #tpu.memory_space<semaphore_mem>>) src(%arg8 : memref<128x8xf32, #tpu.memory_space<vmem>>) dst(%dma_wait3A_33 : memref<50008x8xf32, #tpu.memory_space<vmem_shared>>)
    }
    %scan3A_20 = arith.constant 4 : i32
    %barrier3A_21 = arith.constant 0 : index
    tpu.barrier barrier_id(%barrier3A_21)
    %eq3A_22 = arith.constant 0 : i32
    %eq3A_23 = arith.cmpi eq, %arg1, %eq3A_22 : i32
    %convert_element_type3A_24 = arith.extui %eq3A_23 : i1 to i32
    %cond3A_25 = arith.constant 0 : i32
    %cond3A_26 = arith.cmpi ne, %convert_element_type3A_24, %cond3A_25 : i32
    scf.if %cond3A_26 {
      "tpu.region"() ({
        %run_scoped3A = tpu.sem_alloc : memref<!tpu.dma_semaphore, #tpu.memory_space<semaphore_mem>>
        %dma_start3A = arith.constant 0 : i32
        %dma_start3A_27 = arith.constant 0 : i32
        %dma_start3A_28 = tpu.memref_slice %arg5[%arg0, %dma_start3A, %dma_start3A_27] : memref<2x50008x8xf32, #tpu.memory_space<hbm>> -> memref<1x50008x8xf32, #tpu.memory_space<hbm>>
        %dma_start3A_29 = tpu.memref_squeeze %dma_start3A_28 : memref<1x50008x8xf32, #tpu.memory_space<hbm>> -> memref<50008x8xf32, #tpu.memory_space<hbm>>
        tpu.enqueue_dma source(%arg9 : memref<50008x8xf32, #tpu.memory_space<vmem_shared>>) target(%dma_start3A_29 : memref<50008x8xf32, #tpu.memory_space<hbm>>) target_semaphore(%run_scoped3A : memref<!tpu.dma_semaphore, #tpu.memory_space<semaphore_mem>>)
        %dma_wait3A = arith.constant 0 : i32
        %dma_wait3A_30 = arith.constant 0 : i32
        %dma_wait3A_31 = tpu.memref_slice %arg5[%arg0, %dma_wait3A, %dma_wait3A_30] : memref<2x50008x8xf32, #tpu.memory_space<hbm>> -> memref<1x50008x8xf32, #tpu.memory_space<hbm>>
        %dma_wait3A_32 = tpu.memref_squeeze %dma_wait3A_31 : memref<1x50008x8xf32, #tpu.memory_space<hbm>> -> memref<50008x8xf32, #tpu.memory_space<hbm>>
        tpu.wait_dma2 semaphore(%run_scoped3A : memref<!tpu.dma_semaphore, #tpu.memory_space<semaphore_mem>>) src(%arg9 : memref<50008x8xf32, #tpu.memory_space<vmem_shared>>) dst(%dma_wait3A_32 : memref<50008x8xf32, #tpu.memory_space<hbm>>)
        tpu.yield
      }) : () -> ()
    } else {
    }
    return
  }
}

#map = affine_map<(d0, d1) -> (0)>
#map1 = affine_map<(d0, d1) -> (0, 0)>
#map2 = affine_map<(d0, d1) -> (0, 0, 0)>
module attributes {stable_mosaic.version = 14 : i64} {
  func.func @_conv_body(%arg0: i32, %arg1: i32, %arg2: memref<802816xi32, #tpu.memory_space<hbm>>, %arg3: memref<100000x32xf32, #tpu.memory_space<hbm>>, %arg4: memref<50008x32xf32, #tpu.memory_space<hbm>>, %arg5: memref<2x50008x32xf32, #tpu.memory_space<hbm>>, %arg6: memref<4x128xi32, #tpu.memory_space<vmem>>, %arg7: memref<4x128xi32, #tpu.memory_space<vmem>>, %arg8: memref<4x128xi32, #tpu.memory_space<vmem>>, %arg9: memref<4x128x32xf32, #tpu.memory_space<vmem>>, %arg10: memref<50008x32xf32, #tpu.memory_space<vmem_shared>>, %arg11: memref<4x!tpu.dma_semaphore, #tpu.memory_space<semaphore_mem>>, %arg12: memref<4x!tpu.dma_semaphore, #tpu.memory_space<semaphore_mem>>, %arg13: memref<4x!tpu.dma_semaphore, #tpu.memory_space<semaphore_mem>>, %arg14: memref<!tpu.dma_semaphore, #tpu.memory_space<semaphore_mem>>) attributes {dimension_semantics = [#tpu.dimension_semantics<core_parallel>, #tpu.dimension_semantics<subcore_parallel>], iteration_bounds = array<i64: 2, 16>, scalar_prefetch = 0 : i64, scratch_operands = 9 : i64, tpu.core_type = #tpu.core_type<sc_vector_subcore>, window_params = [{transform_indices = #map}, {transform_indices = #map1}, {transform_indices = #map1}, {transform_indices = #map2}]} {
    %eq3A = arith.constant 0 : i32
    %eq3A_0 = arith.cmpi eq, %arg1, %eq3A : i32
    %convert_element_type3A = arith.extui %eq3A_0 : i1 to i32
    %cond3A = arith.constant 0 : i32
    %cond3A_1 = arith.cmpi ne, %convert_element_type3A, %cond3A : i32
    scf.if %cond3A_1 {
      tpu.enqueue_dma source(%arg4 : memref<50008x32xf32, #tpu.memory_space<hbm>>) target(%arg10 : memref<50008x32xf32, #tpu.memory_space<vmem_shared>>) target_semaphore(%arg14 : memref<!tpu.dma_semaphore, #tpu.memory_space<semaphore_mem>>)
    } else {
    }
    %mul3A = arith.constant 50176 : i32
    %mul3A_2 = arith.muli %arg1, %mul3A : i32
    %mul3A_3 = arith.constant 50000 : i32
    %mul3A_4 = arith.muli %arg0, %mul3A_3 : i32
    %rem3A = arith.constant 0 : i32
    %rem3A_5 = arith.constant 4 : i32
    %rem3A_6 = arith.remsi %rem3A, %rem3A_5 : i32
    %mul3A_7 = arith.constant 0 : i32
    %mul3A_8 = arith.constant 128 : i32
    %mul3A_9 = arith.muli %mul3A_7, %mul3A_8 : i32
    %add3A = arith.addi %mul3A_2, %mul3A_9 : i32
    %dma_start3A = arith.constant 0 : i32
    %dma_start3A_10 = tpu.memref_slice %arg6[%rem3A_6, %dma_start3A] : memref<4x128xi32, #tpu.memory_space<vmem>> -> memref<1x128xi32, #tpu.memory_space<vmem>>
    %dma_start3A_11 = tpu.memref_squeeze %dma_start3A_10 : memref<1x128xi32, #tpu.memory_space<vmem>> -> memref<128xi32, #tpu.memory_space<vmem>>
    %dma_start3A_12 = tpu.memref_slice %arg2[%add3A] : memref<802816xi32, #tpu.memory_space<hbm>> -> memref<128xi32, #tpu.memory_space<hbm>>
    %dma_start3A_13 = tpu.memref_slice %arg11[%rem3A_6] : memref<4x!tpu.dma_semaphore, #tpu.memory_space<semaphore_mem>> -> memref<1x!tpu.dma_semaphore, #tpu.memory_space<semaphore_mem>>
    %dma_start3A_14 = tpu.memref_squeeze %dma_start3A_13 : memref<1x!tpu.dma_semaphore, #tpu.memory_space<semaphore_mem>> -> memref<!tpu.dma_semaphore, #tpu.memory_space<semaphore_mem>>
    %dma_start3A_15 = arith.constant 0 : i32
    %dma_start3A_16 = tpu.memref_slice %arg6[%rem3A_6, %dma_start3A_15] : memref<4x128xi32, #tpu.memory_space<vmem>> -> memref<1x128xi32, #tpu.memory_space<vmem>>
    %dma_start3A_17 = tpu.memref_squeeze %dma_start3A_16 : memref<1x128xi32, #tpu.memory_space<vmem>> -> memref<128xi32, #tpu.memory_space<vmem>>
    %dma_start3A_18 = tpu.memref_slice %arg2[%add3A] : memref<802816xi32, #tpu.memory_space<hbm>> -> memref<128xi32, #tpu.memory_space<hbm>>
    tpu.enqueue_dma source(%dma_start3A_18 : memref<128xi32, #tpu.memory_space<hbm>>) target(%dma_start3A_17 : memref<128xi32, #tpu.memory_space<vmem>>) target_semaphore(%dma_start3A_14 : memref<!tpu.dma_semaphore, #tpu.memory_space<semaphore_mem>>)
    %rem3A_19 = arith.constant 1 : i32
    %rem3A_20 = arith.constant 4 : i32
    %rem3A_21 = arith.remsi %rem3A_19, %rem3A_20 : i32
    %mul3A_22 = arith.constant 1 : i32
    %mul3A_23 = arith.constant 128 : i32
    %mul3A_24 = arith.muli %mul3A_22, %mul3A_23 : i32
    %add3A_25 = arith.addi %mul3A_2, %mul3A_24 : i32
    %dma_start3A_26 = arith.constant 0 : i32
    %dma_start3A_27 = tpu.memref_slice %arg6[%rem3A_21, %dma_start3A_26] : memref<4x128xi32, #tpu.memory_space<vmem>> -> memref<1x128xi32, #tpu.memory_space<vmem>>
    %dma_start3A_28 = tpu.memref_squeeze %dma_start3A_27 : memref<1x128xi32, #tpu.memory_space<vmem>> -> memref<128xi32, #tpu.memory_space<vmem>>
    %dma_start3A_29 = tpu.memref_slice %arg2[%add3A_25] : memref<802816xi32, #tpu.memory_space<hbm>> -> memref<128xi32, #tpu.memory_space<hbm>>
    %dma_start3A_30 = tpu.memref_slice %arg11[%rem3A_21] : memref<4x!tpu.dma_semaphore, #tpu.memory_space<semaphore_mem>> -> memref<1x!tpu.dma_semaphore, #tpu.memory_space<semaphore_mem>>
    %dma_start3A_31 = tpu.memref_squeeze %dma_start3A_30 : memref<1x!tpu.dma_semaphore, #tpu.memory_space<semaphore_mem>> -> memref<!tpu.dma_semaphore, #tpu.memory_space<semaphore_mem>>
    %dma_start3A_32 = arith.constant 0 : i32
    %dma_start3A_33 = tpu.memref_slice %arg6[%rem3A_21, %dma_start3A_32] : memref<4x128xi32, #tpu.memory_space<vmem>> -> memref<1x128xi32, #tpu.memory_space<vmem>>
    %dma_start3A_34 = tpu.memref_squeeze %dma_start3A_33 : memref<1x128xi32, #tpu.memory_space<vmem>> -> memref<128xi32, #tpu.memory_space<vmem>>
    %dma_start3A_35 = tpu.memref_slice %arg2[%add3A_25] : memref<802816xi32, #tpu.memory_space<hbm>> -> memref<128xi32, #tpu.memory_space<hbm>>
    tpu.enqueue_dma source(%dma_start3A_35 : memref<128xi32, #tpu.memory_space<hbm>>) target(%dma_start3A_34 : memref<128xi32, #tpu.memory_space<vmem>>) target_semaphore(%dma_start3A_31 : memref<!tpu.dma_semaphore, #tpu.memory_space<semaphore_mem>>)
    %rem3A_36 = arith.constant 2 : i32
    %rem3A_37 = arith.constant 4 : i32
    %rem3A_38 = arith.remsi %rem3A_36, %rem3A_37 : i32
    %mul3A_39 = arith.constant 2 : i32
    %mul3A_40 = arith.constant 128 : i32
    %mul3A_41 = arith.muli %mul3A_39, %mul3A_40 : i32
    %add3A_42 = arith.addi %mul3A_2, %mul3A_41 : i32
    %dma_start3A_43 = arith.constant 0 : i32
    %dma_start3A_44 = tpu.memref_slice %arg6[%rem3A_38, %dma_start3A_43] : memref<4x128xi32, #tpu.memory_space<vmem>> -> memref<1x128xi32, #tpu.memory_space<vmem>>
    %dma_start3A_45 = tpu.memref_squeeze %dma_start3A_44 : memref<1x128xi32, #tpu.memory_space<vmem>> -> memref<128xi32, #tpu.memory_space<vmem>>
    %dma_start3A_46 = tpu.memref_slice %arg2[%add3A_42] : memref<802816xi32, #tpu.memory_space<hbm>> -> memref<128xi32, #tpu.memory_space<hbm>>
    %dma_start3A_47 = tpu.memref_slice %arg11[%rem3A_38] : memref<4x!tpu.dma_semaphore, #tpu.memory_space<semaphore_mem>> -> memref<1x!tpu.dma_semaphore, #tpu.memory_space<semaphore_mem>>
    %dma_start3A_48 = tpu.memref_squeeze %dma_start3A_47 : memref<1x!tpu.dma_semaphore, #tpu.memory_space<semaphore_mem>> -> memref<!tpu.dma_semaphore, #tpu.memory_space<semaphore_mem>>
    %dma_start3A_49 = arith.constant 0 : i32
    %dma_start3A_50 = tpu.memref_slice %arg6[%rem3A_38, %dma_start3A_49] : memref<4x128xi32, #tpu.memory_space<vmem>> -> memref<1x128xi32, #tpu.memory_space<vmem>>
    %dma_start3A_51 = tpu.memref_squeeze %dma_start3A_50 : memref<1x128xi32, #tpu.memory_space<vmem>> -> memref<128xi32, #tpu.memory_space<vmem>>
    %dma_start3A_52 = tpu.memref_slice %arg2[%add3A_42] : memref<802816xi32, #tpu.memory_space<hbm>> -> memref<128xi32, #tpu.memory_space<hbm>>
    tpu.enqueue_dma source(%dma_start3A_52 : memref<128xi32, #tpu.memory_space<hbm>>) target(%dma_start3A_51 : memref<128xi32, #tpu.memory_space<vmem>>) target_semaphore(%dma_start3A_48 : memref<!tpu.dma_semaphore, #tpu.memory_space<semaphore_mem>>)
    %rem3A_53 = arith.constant 3 : i32
    %rem3A_54 = arith.constant 4 : i32
    %rem3A_55 = arith.remsi %rem3A_53, %rem3A_54 : i32
    %mul3A_56 = arith.constant 3 : i32
    %mul3A_57 = arith.constant 128 : i32
    %mul3A_58 = arith.muli %mul3A_56, %mul3A_57 : i32
    %add3A_59 = arith.addi %mul3A_2, %mul3A_58 : i32
    %dma_start3A_60 = arith.constant 0 : i32
    %dma_start3A_61 = tpu.memref_slice %arg6[%rem3A_55, %dma_start3A_60] : memref<4x128xi32, #tpu.memory_space<vmem>> -> memref<1x128xi32, #tpu.memory_space<vmem>>
    %dma_start3A_62 = tpu.memref_squeeze %dma_start3A_61 : memref<1x128xi32, #tpu.memory_space<vmem>> -> memref<128xi32, #tpu.memory_space<vmem>>
    %dma_start3A_63 = tpu.memref_slice %arg2[%add3A_59] : memref<802816xi32, #tpu.memory_space<hbm>> -> memref<128xi32, #tpu.memory_space<hbm>>
    %dma_start3A_64 = tpu.memref_slice %arg11[%rem3A_55] : memref<4x!tpu.dma_semaphore, #tpu.memory_space<semaphore_mem>> -> memref<1x!tpu.dma_semaphore, #tpu.memory_space<semaphore_mem>>
    %dma_start3A_65 = tpu.memref_squeeze %dma_start3A_64 : memref<1x!tpu.dma_semaphore, #tpu.memory_space<semaphore_mem>> -> memref<!tpu.dma_semaphore, #tpu.memory_space<semaphore_mem>>
    %dma_start3A_66 = arith.constant 0 : i32
    %dma_start3A_67 = tpu.memref_slice %arg6[%rem3A_55, %dma_start3A_66] : memref<4x128xi32, #tpu.memory_space<vmem>> -> memref<1x128xi32, #tpu.memory_space<vmem>>
    %dma_start3A_68 = tpu.memref_squeeze %dma_start3A_67 : memref<1x128xi32, #tpu.memory_space<vmem>> -> memref<128xi32, #tpu.memory_space<vmem>>
    %dma_start3A_69 = tpu.memref_slice %arg2[%add3A_59] : memref<802816xi32, #tpu.memory_space<hbm>> -> memref<128xi32, #tpu.memory_space<hbm>>
    tpu.enqueue_dma source(%dma_start3A_69 : memref<128xi32, #tpu.memory_space<hbm>>) target(%dma_start3A_68 : memref<128xi32, #tpu.memory_space<vmem>>) target_semaphore(%dma_start3A_65 : memref<!tpu.dma_semaphore, #tpu.memory_space<semaphore_mem>>)
    %eq3A_70 = arith.constant 0 : i32
    %eq3A_71 = arith.cmpi eq, %arg1, %eq3A_70 : i32
    %convert_element_type3A_72 = arith.extui %eq3A_71 : i1 to i32
    %cond3A_73 = arith.constant 0 : i32
    %cond3A_74 = arith.cmpi ne, %convert_element_type3A_72, %cond3A_73 : i32
    scf.if %cond3A_74 {
      tpu.wait_dma2 semaphore(%arg14 : memref<!tpu.dma_semaphore, #tpu.memory_space<semaphore_mem>>) src(%arg4 : memref<50008x32xf32, #tpu.memory_space<hbm>>) dst(%arg10 : memref<50008x32xf32, #tpu.memory_space<vmem_shared>>)
    } else {
    }
    %barrier3A = arith.constant 0 : index
    tpu.barrier barrier_id(%barrier3A)
    %scan3A = arith.constant 0 : i32
    %scan3A_75 = arith.constant 0 : i32
    %scan3A_76 = arith.constant 392 : i32
    %scan3A_77 = arith.addi %scan3A_75, %scan3A_76 : i32
    %scan3A_78 = arith.constant 1 : i32
    scf.for %scan3A_86 = %scan3A_75 to %scan3A_77 step %scan3A_78  : i32 {
      %rem3A_87 = arith.constant 4 : i32
      %rem3A_88 = arith.remsi %scan3A_86, %rem3A_87 : i32
      %rem3A_89 = arith.constant 4 : i32
      %rem3A_90 = arith.remsi %scan3A_86, %rem3A_89 : i32
      %mul3A_91 = arith.constant 128 : i32
      %mul3A_92 = arith.muli %scan3A_86, %mul3A_91 : i32
      %add3A_93 = arith.addi %mul3A_2, %mul3A_92 : i32
      %dma_wait3A = arith.constant 0 : i32
      %dma_wait3A_94 = tpu.memref_slice %arg6[%rem3A_90, %dma_wait3A] : memref<4x128xi32, #tpu.memory_space<vmem>> -> memref<1x128xi32, #tpu.memory_space<vmem>>
      %dma_wait3A_95 = tpu.memref_squeeze %dma_wait3A_94 : memref<1x128xi32, #tpu.memory_space<vmem>> -> memref<128xi32, #tpu.memory_space<vmem>>
      %dma_wait3A_96 = tpu.memref_slice %arg2[%add3A_93] : memref<802816xi32, #tpu.memory_space<hbm>> -> memref<128xi32, #tpu.memory_space<hbm>>
      %dma_wait3A_97 = tpu.memref_slice %arg11[%rem3A_90] : memref<4x!tpu.dma_semaphore, #tpu.memory_space<semaphore_mem>> -> memref<1x!tpu.dma_semaphore, #tpu.memory_space<semaphore_mem>>
      %dma_wait3A_98 = tpu.memref_squeeze %dma_wait3A_97 : memref<1x!tpu.dma_semaphore, #tpu.memory_space<semaphore_mem>> -> memref<!tpu.dma_semaphore, #tpu.memory_space<semaphore_mem>>
      %dma_wait3A_99 = arith.constant 0 : i32
      %dma_wait3A_100 = tpu.memref_slice %arg6[%rem3A_90, %dma_wait3A_99] : memref<4x128xi32, #tpu.memory_space<vmem>> -> memref<1x128xi32, #tpu.memory_space<vmem>>
      %dma_wait3A_101 = tpu.memref_squeeze %dma_wait3A_100 : memref<1x128xi32, #tpu.memory_space<vmem>> -> memref<128xi32, #tpu.memory_space<vmem>>
      %dma_wait3A_102 = tpu.memref_slice %arg2[%add3A_93] : memref<802816xi32, #tpu.memory_space<hbm>> -> memref<128xi32, #tpu.memory_space<hbm>>
      tpu.wait_dma2 semaphore(%dma_wait3A_98 : memref<!tpu.dma_semaphore, #tpu.memory_space<semaphore_mem>>) src(%dma_wait3A_102 : memref<128xi32, #tpu.memory_space<hbm>>) dst(%dma_wait3A_101 : memref<128xi32, #tpu.memory_space<vmem>>)
      %get3A = arith.index_cast %rem3A_90 : i32 to index
      %get3A_103 = arith.constant 0 : index
      %get3A_104 = tpu.vector_load %arg6[%get3A, %get3A_103] {strides = array<i32>} : memref<4x128xi32, #tpu.memory_space<vmem>>, vector<1x16xi32>,
      %get3A_105 = vector.shape_cast %get3A_104 : vector<1x16xi32> to vector<16xi32>
      %shift_right_logical3A = arith.constant 16 : i32
      %shift_right_logical3A_106 = vector.broadcast %shift_right_logical3A : i32 to vector<16xi32>
      %shift_right_logical3A_107 = arith.shrui %get3A_105, %shift_right_logical3A_106 : vector<16xi32>
      %swap3A = arith.index_cast %rem3A_90 : i32 to index
      %swap3A_108 = arith.constant 0 : index
      %swap3A_109 = tpu.vector_load %arg7[%swap3A, %swap3A_108] {strides = array<i32>} : memref<4x128xi32, #tpu.memory_space<vmem>>, vector<1x16xi32>,
      %swap3A_110 = vector.shape_cast %swap3A_109 : vector<1x16xi32> to vector<16xi32>
      %swap3A_111 = vector.shape_cast %shift_right_logical3A_107 : vector<16xi32> to vector<1x16xi32>
      tpu.vector_store %arg7[%swap3A, %swap3A_108], %swap3A_111 {strides = array<i32>} : memref<4x128xi32, #tpu.memory_space<vmem>>, vector<1x16xi32>,
      %and3A = arith.constant 65535 : i32
      %and3A_112 = vector.broadcast %and3A : i32 to vector<16xi32>
      %and3A_113 = arith.andi %get3A_105, %and3A_112 : vector<16xi32>
      %add3A_114 = vector.broadcast %mul3A_4 : i32 to vector<16xi32>
      %add3A_115 = arith.addi %and3A_113, %add3A_114 : vector<16xi32>
      %swap3A_116 = arith.index_cast %rem3A_90 : i32 to index
      %swap3A_117 = arith.constant 0 : index
      %swap3A_118 = tpu.vector_load %arg8[%swap3A_116, %swap3A_117] {strides = array<i32>} : memref<4x128xi32, #tpu.memory_space<vmem>>, vector<1x16xi32>,
      %swap3A_119 = vector.shape_cast %swap3A_118 : vector<1x16xi32> to vector<16xi32>
      %swap3A_120 = vector.shape_cast %add3A_115 : vector<16xi32> to vector<1x16xi32>
      tpu.vector_store %arg8[%swap3A_116, %swap3A_117], %swap3A_120 {strides = array<i32>} : memref<4x128xi32, #tpu.memory_space<vmem>>, vector<1x16xi32>,
      %get3A_121 = arith.index_cast %rem3A_90 : i32 to index
      %get3A_122 = arith.constant 16 : index
      %get3A_123 = tpu.vector_load %arg6[%get3A_121, %get3A_122] {strides = array<i32>} : memref<4x128xi32, #tpu.memory_space<vmem>>, vector<1x16xi32>,
      %get3A_124 = vector.shape_cast %get3A_123 : vector<1x16xi32> to vector<16xi32>
      %shift_right_logical3A_125 = arith.constant 16 : i32
      %shift_right_logical3A_126 = vector.broadcast %shift_right_logical3A_125 : i32 to vector<16xi32>
      %shift_right_logical3A_127 = arith.shrui %get3A_124, %shift_right_logical3A_126 : vector<16xi32>
      %swap3A_128 = arith.index_cast %rem3A_90 : i32 to index
      %swap3A_129 = arith.constant 16 : index
      %swap3A_130 = tpu.vector_load %arg7[%swap3A_128, %swap3A_129] {strides = array<i32>} : memref<4x128xi32, #tpu.memory_space<vmem>>, vector<1x16xi32>,
      %swap3A_131 = vector.shape_cast %swap3A_130 : vector<1x16xi32> to vector<16xi32>
      %swap3A_132 = vector.shape_cast %shift_right_logical3A_127 : vector<16xi32> to vector<1x16xi32>
      tpu.vector_store %arg7[%swap3A_128, %swap3A_129], %swap3A_132 {strides = array<i32>} : memref<4x128xi32, #tpu.memory_space<vmem>>, vector<1x16xi32>,
      %and3A_133 = arith.constant 65535 : i32
      %and3A_134 = vector.broadcast %and3A_133 : i32 to vector<16xi32>
      %and3A_135 = arith.andi %get3A_124, %and3A_134 : vector<16xi32>
      %add3A_136 = vector.broadcast %mul3A_4 : i32 to vector<16xi32>
      %add3A_137 = arith.addi %and3A_135, %add3A_136 : vector<16xi32>
      %swap3A_138 = arith.index_cast %rem3A_90 : i32 to index
      %swap3A_139 = arith.constant 16 : index
      %swap3A_140 = tpu.vector_load %arg8[%swap3A_138, %swap3A_139] {strides = array<i32>} : memref<4x128xi32, #tpu.memory_space<vmem>>, vector<1x16xi32>,
      %swap3A_141 = vector.shape_cast %swap3A_140 : vector<1x16xi32> to vector<16xi32>
      %swap3A_142 = vector.shape_cast %add3A_137 : vector<16xi32> to vector<1x16xi32>
      tpu.vector_store %arg8[%swap3A_138, %swap3A_139], %swap3A_142 {strides = array<i32>} : memref<4x128xi32, #tpu.memory_space<vmem>>, vector<1x16xi32>,
      %get3A_143 = arith.index_cast %rem3A_90 : i32 to index
      %get3A_144 = arith.constant 32 : index
      %get3A_145 = tpu.vector_load %arg6[%get3A_143, %get3A_144] {strides = array<i32>} : memref<4x128xi32, #tpu.memory_space<vmem>>, vector<1x16xi32>,
      %get3A_146 = vector.shape_cast %get3A_145 : vector<1x16xi32> to vector<16xi32>
      %shift_right_logical3A_147 = arith.constant 16 : i32
      %shift_right_logical3A_148 = vector.broadcast %shift_right_logical3A_147 : i32 to vector<16xi32>
      %shift_right_logical3A_149 = arith.shrui %get3A_146, %shift_right_logical3A_148 : vector<16xi32>
      %swap3A_150 = arith.index_cast %rem3A_90 : i32 to index
      %swap3A_151 = arith.constant 32 : index
      %swap3A_152 = tpu.vector_load %arg7[%swap3A_150, %swap3A_151] {strides = array<i32>} : memref<4x128xi32, #tpu.memory_space<vmem>>, vector<1x16xi32>,
      %swap3A_153 = vector.shape_cast %swap3A_152 : vector<1x16xi32> to vector<16xi32>
      %swap3A_154 = vector.shape_cast %shift_right_logical3A_149 : vector<16xi32> to vector<1x16xi32>
      tpu.vector_store %arg7[%swap3A_150, %swap3A_151], %swap3A_154 {strides = array<i32>} : memref<4x128xi32, #tpu.memory_space<vmem>>, vector<1x16xi32>,
      %and3A_155 = arith.constant 65535 : i32
      %and3A_156 = vector.broadcast %and3A_155 : i32 to vector<16xi32>
      %and3A_157 = arith.andi %get3A_146, %and3A_156 : vector<16xi32>
      %add3A_158 = vector.broadcast %mul3A_4 : i32 to vector<16xi32>
      %add3A_159 = arith.addi %and3A_157, %add3A_158 : vector<16xi32>
      %swap3A_160 = arith.index_cast %rem3A_90 : i32 to index
      %swap3A_161 = arith.constant 32 : index
      %swap3A_162 = tpu.vector_load %arg8[%swap3A_160, %swap3A_161] {strides = array<i32>} : memref<4x128xi32, #tpu.memory_space<vmem>>, vector<1x16xi32>,
      %swap3A_163 = vector.shape_cast %swap3A_162 : vector<1x16xi32> to vector<16xi32>
      %swap3A_164 = vector.shape_cast %add3A_159 : vector<16xi32> to vector<1x16xi32>
      tpu.vector_store %arg8[%swap3A_160, %swap3A_161], %swap3A_164 {strides = array<i32>} : memref<4x128xi32, #tpu.memory_space<vmem>>, vector<1x16xi32>,
      %get3A_165 = arith.index_cast %rem3A_90 : i32 to index
      %get3A_166 = arith.constant 48 : index
      %get3A_167 = tpu.vector_load %arg6[%get3A_165, %get3A_166] {strides = array<i32>} : memref<4x128xi32, #tpu.memory_space<vmem>>, vector<1x16xi32>,
      %get3A_168 = vector.shape_cast %get3A_167 : vector<1x16xi32> to vector<16xi32>
      %shift_right_logical3A_169 = arith.constant 16 : i32
      %shift_right_logical3A_170 = vector.broadcast %shift_right_logical3A_169 : i32 to vector<16xi32>
      %shift_right_logical3A_171 = arith.shrui %get3A_168, %shift_right_logical3A_170 : vector<16xi32>
      %swap3A_172 = arith.index_cast %rem3A_90 : i32 to index
      %swap3A_173 = arith.constant 48 : index
      %swap3A_174 = tpu.vector_load %arg7[%swap3A_172, %swap3A_173] {strides = array<i32>} : memref<4x128xi32, #tpu.memory_space<vmem>>, vector<1x16xi32>,
      %swap3A_175 = vector.shape_cast %swap3A_174 : vector<1x16xi32> to vector<16xi32>
      %swap3A_176 = vector.shape_cast %shift_right_logical3A_171 : vector<16xi32> to vector<1x16xi32>
      tpu.vector_store %arg7[%swap3A_172, %swap3A_173], %swap3A_176 {strides = array<i32>} : memref<4x128xi32, #tpu.memory_space<vmem>>, vector<1x16xi32>,
      %and3A_177 = arith.constant 65535 : i32
      %and3A_178 = vector.broadcast %and3A_177 : i32 to vector<16xi32>
      %and3A_179 = arith.andi %get3A_168, %and3A_178 : vector<16xi32>
      %add3A_180 = vector.broadcast %mul3A_4 : i32 to vector<16xi32>
      %add3A_181 = arith.addi %and3A_179, %add3A_180 : vector<16xi32>
      %swap3A_182 = arith.index_cast %rem3A_90 : i32 to index
      %swap3A_183 = arith.constant 48 : index
      %swap3A_184 = tpu.vector_load %arg8[%swap3A_182, %swap3A_183] {strides = array<i32>} : memref<4x128xi32, #tpu.memory_space<vmem>>, vector<1x16xi32>,
      %swap3A_185 = vector.shape_cast %swap3A_184 : vector<1x16xi32> to vector<16xi32>
      %swap3A_186 = vector.shape_cast %add3A_181 : vector<16xi32> to vector<1x16xi32>
      tpu.vector_store %arg8[%swap3A_182, %swap3A_183], %swap3A_186 {strides = array<i32>} : memref<4x128xi32, #tpu.memory_space<vmem>>, vector<1x16xi32>,
      %get3A_187 = arith.index_cast %rem3A_90 : i32 to index
      %get3A_188 = arith.constant 64 : index
      %get3A_189 = tpu.vector_load %arg6[%get3A_187, %get3A_188] {strides = array<i32>} : memref<4x128xi32, #tpu.memory_space<vmem>>, vector<1x16xi32>,
      %get3A_190 = vector.shape_cast %get3A_189 : vector<1x16xi32> to vector<16xi32>
      %shift_right_logical3A_191 = arith.constant 16 : i32
      %shift_right_logical3A_192 = vector.broadcast %shift_right_logical3A_191 : i32 to vector<16xi32>
      %shift_right_logical3A_193 = arith.shrui %get3A_190, %shift_right_logical3A_192 : vector<16xi32>
      %swap3A_194 = arith.index_cast %rem3A_90 : i32 to index
      %swap3A_195 = arith.constant 64 : index
      %swap3A_196 = tpu.vector_load %arg7[%swap3A_194, %swap3A_195] {strides = array<i32>} : memref<4x128xi32, #tpu.memory_space<vmem>>, vector<1x16xi32>,
      %swap3A_197 = vector.shape_cast %swap3A_196 : vector<1x16xi32> to vector<16xi32>
      %swap3A_198 = vector.shape_cast %shift_right_logical3A_193 : vector<16xi32> to vector<1x16xi32>
      tpu.vector_store %arg7[%swap3A_194, %swap3A_195], %swap3A_198 {strides = array<i32>} : memref<4x128xi32, #tpu.memory_space<vmem>>, vector<1x16xi32>,
      %and3A_199 = arith.constant 65535 : i32
      %and3A_200 = vector.broadcast %and3A_199 : i32 to vector<16xi32>
      %and3A_201 = arith.andi %get3A_190, %and3A_200 : vector<16xi32>
      %add3A_202 = vector.broadcast %mul3A_4 : i32 to vector<16xi32>
      %add3A_203 = arith.addi %and3A_201, %add3A_202 : vector<16xi32>
      %swap3A_204 = arith.index_cast %rem3A_90 : i32 to index
      %swap3A_205 = arith.constant 64 : index
      %swap3A_206 = tpu.vector_load %arg8[%swap3A_204, %swap3A_205] {strides = array<i32>} : memref<4x128xi32, #tpu.memory_space<vmem>>, vector<1x16xi32>,
      %swap3A_207 = vector.shape_cast %swap3A_206 : vector<1x16xi32> to vector<16xi32>
      %swap3A_208 = vector.shape_cast %add3A_203 : vector<16xi32> to vector<1x16xi32>
      tpu.vector_store %arg8[%swap3A_204, %swap3A_205], %swap3A_208 {strides = array<i32>} : memref<4x128xi32, #tpu.memory_space<vmem>>, vector<1x16xi32>,
      %get3A_209 = arith.index_cast %rem3A_90 : i32 to index
      %get3A_210 = arith.constant 80 : index
      %get3A_211 = tpu.vector_load %arg6[%get3A_209, %get3A_210] {strides = array<i32>} : memref<4x128xi32, #tpu.memory_space<vmem>>, vector<1x16xi32>,
      %get3A_212 = vector.shape_cast %get3A_211 : vector<1x16xi32> to vector<16xi32>
      %shift_right_logical3A_213 = arith.constant 16 : i32
      %shift_right_logical3A_214 = vector.broadcast %shift_right_logical3A_213 : i32 to vector<16xi32>
      %shift_right_logical3A_215 = arith.shrui %get3A_212, %shift_right_logical3A_214 : vector<16xi32>
      %swap3A_216 = arith.index_cast %rem3A_90 : i32 to index
      %swap3A_217 = arith.constant 80 : index
      %swap3A_218 = tpu.vector_load %arg7[%swap3A_216, %swap3A_217] {strides = array<i32>} : memref<4x128xi32, #tpu.memory_space<vmem>>, vector<1x16xi32>,
      %swap3A_219 = vector.shape_cast %swap3A_218 : vector<1x16xi32> to vector<16xi32>
      %swap3A_220 = vector.shape_cast %shift_right_logical3A_215 : vector<16xi32> to vector<1x16xi32>
      tpu.vector_store %arg7[%swap3A_216, %swap3A_217], %swap3A_220 {strides = array<i32>} : memref<4x128xi32, #tpu.memory_space<vmem>>, vector<1x16xi32>,
      %and3A_221 = arith.constant 65535 : i32
      %and3A_222 = vector.broadcast %and3A_221 : i32 to vector<16xi32>
      %and3A_223 = arith.andi %get3A_212, %and3A_222 : vector<16xi32>
      %add3A_224 = vector.broadcast %mul3A_4 : i32 to vector<16xi32>
      %add3A_225 = arith.addi %and3A_223, %add3A_224 : vector<16xi32>
      %swap3A_226 = arith.index_cast %rem3A_90 : i32 to index
      %swap3A_227 = arith.constant 80 : index
      %swap3A_228 = tpu.vector_load %arg8[%swap3A_226, %swap3A_227] {strides = array<i32>} : memref<4x128xi32, #tpu.memory_space<vmem>>, vector<1x16xi32>,
      %swap3A_229 = vector.shape_cast %swap3A_228 : vector<1x16xi32> to vector<16xi32>
      %swap3A_230 = vector.shape_cast %add3A_225 : vector<16xi32> to vector<1x16xi32>
      tpu.vector_store %arg8[%swap3A_226, %swap3A_227], %swap3A_230 {strides = array<i32>} : memref<4x128xi32, #tpu.memory_space<vmem>>, vector<1x16xi32>,
      %get3A_231 = arith.index_cast %rem3A_90 : i32 to index
      %get3A_232 = arith.constant 96 : index
      %get3A_233 = tpu.vector_load %arg6[%get3A_231, %get3A_232] {strides = array<i32>} : memref<4x128xi32, #tpu.memory_space<vmem>>, vector<1x16xi32>,
      %get3A_234 = vector.shape_cast %get3A_233 : vector<1x16xi32> to vector<16xi32>
      %shift_right_logical3A_235 = arith.constant 16 : i32
      %shift_right_logical3A_236 = vector.broadcast %shift_right_logical3A_235 : i32 to vector<16xi32>
      %shift_right_logical3A_237 = arith.shrui %get3A_234, %shift_right_logical3A_236 : vector<16xi32>
      %swap3A_238 = arith.index_cast %rem3A_90 : i32 to index
      %swap3A_239 = arith.constant 96 : index
      %swap3A_240 = tpu.vector_load %arg7[%swap3A_238, %swap3A_239] {strides = array<i32>} : memref<4x128xi32, #tpu.memory_space<vmem>>, vector<1x16xi32>,
      %swap3A_241 = vector.shape_cast %swap3A_240 : vector<1x16xi32> to vector<16xi32>
      %swap3A_242 = vector.shape_cast %shift_right_logical3A_237 : vector<16xi32> to vector<1x16xi32>
      tpu.vector_store %arg7[%swap3A_238, %swap3A_239], %swap3A_242 {strides = array<i32>} : memref<4x128xi32, #tpu.memory_space<vmem>>, vector<1x16xi32>,
      %and3A_243 = arith.constant 65535 : i32
      %and3A_244 = vector.broadcast %and3A_243 : i32 to vector<16xi32>
      %and3A_245 = arith.andi %get3A_234, %and3A_244 : vector<16xi32>
      %add3A_246 = vector.broadcast %mul3A_4 : i32 to vector<16xi32>
      %add3A_247 = arith.addi %and3A_245, %add3A_246 : vector<16xi32>
      %swap3A_248 = arith.index_cast %rem3A_90 : i32 to index
      %swap3A_249 = arith.constant 96 : index
      %swap3A_250 = tpu.vector_load %arg8[%swap3A_248, %swap3A_249] {strides = array<i32>} : memref<4x128xi32, #tpu.memory_space<vmem>>, vector<1x16xi32>,
      %swap3A_251 = vector.shape_cast %swap3A_250 : vector<1x16xi32> to vector<16xi32>
      %swap3A_252 = vector.shape_cast %add3A_247 : vector<16xi32> to vector<1x16xi32>
      tpu.vector_store %arg8[%swap3A_248, %swap3A_249], %swap3A_252 {strides = array<i32>} : memref<4x128xi32, #tpu.memory_space<vmem>>, vector<1x16xi32>,
      %get3A_253 = arith.index_cast %rem3A_90 : i32 to index
      %get3A_254 = arith.constant 112 : index
      %get3A_255 = tpu.vector_load %arg6[%get3A_253, %get3A_254] {strides = array<i32>} : memref<4x128xi32, #tpu.memory_space<vmem>>, vector<1x16xi32>,
      %get3A_256 = vector.shape_cast %get3A_255 : vector<1x16xi32> to vector<16xi32>
      %shift_right_logical3A_257 = arith.constant 16 : i32
      %shift_right_logical3A_258 = vector.broadcast %shift_right_logical3A_257 : i32 to vector<16xi32>
      %shift_right_logical3A_259 = arith.shrui %get3A_256, %shift_right_logical3A_258 : vector<16xi32>
      %swap3A_260 = arith.index_cast %rem3A_90 : i32 to index
      %swap3A_261 = arith.constant 112 : index
      %swap3A_262 = tpu.vector_load %arg7[%swap3A_260, %swap3A_261] {strides = array<i32>} : memref<4x128xi32, #tpu.memory_space<vmem>>, vector<1x16xi32>,
      %swap3A_263 = vector.shape_cast %swap3A_262 : vector<1x16xi32> to vector<16xi32>
      %swap3A_264 = vector.shape_cast %shift_right_logical3A_259 : vector<16xi32> to vector<1x16xi32>
      tpu.vector_store %arg7[%swap3A_260, %swap3A_261], %swap3A_264 {strides = array<i32>} : memref<4x128xi32, #tpu.memory_space<vmem>>, vector<1x16xi32>,
      %and3A_265 = arith.constant 65535 : i32
      %and3A_266 = vector.broadcast %and3A_265 : i32 to vector<16xi32>
      %and3A_267 = arith.andi %get3A_256, %and3A_266 : vector<16xi32>
      %add3A_268 = vector.broadcast %mul3A_4 : i32 to vector<16xi32>
      %add3A_269 = arith.addi %and3A_267, %add3A_268 : vector<16xi32>
      %swap3A_270 = arith.index_cast %rem3A_90 : i32 to index
      %swap3A_271 = arith.constant 112 : index
      %swap3A_272 = tpu.vector_load %arg8[%swap3A_270, %swap3A_271] {strides = array<i32>} : memref<4x128xi32, #tpu.memory_space<vmem>>, vector<1x16xi32>,
      %swap3A_273 = vector.shape_cast %swap3A_272 : vector<1x16xi32> to vector<16xi32>
      %swap3A_274 = vector.shape_cast %add3A_269 : vector<16xi32> to vector<1x16xi32>
      tpu.vector_store %arg8[%swap3A_270, %swap3A_271], %swap3A_274 {strides = array<i32>} : memref<4x128xi32, #tpu.memory_space<vmem>>, vector<1x16xi32>,
      %dma_start3A_275 = arith.constant 0 : i32
      %dma_start3A_276 = arith.constant 0 : i32
      %dma_start3A_277 = tpu.memref_slice %arg9[%rem3A_90, %dma_start3A_275, %dma_start3A_276] : memref<4x128x32xf32, #tpu.memory_space<vmem>> -> memref<1x128x32xf32, #tpu.memory_space<vmem>>
      %dma_start3A_278 = tpu.memref_squeeze %dma_start3A_277 : memref<1x128x32xf32, #tpu.memory_space<vmem>> -> memref<128x32xf32, #tpu.memory_space<vmem>>
      %dma_start3A_279 = arith.constant 0 : i32
      %dma_start3A_280 = tpu.memref_slice %arg8[%rem3A_90, %dma_start3A_279] : memref<4x128xi32, #tpu.memory_space<vmem>> -> memref<1x128xi32, #tpu.memory_space<vmem>>
      %dma_start3A_281 = tpu.memref_squeeze %dma_start3A_280 : memref<1x128xi32, #tpu.memory_space<vmem>> -> memref<128xi32, #tpu.memory_space<vmem>>
      %dma_start3A_282 = arith.constant 0 : i32
      %dma_start3A_283 = arith.constant 0 : i32
      %dma_start3A_284 = tpu.memref_slice %arg3[%dma_start3A_282, %dma_start3A_283] : memref<100000x32xf32, #tpu.memory_space<hbm>> -> memref<100000x32xf32, #tpu.memory_space<hbm>>
      %dma_start3A_285 = tpu.memref_slice %arg12[%rem3A_90] : memref<4x!tpu.dma_semaphore, #tpu.memory_space<semaphore_mem>> -> memref<1x!tpu.dma_semaphore, #tpu.memory_space<semaphore_mem>>
      %dma_start3A_286 = tpu.memref_squeeze %dma_start3A_285 : memref<1x!tpu.dma_semaphore, #tpu.memory_space<semaphore_mem>> -> memref<!tpu.dma_semaphore, #tpu.memory_space<semaphore_mem>>
      tpu.enqueue_indirect_dma source(%dma_start3A_284 : memref<100000x32xf32, #tpu.memory_space<hbm>>) target(%dma_start3A_278 : memref<128x32xf32, #tpu.memory_space<vmem>>) offsets(%dma_start3A_281 : memref<128xi32, #tpu.memory_space<vmem>>) semaphore(%dma_start3A_286 : memref<!tpu.dma_semaphore, #tpu.memory_space<semaphore_mem>>)
      %dma_wait3A_287 = arith.constant 0 : i32
      %dma_wait3A_288 = arith.constant 0 : i32
      %dma_wait3A_289 = tpu.memref_slice %arg9[%rem3A_88, %dma_wait3A_287, %dma_wait3A_288] : memref<4x128x32xf32, #tpu.memory_space<vmem>> -> memref<1x128x32xf32, #tpu.memory_space<vmem>>
      %dma_wait3A_290 = tpu.memref_squeeze %dma_wait3A_289 : memref<1x128x32xf32, #tpu.memory_space<vmem>> -> memref<128x32xf32, #tpu.memory_space<vmem>>
      %dma_wait3A_291 = arith.constant 0 : i32
      %dma_wait3A_292 = tpu.memref_slice %arg8[%rem3A_88, %dma_wait3A_291] : memref<4x128xi32, #tpu.memory_space<vmem>> -> memref<1x128xi32, #tpu.memory_space<vmem>>
      %dma_wait3A_293 = tpu.memref_squeeze %dma_wait3A_292 : memref<1x128xi32, #tpu.memory_space<vmem>> -> memref<128xi32, #tpu.memory_space<vmem>>
      %dma_wait3A_294 = arith.constant 0 : i32
      %dma_wait3A_295 = arith.constant 0 : i32
      %dma_wait3A_296 = tpu.memref_slice %arg3[%dma_wait3A_294, %dma_wait3A_295] : memref<100000x32xf32, #tpu.memory_space<hbm>> -> memref<100000x32xf32, #tpu.memory_space<hbm>>
      %dma_wait3A_297 = tpu.memref_slice %arg12[%rem3A_88] : memref<4x!tpu.dma_semaphore, #tpu.memory_space<semaphore_mem>> -> memref<1x!tpu.dma_semaphore, #tpu.memory_space<semaphore_mem>>
      %dma_wait3A_298 = tpu.memref_squeeze %dma_wait3A_297 : memref<1x!tpu.dma_semaphore, #tpu.memory_space<semaphore_mem>> -> memref<!tpu.dma_semaphore, #tpu.memory_space<semaphore_mem>>
      tpu.wait_indirect_dma semaphore(%dma_wait3A_298 : memref<!tpu.dma_semaphore, #tpu.memory_space<semaphore_mem>>) src(%dma_wait3A_296 : memref<100000x32xf32, #tpu.memory_space<hbm>>) dst(%dma_wait3A_290 : memref<128x32xf32, #tpu.memory_space<vmem>>)
      %dma_start3A_299 = arith.constant 0 : i32
      %dma_start3A_300 = arith.constant 0 : i32
      %dma_start3A_301 = tpu.memref_slice %arg9[%rem3A_88, %dma_start3A_299, %dma_start3A_300] : memref<4x128x32xf32, #tpu.memory_space<vmem>> -> memref<1x128x32xf32, #tpu.memory_space<vmem>>
      %dma_start3A_302 = tpu.memref_squeeze %dma_start3A_301 : memref<1x128x32xf32, #tpu.memory_space<vmem>> -> memref<128x32xf32, #tpu.memory_space<vmem>>
      %dma_start3A_303 = arith.constant 0 : i32
      %dma_start3A_304 = tpu.memref_slice %arg7[%rem3A_88, %dma_start3A_303] : memref<4x128xi32, #tpu.memory_space<vmem>> -> memref<1x128xi32, #tpu.memory_space<vmem>>
      %dma_start3A_305 = tpu.memref_squeeze %dma_start3A_304 : memref<1x128xi32, #tpu.memory_space<vmem>> -> memref<128xi32, #tpu.memory_space<vmem>>
      %dma_start3A_306 = arith.constant 0 : i32
      %dma_start3A_307 = arith.constant 0 : i32
      %dma_start3A_308 = tpu.memref_slice %arg10[%dma_start3A_306, %dma_start3A_307] : memref<50008x32xf32, #tpu.memory_space<vmem_shared>> -> memref<50008x32xf32, #tpu.memory_space<vmem_shared>>
      %dma_start3A_309 = tpu.memref_slice %arg13[%rem3A_88] : memref<4x!tpu.dma_semaphore, #tpu.memory_space<semaphore_mem>> -> memref<1x!tpu.dma_semaphore, #tpu.memory_space<semaphore_mem>>
      %dma_start3A_310 = tpu.memref_squeeze %dma_start3A_309 : memref<1x!tpu.dma_semaphore, #tpu.memory_space<semaphore_mem>> -> memref<!tpu.dma_semaphore, #tpu.memory_space<semaphore_mem>>
      tpu.enqueue_indirect_dma source(%dma_start3A_302 : memref<128x32xf32, #tpu.memory_space<vmem>>) target(%dma_start3A_308 : memref<50008x32xf32, #tpu.memory_space<vmem_shared>>) offsets(%dma_start3A_305 : memref<128xi32, #tpu.memory_space<vmem>>) semaphore(%dma_start3A_310 : memref<!tpu.dma_semaphore, #tpu.memory_space<semaphore_mem>>) {add = true}
      %dma_wait3A_311 = arith.constant 0 : i32
      %dma_wait3A_312 = arith.constant 0 : i32
      %dma_wait3A_313 = tpu.memref_slice %arg9[%rem3A_88, %dma_wait3A_311, %dma_wait3A_312] : memref<4x128x32xf32, #tpu.memory_space<vmem>> -> memref<1x128x32xf32, #tpu.memory_space<vmem>>
      %dma_wait3A_314 = tpu.memref_squeeze %dma_wait3A_313 : memref<1x128x32xf32, #tpu.memory_space<vmem>> -> memref<128x32xf32, #tpu.memory_space<vmem>>
      %dma_wait3A_315 = arith.constant 0 : i32
      %dma_wait3A_316 = tpu.memref_slice %arg7[%rem3A_88, %dma_wait3A_315] : memref<4x128xi32, #tpu.memory_space<vmem>> -> memref<1x128xi32, #tpu.memory_space<vmem>>
      %dma_wait3A_317 = tpu.memref_squeeze %dma_wait3A_316 : memref<1x128xi32, #tpu.memory_space<vmem>> -> memref<128xi32, #tpu.memory_space<vmem>>
      %dma_wait3A_318 = arith.constant 0 : i32
      %dma_wait3A_319 = arith.constant 0 : i32
      %dma_wait3A_320 = tpu.memref_slice %arg10[%dma_wait3A_318, %dma_wait3A_319] : memref<50008x32xf32, #tpu.memory_space<vmem_shared>> -> memref<50008x32xf32, #tpu.memory_space<vmem_shared>>
      %dma_wait3A_321 = tpu.memref_slice %arg13[%rem3A_88] : memref<4x!tpu.dma_semaphore, #tpu.memory_space<semaphore_mem>> -> memref<1x!tpu.dma_semaphore, #tpu.memory_space<semaphore_mem>>
      %dma_wait3A_322 = tpu.memref_squeeze %dma_wait3A_321 : memref<1x!tpu.dma_semaphore, #tpu.memory_space<semaphore_mem>> -> memref<!tpu.dma_semaphore, #tpu.memory_space<semaphore_mem>>
      tpu.wait_indirect_dma semaphore(%dma_wait3A_322 : memref<!tpu.dma_semaphore, #tpu.memory_space<semaphore_mem>>) src(%dma_wait3A_314 : memref<128x32xf32, #tpu.memory_space<vmem>>) dst(%dma_wait3A_320 : memref<50008x32xf32, #tpu.memory_space<vmem_shared>>)
      %add3A_323 = arith.constant 4 : i32
      %add3A_324 = arith.addi %scan3A_86, %add3A_323 : i32
      %lt3A = arith.constant 392 : i32
      %lt3A_325 = arith.cmpi slt, %add3A_324, %lt3A : i32
      %convert_element_type3A_326 = arith.extui %lt3A_325 : i1 to i32
      %cond3A_327 = arith.constant 0 : i32
      %cond3A_328 = arith.cmpi ne, %convert_element_type3A_326, %cond3A_327 : i32
      scf.if %cond3A_328 {
        %rem3A_329 = arith.constant 4 : i32
        %rem3A_330 = arith.remsi %add3A_324, %rem3A_329 : i32
        %mul3A_331 = arith.constant 128 : i32
        %mul3A_332 = arith.muli %add3A_324, %mul3A_331 : i32
        %add3A_333 = arith.addi %mul3A_2, %mul3A_332 : i32
        %dma_start3A_334 = arith.constant 0 : i32
        %dma_start3A_335 = tpu.memref_slice %arg6[%rem3A_330, %dma_start3A_334] : memref<4x128xi32, #tpu.memory_space<vmem>> -> memref<1x128xi32, #tpu.memory_space<vmem>>
        %dma_start3A_336 = tpu.memref_squeeze %dma_start3A_335 : memref<1x128xi32, #tpu.memory_space<vmem>> -> memref<128xi32, #tpu.memory_space<vmem>>
        %dma_start3A_337 = tpu.memref_slice %arg2[%add3A_333] : memref<802816xi32, #tpu.memory_space<hbm>> -> memref<128xi32, #tpu.memory_space<hbm>>
        %dma_start3A_338 = tpu.memref_slice %arg11[%rem3A_330] : memref<4x!tpu.dma_semaphore, #tpu.memory_space<semaphore_mem>> -> memref<1x!tpu.dma_semaphore, #tpu.memory_space<semaphore_mem>>
        %dma_start3A_339 = tpu.memref_squeeze %dma_start3A_338 : memref<1x!tpu.dma_semaphore, #tpu.memory_space<semaphore_mem>> -> memref<!tpu.dma_semaphore, #tpu.memory_space<semaphore_mem>>
        %dma_start3A_340 = arith.constant 0 : i32
        %dma_start3A_341 = tpu.memref_slice %arg6[%rem3A_330, %dma_start3A_340] : memref<4x128xi32, #tpu.memory_space<vmem>> -> memref<1x128xi32, #tpu.memory_space<vmem>>
        %dma_start3A_342 = tpu.memref_squeeze %dma_start3A_341 : memref<1x128xi32, #tpu.memory_space<vmem>> -> memref<128xi32, #tpu.memory_space<vmem>>
        %dma_start3A_343 = tpu.memref_slice %arg2[%add3A_333] : memref<802816xi32, #tpu.memory_space<hbm>> -> memref<128xi32, #tpu.memory_space<hbm>>
        tpu.enqueue_dma source(%dma_start3A_343 : memref<128xi32, #tpu.memory_space<hbm>>) target(%dma_start3A_342 : memref<128xi32, #tpu.memory_space<vmem>>) target_semaphore(%dma_start3A_339 : memref<!tpu.dma_semaphore, #tpu.memory_space<semaphore_mem>>)
      } else {
      }
    }
    %scan3A_79 = arith.constant 392 : i32
    %barrier3A_80 = arith.constant 0 : index
    tpu.barrier barrier_id(%barrier3A_80)
    %eq3A_81 = arith.constant 0 : i32
    %eq3A_82 = arith.cmpi eq, %arg1, %eq3A_81 : i32
    %convert_element_type3A_83 = arith.extui %eq3A_82 : i1 to i32
    %cond3A_84 = arith.constant 0 : i32
    %cond3A_85 = arith.cmpi ne, %convert_element_type3A_83, %cond3A_84 : i32
    scf.if %cond3A_85 {
      "tpu.region"() ({
        %run_scoped3A = tpu.sem_alloc : memref<!tpu.dma_semaphore, #tpu.memory_space<semaphore_mem>>
        %dma_start3A_86 = arith.constant 0 : i32
        %dma_start3A_87 = arith.constant 0 : i32
        %dma_start3A_88 = tpu.memref_slice %arg5[%arg0, %dma_start3A_86, %dma_start3A_87] : memref<2x50008x32xf32, #tpu.memory_space<hbm>> -> memref<1x50008x32xf32, #tpu.memory_space<hbm>>
        %dma_start3A_89 = tpu.memref_squeeze %dma_start3A_88 : memref<1x50008x32xf32, #tpu.memory_space<hbm>> -> memref<50008x32xf32, #tpu.memory_space<hbm>>
        tpu.enqueue_dma source(%arg10 : memref<50008x32xf32, #tpu.memory_space<vmem_shared>>) target(%dma_start3A_89 : memref<50008x32xf32, #tpu.memory_space<hbm>>) target_semaphore(%run_scoped3A : memref<!tpu.dma_semaphore, #tpu.memory_space<semaphore_mem>>)
        %dma_wait3A = arith.constant 0 : i32
        %dma_wait3A_90 = arith.constant 0 : i32
        %dma_wait3A_91 = tpu.memref_slice %arg5[%arg0, %dma_wait3A, %dma_wait3A_90] : memref<2x50008x32xf32, #tpu.memory_space<hbm>> -> memref<1x50008x32xf32, #tpu.memory_space<hbm>>
        %dma_wait3A_92 = tpu.memref_squeeze %dma_wait3A_91 : memref<1x50008x32xf32, #tpu.memory_space<hbm>> -> memref<50008x32xf32, #tpu.memory_space<hbm>>
        tpu.wait_dma2 semaphore(%run_scoped3A : memref<!tpu.dma_semaphore, #tpu.memory_space<semaphore_mem>>) src(%arg10 : memref<50008x32xf32, #tpu.memory_space<vmem_shared>>) dst(%dma_wait3A_92 : memref<50008x32xf32, #tpu.memory_space<hbm>>)
        tpu.yield
      }) : () -> ()
    } else {
    }
    return
  }
}

module attributes {stable_mosaic.version = 14 : i64} {
  func.func @_pack_body(%arg0: memref<1000x800xi32, #tpu.memory_space<vmem>>, %arg1: memref<1000x800xi32, #tpu.memory_space<vmem>>, %arg2: memref<1000x800xi32, #tpu.memory_space<vmem>>) attributes {dimension_semantics = [], scalar_prefetch = 0 : i64, scratch_operands = 0 : i64, tpu.core_type = #tpu.core_type<tc>} {
    %get3A = arith.constant 0 : index
    %get3A_0 = arith.constant 0 : index
    %get3A_1 = vector.load %arg1[%get3A, %get3A_0] : memref<1000x800xi32, #tpu.memory_space<vmem>>, vector<1000x800xi32>
    %shift_left3A = arith.constant 16 : i32
    %shift_left3A_2 = vector.broadcast %shift_left3A : i32 to vector<1000x800xi32>
    %shift_left3A_3 = arith.shli %get3A_1, %shift_left3A_2 : vector<1000x800xi32>
    %get3A_4 = arith.constant 0 : index
    %get3A_5 = arith.constant 0 : index
    %get3A_6 = vector.load %arg0[%get3A_4, %get3A_5] : memref<1000x800xi32, #tpu.memory_space<vmem>>, vector<1000x800xi32>
    %or3A = arith.ori %shift_left3A_3, %get3A_6 : vector<1000x800xi32>
    %swap3A = arith.constant 0 : index
    %swap3A_7 = arith.constant 0 : index
    %swap3A_8 = vector.load %arg2[%swap3A, %swap3A_7] : memref<1000x800xi32, #tpu.memory_space<vmem>>, vector<1000x800xi32>
    tpu.vector_store %arg2[%swap3A, %swap3A_7], %or3A {strides = array<i32>} : memref<1000x800xi32, #tpu.memory_space<vmem>>, vector<1000x800xi32>,
    return
  }
}

module attributes {stable_mosaic.version = 14 : i64} {
  func.func @_norm_body(%arg0: i32, %arg1: memref<1000x64xf32, #tpu.memory_space<vmem>>, %arg2: memref<1000x64xf32, #tpu.memory_space<vmem>>) attributes {dimension_semantics = [#tpu.dimension_semantics<arbitrary>], iteration_bounds = array<i64: 10>, scalar_prefetch = 0 : i64, scratch_operands = 0 : i64, tpu.core_type = #tpu.core_type<tc>, window_params = [{transform_indices = @transform_0, window_bounds = array<i64: 1000, 64>}, {transform_indices = @transform_1, window_bounds = array<i64: 1000, 64>}]} {
    %get3A = arith.constant 0 : index
    %get3A_0 = arith.constant 0 : index
    %get3A_1 = vector.load %arg1[%get3A, %get3A_0] : memref<1000x64xf32, #tpu.memory_space<vmem>>, vector<1000x64xf32>
    %mul3A = arith.mulf %get3A_1, %get3A_1 : vector<1000x64xf32>
    %reduce_sum3A = arith.constant dense<0.000000e+00> : vector<1000xf32>
    %reduce_sum3A_2 = vector.multi_reduction <add>, %mul3A, %reduce_sum3A [1] : vector<1000x64xf32> to vector<1000xf32>
    %broadcast_in_dim3A = vector.shape_cast %reduce_sum3A_2 : vector<1000xf32> to vector<1000x1xf32>
    %sqrt3A = math.sqrt %broadcast_in_dim3A : vector<1000x1xf32>
    %max3A = arith.constant 9.99999996E-13 : f32
    %max3A_3 = vector.broadcast %max3A : f32 to vector<1000x1xf32>
    %max3A_4 = arith.maximumf %sqrt3A, %max3A_3 : vector<1000x1xf32>
    %div3A = vector.broadcast %max3A_4 : vector<1000x1xf32> to vector<1000x64xf32>
    %div3A_5 = arith.divf %get3A_1, %div3A : vector<1000x64xf32>
    %swap3A = arith.constant 0 : index
    %swap3A_6 = arith.constant 0 : index
    %swap3A_7 = vector.load %arg2[%swap3A, %swap3A_6] : memref<1000x64xf32, #tpu.memory_space<vmem>>, vector<1000x64xf32>
    tpu.vector_store %arg2[%swap3A, %swap3A_6], %div3A_5 {strides = array<i32>} : memref<1000x64xf32, #tpu.memory_space<vmem>>, vector<1000x64xf32>,
    return
  }
  func.func @transform_0(%arg0: i32) -> (i32, i32) {
    %c0_i32 = arith.constant 0 : i32
    %c0_i32_0 = arith.constant 0 : i32
    return %arg0, %c0_i32 : i32, i32
  }
  func.func @transform_1(%arg0: i32) -> (i32, i32) {
    %c0_i32 = arith.constant 0 : i32
    %c0_i32_0 = arith.constant 0 : i32
    return %arg0, %c0_i32 : i32, i32
  }
}

module attributes {stable_mosaic.version = 14 : i64} {
  func.func @_mlp_norm_body(%arg0: i32, %arg1: memref<800x128xf32, #tpu.memory_space<vmem>>, %arg2: memref<128x256xf32, #tpu.memory_space<vmem>>, %arg3: memref<1x256xf32, #tpu.memory_space<vmem>>, %arg4: memref<256x64xf32, #tpu.memory_space<vmem>>, %arg5: memref<1x64xf32, #tpu.memory_space<vmem>>, %arg6: memref<800x64xf32, #tpu.memory_space<vmem>>) attributes {dimension_semantics = [#tpu.dimension_semantics<arbitrary>], iteration_bounds = array<i64: 50>, scalar_prefetch = 0 : i64, scratch_operands = 0 : i64, tpu.core_type = #tpu.core_type<tc>, window_params = [{transform_indices = @transform_0, window_bounds = array<i64: 800, 128>}, {pipeline_mode = #tpu.pipeline_mode<synchronous>, transform_indices = @transform_1, window_bounds = array<i64: 128, 256>}, {pipeline_mode = #tpu.pipeline_mode<synchronous>, transform_indices = @transform_2, window_bounds = array<i64: 1, 256>}, {pipeline_mode = #tpu.pipeline_mode<synchronous>, transform_indices = @transform_3, window_bounds = array<i64: 256, 64>}, {pipeline_mode = #tpu.pipeline_mode<synchronous>, transform_indices = @transform_4, window_bounds = array<i64: 1, 64>}, {transform_indices = @transform_5, window_bounds = array<i64: 800, 64>}]} {
    %get3A = arith.constant 0 : index
    %get3A_0 = arith.constant 0 : index
    %get3A_1 = vector.load %arg1[%get3A, %get3A_0] : memref<800x128xf32, #tpu.memory_space<vmem>>, vector<800x128xf32>
    %get3A_2 = arith.constant 0 : index
    %get3A_3 = arith.constant 0 : index
    %get3A_4 = vector.load %arg2[%get3A_2, %get3A_3] : memref<128x256xf32, #tpu.memory_space<vmem>>, vector<128x256xf32>
    %dot_general3A = arith.constant dense<0.000000e+00> : vector<800x256xf32>
    %dot_general3A_5 = tpu.matmul %get3A_1, %get3A_4, %dot_general3A {dimension_numbers = #tpu.dot_dimension_numbers<[1], [0], [0], [1], [0, 0, 1, 1], [], []>, transpose_lhs_hint = false} : vector<800x128xf32>, vector<128x256xf32>, vector<800x256xf32> -> vector<800x256xf32>
    %get3A_6 = arith.constant 0 : index
    %get3A_7 = arith.constant 0 : index
    %get3A_8 = vector.load %arg3[%get3A_6, %get3A_7] : memref<1x256xf32, #tpu.memory_space<vmem>>, vector<1x256xf32>
    %add3A = vector.broadcast %get3A_8 : vector<1x256xf32> to vector<800x256xf32>
    %add3A_9 = arith.addf %dot_general3A_5, %add3A : vector<800x256xf32>
    %gt3A = arith.constant 0.000000e+00 : f32
    %gt3A_10 = vector.broadcast %gt3A : f32 to vector<800x256xf32>
    %gt3A_11 = arith.cmpf ogt, %add3A_9, %gt3A_10 : vector<800x256xf32>
    %mul3A = arith.constant 0.00999999977 : f32
    %mul3A_12 = vector.broadcast %mul3A : f32 to vector<800x256xf32>
    %mul3A_13 = arith.mulf %mul3A_12, %add3A_9 : vector<800x256xf32>
    %select_n3A = arith.select %gt3A_11, %add3A_9, %mul3A_13 : vector<800x256xi1>, vector<800x256xf32>
    %get3A_14 = arith.constant 0 : index
    %get3A_15 = arith.constant 0 : index
    %get3A_16 = vector.load %arg4[%get3A_14, %get3A_15] : memref<256x64xf32, #tpu.memory_space<vmem>>, vector<256x64xf32>
    %dot_general3A_17 = arith.constant dense<0.000000e+00> : vector<800x64xf32>
    %dot_general3A_18 = tpu.matmul %select_n3A, %get3A_16, %dot_general3A_17 {dimension_numbers = #tpu.dot_dimension_numbers<[1], [0], [0], [1], [0, 0, 1, 1], [], []>, transpose_lhs_hint = false} : vector<800x256xf32>, vector<256x64xf32>, vector<800x64xf32> -> vector<800x64xf32>
    %get3A_19 = arith.constant 0 : index
    %get3A_20 = arith.constant 0 : index
    %get3A_21 = vector.load %arg5[%get3A_19, %get3A_20] : memref<1x64xf32, #tpu.memory_space<vmem>>, vector<1x64xf32>
    %add3A_22 = vector.broadcast %get3A_21 : vector<1x64xf32> to vector<800x64xf32>
    %add3A_23 = arith.addf %dot_general3A_18, %add3A_22 : vector<800x64xf32>
    %mul3A_24 = arith.mulf %add3A_23, %add3A_23 : vector<800x64xf32>
    %reduce_sum3A = arith.constant dense<0.000000e+00> : vector<800xf32>
    %reduce_sum3A_25 = vector.multi_reduction <add>, %mul3A_24, %reduce_sum3A [1] : vector<800x64xf32> to vector<800xf32>
    %broadcast_in_dim3A = vector.shape_cast %reduce_sum3A_25 : vector<800xf32> to vector<800x1xf32>
    %sqrt3A = math.sqrt %broadcast_in_dim3A : vector<800x1xf32>
    %max3A = arith.constant 9.99999996E-13 : f32
    %max3A_26 = vector.broadcast %max3A : f32 to vector<800x1xf32>
    %max3A_27 = arith.maximumf %sqrt3A, %max3A_26 : vector<800x1xf32>
    %div3A = vector.broadcast %max3A_27 : vector<800x1xf32> to vector<800x64xf32>
    %div3A_28 = arith.divf %add3A_23, %div3A : vector<800x64xf32>
    %swap3A = arith.constant 0 : index
    %swap3A_29 = arith.constant 0 : index
    %swap3A_30 = vector.load %arg6[%swap3A, %swap3A_29] : memref<800x64xf32, #tpu.memory_space<vmem>>, vector<800x64xf32>
    tpu.vector_store %arg6[%swap3A, %swap3A_29], %div3A_28 {strides = array<i32>} : memref<800x64xf32, #tpu.memory_space<vmem>>, vector<800x64xf32>,
    return
  }
  func.func @transform_0(%arg0: i32) -> (i32, i32) {
    %c0_i32 = arith.constant 0 : i32
    %c0_i32_0 = arith.constant 0 : i32
    return %arg0, %c0_i32 : i32, i32
  }
  func.func @transform_1(%arg0: i32) -> (i32, i32) {
    %c0_i32 = arith.constant 0 : i32
    %c0_i32_0 = arith.constant 0 : i32
    %c0_i32_1 = arith.constant 0 : i32
    return %c0_i32, %c0_i32_0 : i32, i32
  }
  func.func @transform_2(%arg0: i32) -> (i32, i32) {
    %c0_i32 = arith.constant 0 : i32
    %c0_i32_0 = arith.constant 0 : i32
    %c0_i32_1 = arith.constant 0 : i32
    return %c0_i32, %c0_i32_0 : i32, i32
  }
  func.func @transform_3(%arg0: i32) -> (i32, i32) {
    %c0_i32 = arith.constant 0 : i32
    %c0_i32_0 = arith.constant 0 : i32
    %c0_i32_1 = arith.constant 0 : i32
    return %c0_i32, %c0_i32_0 : i32, i32
  }
  func.func @transform_4(%arg0: i32) -> (i32, i32) {
    %c0_i32 = arith.constant 0 : i32
    %c0_i32_0 = arith.constant 0 : i32
    %c0_i32_1 = arith.constant 0 : i32
    return %c0_i32, %c0_i32_0 : i32, i32
  }
  func.func @transform_5(%arg0: i32) -> (i32, i32) {
    %c0_i32 = arith.constant 0 : i32
    %c0_i32_0 = arith.constant 0 : i32
    return %arg0, %c0_i32 : i32, i32
  }
}

module attributes {stable_mosaic.version = 14 : i64} {
  func.func @_scale_body(%arg0: i32, %arg1: memref<1000x64xf32, #tpu.memory_space<vmem>>, %arg2: memref<1000x8xf32, #tpu.memory_space<vmem>>, %arg3: memref<1000x8xf32, #tpu.memory_space<vmem>>, %arg4: memref<64x64xf32, #tpu.memory_space<vmem>>, %arg5: memref<1000x64xf32, #tpu.memory_space<vmem>>, %arg6: memref<1000x64xf32, #tpu.memory_space<vmem>>) attributes {dimension_semantics = [#tpu.dimension_semantics<arbitrary>], iteration_bounds = array<i64: 50>, scalar_prefetch = 0 : i64, scratch_operands = 0 : i64, tpu.core_type = #tpu.core_type<tc>, window_params = [{transform_indices = @transform_0, window_bounds = array<i64: 1000, 64>}, {transform_indices = @transform_1, window_bounds = array<i64: 1000, 8>}, {transform_indices = @transform_2, window_bounds = array<i64: 1000, 8>}, {pipeline_mode = #tpu.pipeline_mode<synchronous>, transform_indices = @transform_3, window_bounds = array<i64: 64, 64>}, {transform_indices = @transform_4, window_bounds = array<i64: 1000, 64>}, {transform_indices = @transform_5, window_bounds = array<i64: 1000, 64>}]} {
    %get3A = arith.constant 0 : index
    %get3A_0 = arith.constant 0 : index
    %get3A_1 = vector.load %arg1[%get3A, %get3A_0] : memref<1000x64xf32, #tpu.memory_space<vmem>>, vector<1000x64xf32>
    %get3A_2 = arith.constant 0 : index
    %get3A_3 = arith.constant 0 : index
    %get3A_4 = vector.load %arg4[%get3A_2, %get3A_3] : memref<64x64xf32, #tpu.memory_space<vmem>>, vector<64x64xf32>
    %dot_general3A = arith.constant dense<0.000000e+00> : vector<1000x64xf32>
    %dot_general3A_5 = tpu.matmul %get3A_1, %get3A_4, %dot_general3A {dimension_numbers = #tpu.dot_dimension_numbers<[1], [0], [0], [1], [0, 0, 1, 1], [], []>, transpose_lhs_hint = false} : vector<1000x64xf32>, vector<64x64xf32>, vector<1000x64xf32> -> vector<1000x64xf32>
    %get3A_6 = arith.constant 0 : index
    %get3A_7 = arith.constant 0 : index
    %get3A_8 = vector.load %arg2[%get3A_6, %get3A_7] : memref<1000x8xf32, #tpu.memory_space<vmem>>, vector<1000x8xf32>
    %get3A_9 = arith.constant 0 : index
    %get3A_10 = arith.constant 0 : index
    %get3A_11 = vector.load %arg3[%get3A_9, %get3A_10] : memref<1000x8xf32, #tpu.memory_space<vmem>>, vector<1000x8xf32>
    %slice3A = vector.extract_strided_slice %get3A_8 {offsets = [0, 0], sizes = [1000, 1], strides = [1, 1]} : vector<1000x8xf32> to vector<1000x1xf32>
    %slice3A_12 = vector.extract_strided_slice %get3A_11 {offsets = [0, 0], sizes = [1000, 1], strides = [1, 1]} : vector<1000x8xf32> to vector<1000x1xf32>
    %add3A = arith.addf %slice3A, %slice3A_12 : vector<1000x1xf32>
    %add3A_13 = arith.constant 1.000000e+00 : f32
    %add3A_14 = vector.broadcast %add3A_13 : f32 to vector<1000x1xf32>
    %add3A_15 = arith.addf %add3A, %add3A_14 : vector<1000x1xf32>
    %rsqrt3A = math.rsqrt %add3A_15 : vector<1000x1xf32>
    %mul3A = vector.broadcast %rsqrt3A : vector<1000x1xf32> to vector<1000x64xf32>
    %mul3A_16 = arith.mulf %dot_general3A_5, %mul3A : vector<1000x64xf32>
    %swap3A = arith.constant 0 : index
    %swap3A_17 = arith.constant 0 : index
    %swap3A_18 = vector.load %arg5[%swap3A, %swap3A_17] : memref<1000x64xf32, #tpu.memory_space<vmem>>, vector<1000x64xf32>
    tpu.vector_store %arg5[%swap3A, %swap3A_17], %mul3A_16 {strides = array<i32>} : memref<1000x64xf32, #tpu.memory_space<vmem>>, vector<1000x64xf32>,
    %mul3A_19 = arith.mulf %rsqrt3A, %rsqrt3A : vector<1000x1xf32>
    %mul3A_20 = vector.broadcast %mul3A_19 : vector<1000x1xf32> to vector<1000x64xf32>
    %mul3A_21 = arith.mulf %dot_general3A_5, %mul3A_20 : vector<1000x64xf32>
    %swap3A_22 = arith.constant 0 : index
    %swap3A_23 = arith.constant 0 : index
    %swap3A_24 = vector.load %arg6[%swap3A_22, %swap3A_23] : memref<1000x64xf32, #tpu.memory_space<vmem>>, vector<1000x64xf32>
    tpu.vector_store %arg6[%swap3A_22, %swap3A_23], %mul3A_21 {strides = array<i32>} : memref<1000x64xf32, #tpu.memory_space<vmem>>, vector<1000x64xf32>,
    return
  }
  func.func @transform_0(%arg0: i32) -> (i32, i32) {
    %c0_i32 = arith.constant 0 : i32
    %c0_i32_0 = arith.constant 0 : i32
    return %arg0, %c0_i32 : i32, i32
  }
  func.func @transform_1(%arg0: i32) -> (i32, i32) {
    %c0_i32 = arith.constant 0 : i32
    %c0_i32_0 = arith.constant 0 : i32
    return %arg0, %c0_i32 : i32, i32
  }
  func.func @transform_2(%arg0: i32) -> (i32, i32) {
    %c0_i32 = arith.constant 0 : i32
    %c0_i32_0 = arith.constant 0 : i32
    return %arg0, %c0_i32 : i32, i32
  }
  func.func @transform_3(%arg0: i32) -> (i32, i32) {
    %c0_i32 = arith.constant 0 : i32
    %c0_i32_0 = arith.constant 0 : i32
    %c0_i32_1 = arith.constant 0 : i32
    return %c0_i32, %c0_i32_0 : i32, i32
  }
  func.func @transform_4(%arg0: i32) -> (i32, i32) {
    %c0_i32 = arith.constant 0 : i32
    %c0_i32_0 = arith.constant 0 : i32
    return %arg0, %c0_i32 : i32, i32
  }
  func.func @transform_5(%arg0: i32) -> (i32, i32) {
    %c0_i32 = arith.constant 0 : i32
    %c0_i32_0 = arith.constant 0 : i32
    return %arg0, %c0_i32 : i32, i32
  }
}

module attributes {stable_mosaic.version = 14 : i64} {
  func.func @_mid_body(%arg0: i32, %arg1: memref<1000x32xf32, #tpu.memory_space<vmem>>, %arg2: memref<1000x32xf32, #tpu.memory_space<vmem>>, %arg3: memref<1000x64xf32, #tpu.memory_space<vmem>>, %arg4: memref<1000x8xf32, #tpu.memory_space<vmem>>, %arg5: memref<1000x8xf32, #tpu.memory_space<vmem>>, %arg6: memref<64x64xf32, #tpu.memory_space<vmem>>, %arg7: memref<1x64xf32, #tpu.memory_space<vmem>>, %arg8: memref<1000x64xf32, #tpu.memory_space<vmem>>, %arg9: memref<1000x64xf32, #tpu.memory_space<vmem>>, %arg10: memref<1000x64xf32, #tpu.memory_space<vmem>>) attributes {dimension_semantics = [#tpu.dimension_semantics<arbitrary>], iteration_bounds = array<i64: 50>, scalar_prefetch = 0 : i64, scratch_operands = 0 : i64, tpu.core_type = #tpu.core_type<tc>, window_params = [{transform_indices = @transform_0, window_bounds = array<i64: 1000, 32>}, {transform_indices = @transform_1, window_bounds = array<i64: 1000, 32>}, {transform_indices = @transform_2, window_bounds = array<i64: 1000, 64>}, {transform_indices = @transform_3, window_bounds = array<i64: 1000, 8>}, {transform_indices = @transform_4, window_bounds = array<i64: 1000, 8>}, {pipeline_mode = #tpu.pipeline_mode<synchronous>, transform_indices = @transform_5, window_bounds = array<i64: 64, 64>}, {pipeline_mode = #tpu.pipeline_mode<synchronous>, transform_indices = @transform_6, window_bounds = array<i64: 1, 64>}, {transform_indices = @transform_7, window_bounds = array<i64: 1000, 64>}, {transform_indices = @transform_8, window_bounds = array<i64: 1000, 64>}, {transform_indices = @transform_9, window_bounds = array<i64: 1000, 64>}]} {
    %get3A = arith.constant 0 : index
    %get3A_0 = arith.constant 0 : index
    %get3A_1 = vector.load %arg4[%get3A, %get3A_0] : memref<1000x8xf32, #tpu.memory_space<vmem>>, vector<1000x8xf32>
    %get3A_2 = arith.constant 0 : index
    %get3A_3 = arith.constant 0 : index
    %get3A_4 = vector.load %arg5[%get3A_2, %get3A_3] : memref<1000x8xf32, #tpu.memory_space<vmem>>, vector<1000x8xf32>
    %slice3A = vector.extract_strided_slice %get3A_1 {offsets = [0, 0], sizes = [1000, 1], strides = [1, 1]} : vector<1000x8xf32> to vector<1000x1xf32>
    %slice3A_5 = vector.extract_strided_slice %get3A_4 {offsets = [0, 0], sizes = [1000, 1], strides = [1, 1]} : vector<1000x8xf32> to vector<1000x1xf32>
    %add3A = arith.addf %slice3A, %slice3A_5 : vector<1000x1xf32>
    %add3A_6 = arith.constant 1.000000e+00 : f32
    %add3A_7 = vector.broadcast %add3A_6 : f32 to vector<1000x1xf32>
    %add3A_8 = arith.addf %add3A, %add3A_7 : vector<1000x1xf32>
    %rsqrt3A = math.rsqrt %add3A_8 : vector<1000x1xf32>
    %get3A_9 = arith.constant 0 : index
    %get3A_10 = arith.constant 0 : index
    %get3A_11 = vector.load %arg1[%get3A_9, %get3A_10] : memref<1000x32xf32, #tpu.memory_space<vmem>>, vector<1000x32xf32>
    %get3A_12 = arith.constant 0 : index
    %get3A_13 = arith.constant 0 : index
    %get3A_14 = vector.load %arg2[%get3A_12, %get3A_13] : memref<1000x32xf32, #tpu.memory_space<vmem>>, vector<1000x32xf32>
    %concatenate3A = tpu.concatenate %get3A_11, %get3A_14 in 1 : vector<1000x32xf32>, vector<1000x32xf32> -> vector<1000x64xf32>
    %mul3A = vector.broadcast %rsqrt3A : vector<1000x1xf32> to vector<1000x64xf32>
    %mul3A_15 = arith.mulf %concatenate3A, %mul3A : vector<1000x64xf32>
    %get3A_16 = arith.constant 0 : index
    %get3A_17 = arith.constant 0 : index
    %get3A_18 = vector.load %arg3[%get3A_16, %get3A_17] : memref<1000x64xf32, #tpu.memory_space<vmem>>, vector<1000x64xf32>
    %add3A_19 = arith.addf %mul3A_15, %get3A_18 : vector<1000x64xf32>
    %get3A_20 = arith.constant 0 : index
    %get3A_21 = arith.constant 0 : index
    %get3A_22 = vector.load %arg7[%get3A_20, %get3A_21] : memref<1x64xf32, #tpu.memory_space<vmem>>, vector<1x64xf32>
    %add3A_23 = vector.broadcast %get3A_22 : vector<1x64xf32> to vector<1000x64xf32>
    %add3A_24 = arith.addf %add3A_19, %add3A_23 : vector<1000x64xf32>
    %swap3A = arith.constant 0 : index
    %swap3A_25 = arith.constant 0 : index
    %swap3A_26 = vector.load %arg8[%swap3A, %swap3A_25] : memref<1000x64xf32, #tpu.memory_space<vmem>>, vector<1000x64xf32>
    tpu.vector_store %arg8[%swap3A, %swap3A_25], %add3A_24 {strides = array<i32>} : memref<1000x64xf32, #tpu.memory_space<vmem>>, vector<1000x64xf32>,
    %get3A_27 = arith.constant 0 : index
    %get3A_28 = arith.constant 0 : index
    %get3A_29 = vector.load %arg6[%get3A_27, %get3A_28] : memref<64x64xf32, #tpu.memory_space<vmem>>, vector<64x64xf32>
    %dot_general3A = arith.constant dense<0.000000e+00> : vector<1000x64xf32>
    %dot_general3A_30 = tpu.matmul %add3A_24, %get3A_29, %dot_general3A {dimension_numbers = #tpu.dot_dimension_numbers<[1], [0], [0], [1], [0, 0, 1, 1], [], []>, transpose_lhs_hint = false} : vector<1000x64xf32>, vector<64x64xf32>, vector<1000x64xf32> -> vector<1000x64xf32>
    %mul3A_31 = vector.broadcast %rsqrt3A : vector<1000x1xf32> to vector<1000x64xf32>
    %mul3A_32 = arith.mulf %dot_general3A_30, %mul3A_31 : vector<1000x64xf32>
    %swap3A_33 = arith.constant 0 : index
    %swap3A_34 = arith.constant 0 : index
    %swap3A_35 = vector.load %arg9[%swap3A_33, %swap3A_34] : memref<1000x64xf32, #tpu.memory_space<vmem>>, vector<1000x64xf32>
    tpu.vector_store %arg9[%swap3A_33, %swap3A_34], %mul3A_32 {strides = array<i32>} : memref<1000x64xf32, #tpu.memory_space<vmem>>, vector<1000x64xf32>,
    %mul3A_36 = arith.mulf %rsqrt3A, %rsqrt3A : vector<1000x1xf32>
    %mul3A_37 = vector.broadcast %mul3A_36 : vector<1000x1xf32> to vector<1000x64xf32>
    %mul3A_38 = arith.mulf %dot_general3A_30, %mul3A_37 : vector<1000x64xf32>
    %swap3A_39 = arith.constant 0 : index
    %swap3A_40 = arith.constant 0 : index
    %swap3A_41 = vector.load %arg10[%swap3A_39, %swap3A_40] : memref<1000x64xf32, #tpu.memory_space<vmem>>, vector<1000x64xf32>
    tpu.vector_store %arg10[%swap3A_39, %swap3A_40], %mul3A_38 {strides = array<i32>} : memref<1000x64xf32, #tpu.memory_space<vmem>>, vector<1000x64xf32>,
    return
  }
  func.func @transform_0(%arg0: i32) -> (i32, i32) {
    %c0_i32 = arith.constant 0 : i32
    %c0_i32_0 = arith.constant 0 : i32
    return %arg0, %c0_i32 : i32, i32
  }
  func.func @transform_1(%arg0: i32) -> (i32, i32) {
    %c0_i32 = arith.constant 0 : i32
    %c0_i32_0 = arith.constant 0 : i32
    return %arg0, %c0_i32 : i32, i32
  }
  func.func @transform_2(%arg0: i32) -> (i32, i32) {
    %c0_i32 = arith.constant 0 : i32
    %c0_i32_0 = arith.constant 0 : i32
    return %arg0, %c0_i32 : i32, i32
  }
  func.func @transform_3(%arg0: i32) -> (i32, i32) {
    %c0_i32 = arith.constant 0 : i32
    %c0_i32_0 = arith.constant 0 : i32
    return %arg0, %c0_i32 : i32, i32
  }
  func.func @transform_4(%arg0: i32) -> (i32, i32) {
    %c0_i32 = arith.constant 0 : i32
    %c0_i32_0 = arith.constant 0 : i32
    return %arg0, %c0_i32 : i32, i32
  }
  func.func @transform_5(%arg0: i32) -> (i32, i32) {
    %c0_i32 = arith.constant 0 : i32
    %c0_i32_0 = arith.constant 0 : i32
    %c0_i32_1 = arith.constant 0 : i32
    return %c0_i32, %c0_i32_0 : i32, i32
  }
  func.func @transform_6(%arg0: i32) -> (i32, i32) {
    %c0_i32 = arith.constant 0 : i32
    %c0_i32_0 = arith.constant 0 : i32
    %c0_i32_1 = arith.constant 0 : i32
    return %c0_i32, %c0_i32_0 : i32, i32
  }
  func.func @transform_7(%arg0: i32) -> (i32, i32) {
    %c0_i32 = arith.constant 0 : i32
    %c0_i32_0 = arith.constant 0 : i32
    return %arg0, %c0_i32 : i32, i32
  }
  func.func @transform_8(%arg0: i32) -> (i32, i32) {
    %c0_i32 = arith.constant 0 : i32
    %c0_i32_0 = arith.constant 0 : i32
    return %arg0, %c0_i32 : i32, i32
  }
  func.func @transform_9(%arg0: i32) -> (i32, i32) {
    %c0_i32 = arith.constant 0 : i32
    %c0_i32_0 = arith.constant 0 : i32
    return %arg0, %c0_i32 : i32, i32
  }
}

module attributes {stable_mosaic.version = 14 : i64} {
  func.func @_final_body(%arg0: i32, %arg1: memref<1000x32xf32, #tpu.memory_space<vmem>>, %arg2: memref<1000x32xf32, #tpu.memory_space<vmem>>, %arg3: memref<1000x64xf32, #tpu.memory_space<vmem>>, %arg4: memref<1000x8xf32, #tpu.memory_space<vmem>>, %arg5: memref<1000x8xf32, #tpu.memory_space<vmem>>, %arg6: memref<1000x64xf32, #tpu.memory_space<vmem>>, %arg7: memref<1000x64xf32, #tpu.memory_space<vmem>>, %arg8: memref<1x64xf32, #tpu.memory_space<vmem>>, %arg9: memref<1000x64xf32, #tpu.memory_space<vmem>>) attributes {dimension_semantics = [#tpu.dimension_semantics<arbitrary>], iteration_bounds = array<i64: 50>, scalar_prefetch = 0 : i64, scratch_operands = 0 : i64, tpu.core_type = #tpu.core_type<tc>, window_params = [{transform_indices = @transform_0, window_bounds = array<i64: 1000, 32>}, {transform_indices = @transform_1, window_bounds = array<i64: 1000, 32>}, {transform_indices = @transform_2, window_bounds = array<i64: 1000, 64>}, {transform_indices = @transform_3, window_bounds = array<i64: 1000, 8>}, {transform_indices = @transform_4, window_bounds = array<i64: 1000, 8>}, {transform_indices = @transform_5, window_bounds = array<i64: 1000, 64>}, {transform_indices = @transform_6, window_bounds = array<i64: 1000, 64>}, {pipeline_mode = #tpu.pipeline_mode<synchronous>, transform_indices = @transform_7, window_bounds = array<i64: 1, 64>}, {transform_indices = @transform_8, window_bounds = array<i64: 1000, 64>}]} {
    %get3A = arith.constant 0 : index
    %get3A_0 = arith.constant 0 : index
    %get3A_1 = vector.load %arg4[%get3A, %get3A_0] : memref<1000x8xf32, #tpu.memory_space<vmem>>, vector<1000x8xf32>
    %get3A_2 = arith.constant 0 : index
    %get3A_3 = arith.constant 0 : index
    %get3A_4 = vector.load %arg5[%get3A_2, %get3A_3] : memref<1000x8xf32, #tpu.memory_space<vmem>>, vector<1000x8xf32>
    %slice3A = vector.extract_strided_slice %get3A_1 {offsets = [0, 0], sizes = [1000, 1], strides = [1, 1]} : vector<1000x8xf32> to vector<1000x1xf32>
    %slice3A_5 = vector.extract_strided_slice %get3A_4 {offsets = [0, 0], sizes = [1000, 1], strides = [1, 1]} : vector<1000x8xf32> to vector<1000x1xf32>
    %add3A = arith.addf %slice3A, %slice3A_5 : vector<1000x1xf32>
    %add3A_6 = arith.constant 1.000000e+00 : f32
    %add3A_7 = vector.broadcast %add3A_6 : f32 to vector<1000x1xf32>
    %add3A_8 = arith.addf %add3A, %add3A_7 : vector<1000x1xf32>
    %rsqrt3A = math.rsqrt %add3A_8 : vector<1000x1xf32>
    %get3A_9 = arith.constant 0 : index
    %get3A_10 = arith.constant 0 : index
    %get3A_11 = vector.load %arg1[%get3A_9, %get3A_10] : memref<1000x32xf32, #tpu.memory_space<vmem>>, vector<1000x32xf32>
    %get3A_12 = arith.constant 0 : index
    %get3A_13 = arith.constant 0 : index
    %get3A_14 = vector.load %arg2[%get3A_12, %get3A_13] : memref<1000x32xf32, #tpu.memory_space<vmem>>, vector<1000x32xf32>
    %concatenate3A = tpu.concatenate %get3A_11, %get3A_14 in 1 : vector<1000x32xf32>, vector<1000x32xf32> -> vector<1000x64xf32>
    %mul3A = vector.broadcast %rsqrt3A : vector<1000x1xf32> to vector<1000x64xf32>
    %mul3A_15 = arith.mulf %concatenate3A, %mul3A : vector<1000x64xf32>
    %get3A_16 = arith.constant 0 : index
    %get3A_17 = arith.constant 0 : index
    %get3A_18 = vector.load %arg3[%get3A_16, %get3A_17] : memref<1000x64xf32, #tpu.memory_space<vmem>>, vector<1000x64xf32>
    %add3A_19 = arith.addf %mul3A_15, %get3A_18 : vector<1000x64xf32>
    %get3A_20 = arith.constant 0 : index
    %get3A_21 = arith.constant 0 : index
    %get3A_22 = vector.load %arg8[%get3A_20, %get3A_21] : memref<1x64xf32, #tpu.memory_space<vmem>>, vector<1x64xf32>
    %add3A_23 = vector.broadcast %get3A_22 : vector<1x64xf32> to vector<1000x64xf32>
    %add3A_24 = arith.addf %add3A_19, %add3A_23 : vector<1000x64xf32>
    %get3A_25 = arith.constant 0 : index
    %get3A_26 = arith.constant 0 : index
    %get3A_27 = vector.load %arg6[%get3A_25, %get3A_26] : memref<1000x64xf32, #tpu.memory_space<vmem>>, vector<1000x64xf32>
    %get3A_28 = arith.constant 0 : index
    %get3A_29 = arith.constant 0 : index
    %get3A_30 = vector.load %arg7[%get3A_28, %get3A_29] : memref<1000x64xf32, #tpu.memory_space<vmem>>, vector<1000x64xf32>
    %add3A_31 = arith.addf %get3A_27, %get3A_30 : vector<1000x64xf32>
    %add3A_32 = arith.addf %add3A_31, %add3A_24 : vector<1000x64xf32>
    %swap3A = arith.constant 0 : index
    %swap3A_33 = arith.constant 0 : index
    %swap3A_34 = vector.load %arg9[%swap3A, %swap3A_33] : memref<1000x64xf32, #tpu.memory_space<vmem>>, vector<1000x64xf32>
    tpu.vector_store %arg9[%swap3A, %swap3A_33], %add3A_32 {strides = array<i32>} : memref<1000x64xf32, #tpu.memory_space<vmem>>, vector<1000x64xf32>,
    return
  }
  func.func @transform_0(%arg0: i32) -> (i32, i32) {
    %c0_i32 = arith.constant 0 : i32
    %c0_i32_0 = arith.constant 0 : i32
    return %arg0, %c0_i32 : i32, i32
  }
  func.func @transform_1(%arg0: i32) -> (i32, i32) {
    %c0_i32 = arith.constant 0 : i32
    %c0_i32_0 = arith.constant 0 : i32
    return %arg0, %c0_i32 : i32, i32
  }
  func.func @transform_2(%arg0: i32) -> (i32, i32) {
    %c0_i32 = arith.constant 0 : i32
    %c0_i32_0 = arith.constant 0 : i32
    return %arg0, %c0_i32 : i32, i32
  }
  func.func @transform_3(%arg0: i32) -> (i32, i32) {
    %c0_i32 = arith.constant 0 : i32
    %c0_i32_0 = arith.constant 0 : i32
    return %arg0, %c0_i32 : i32, i32
  }
  func.func @transform_4(%arg0: i32) -> (i32, i32) {
    %c0_i32 = arith.constant 0 : i32
    %c0_i32_0 = arith.constant 0 : i32
    return %arg0, %c0_i32 : i32, i32
  }
  func.func @transform_5(%arg0: i32) -> (i32, i32) {
    %c0_i32 = arith.constant 0 : i32
    %c0_i32_0 = arith.constant 0 : i32
    return %arg0, %c0_i32 : i32, i32
  }
  func.func @transform_6(%arg0: i32) -> (i32, i32) {
    %c0_i32 = arith.constant 0 : i32
    %c0_i32_0 = arith.constant 0 : i32
    return %arg0, %c0_i32 : i32, i32
  }
  func.func @transform_7(%arg0: i32) -> (i32, i32) {
    %c0_i32 = arith.constant 0 : i32
    %c0_i32_0 = arith.constant 0 : i32
    %c0_i32_1 = arith.constant 0 : i32
    return %c0_i32, %c0_i32_0 : i32, i32
  }
  func.func @transform_8(%arg0: i32) -> (i32, i32) {
    %c0_i32 = arith.constant 0 : i32
    %c0_i32_0 = arith.constant 0 : i32
    return %arg0, %c0_i32 : i32, i32
  }
}

</mosaic_0001>

<sc_bundles>
// kernel: kernel.11.cloned.1.call-start
scs
__scs_entry_jumppad:
0x0: {  	(pc) =	sbr.rel $0x88, $3  }
0x1: {  	(tag) =	ssettag $0x0;
	lr =	simm.s32 $0x1  }
0x2: {  	[smem:$0x3F98] =	sst lr;
	_ =	strace $0xD0000000  }
0x3: {  	_ = 	snop  }
0x4: {  	_ = 	snop  }
0x5: {  	_ = 	snop  }
0x6: {  	_ = 	snop  }
0x7: {  	_ = 	snop  }
__scs_overlays_trampoline_lowered:
0x8: {  	[smem:$0x3FA7] =	sst s0  }
0x9: {  	[smem:$0x3FA8] =	sst s1  }
0xa: {  	[smem:$0x3FA9] =	sst s2  }
0xb: {  	[smem:$0x3FAA] =	sst s3  }
0xc: {  	[smem:$0x3FAB] =	sst s4  }
0xd: {  	[smem:$0x3FAC] =	sst s5  }
0xe: {  	[smem:$0x3FAD] =	sst s6  }
0xf: {  	[smem:$0x3FAE] =	sst s7  }
0x10: {  	[smem:$0x3FAF] =	sst s8  }
0x11: {  	[smem:$0x3FB0] =	sst s9;
	s0 =	simm.s32 @!p0 $0x0  }
0x12: {  	s1 =	sld [smem:$0x3F96];
	s0 =	simm.s32 @p0 $0x1  }
0x13: {  	[smem:$0x3FB1] =	sst s0;
	s0 =	simm.s32 @!p1 $0x0  }
0x14: {  	s2 =	sld [smem:$0x3F95];
	s0 =	simm.s32 @p1 $0x1  }
0x15: {  	[smem:$0x3FB2] =	sst s0;
	s0 =	simm.s32 @!p2 $0x0  }
0x16: {  	s3 =	sld [smem:$0x3FDB];
	s0 =	simm.s32 @p2 $0x1  }
0x17: {  	s4 =	simm.s32 $0x1BF5;
	[smem:$0x3FB4] =	sst s0  }
0x18: {  	s0 =	sld [smem:$0x3F97];
	_ =	swait.ge [sflag:s4], $0x0  }
0x19: {  	s7 =	sld [smem:$0x3F98]  }
0x1a: {  	s8 =	sadd.s32 $0xFFFFE003, lr  }
0x1b: {  	s9 =	sadd.s32 $0xFFFFFEF7, lr;
	s5 =	simm.s32 $0xFFFFFFFF;
	p2 =	slt.u32 s8, $0xFFFFF086  }
0x1c: {  	p1 =	slt.u32 s9, $0xF7A;
	s5 =	simm.s32 @!p2 $0x0  }
0x1d: {  	s5 =	simm.s32 @p1 $0x1;
	p0 =	seq.s32 s7, s2  }
0x1e: {  	s7 =	smul.u32 @!p0 $0xF7A, s2;
	p2 =	seq.s32 @!p0 s5, $0x0  }
0x1f: {  	s9 =	smul.u32 $0xF7A, s1;
	s8 =	simm.s32 @!p0 $0x1BF5;
	p2 =	por !p2, p0  }
0x20: {  	[sflag:s8] =	ssyncset.s32 @!p0 $0xFFFFF086;
	s6 =	sadd.s32 @!p0 s3, s7;
	s7 =	simm.s32 @!p0 $0x108  }
0x21: {  	s3 =	sadd.s32 s3, s9;
	s6 =	sadd.s32 @!p0 $0x88, s6;
	s7 =	simm.s32 @p2 $0x1082  }
0x22: {  	[simem:s7], [sflag:s8] =	dma.local @!p0 [hbm:s6], $0xF7A  }
0x23: {  	s9 =	sor.u32 $0xD0000000, s2;
	s6 =	simm.s32 $0x108;
	_ =	swait.ge @!p0 [sflag:s8], $0x0  }
0x24: {  	s3 =	sadd.s32 $0x88, s3;
	s6 =	simm.s32 @!p1 $0x1082;
	[sflag:s4] =	ssyncset.s32 $0xFFFFF086  }
0x25: {  	[simem:s6], [sflag:s4] =	dma.local [hbm:s3], $0xF7A  }
0x26: {  	[smem:$0x3F98] =	sst s1;
	(tag) =	ssettag s2;
	_ =	strace s9  }
0x27: {  	s1 =	sld [smem:$0x3FA8]  }
0x28: {  	s2 =	sld [smem:$0x3FA9]  }
0x29: {  	s4 =	sld [smem:$0x3FAB]  }
0x2a: {  	p0 =	seq.s32 s5, $0x0;
	s5 =	sld [smem:$0x3FAC]  }
0x2b: {  	s6 =	sld [smem:$0x3FAD]  }
0x2c: {  	s7 =	sld [smem:$0x3FAE]  }
0x2d: {  	s3 =	simm.s32 $0x108;
	s8 =	sld [smem:$0x3FAF]  }
0x2e: {  	s3 =	simm.s32 @!p0 $0x1082;
	s9 =	sld [smem:$0x3FB0]  }
0x2f: {  	lr =	sadd.s32 s0, s3;
	s0 =	sld [smem:$0x3FA7]  }
0x30: {  	s3 =	sld [smem:$0x3FAA]  }
0x31: {  	[smem:$0x3FB3] =	sst s10  }
0x32: {  	s10 =	sld [smem:$0x3FB1];
	_ =	sdelay $0x3  }
0x33: {  	p0 =	seq.s32 s10, $0x1;
	s10 =	sld [smem:$0x3FB3];
	_ =	sdelay $0x3  }
0x34: {  	[smem:$0x3FB3] =	sst s10  }
0x35: {  	s10 =	sld [smem:$0x3FB2];
	_ =	sdelay $0x3  }
0x36: {  	p1 =	seq.s32 s10, $0x1;
	s10 =	sld [smem:$0x3FB3];
	_ =	sdelay $0x3  }
0x37: {  	[smem:$0x3FB3] =	sst s10  }
0x38: {  	s10 =	sld [smem:$0x3FB4]  }
0x39: {  	_ = 	snop;
	(pc) =	sbr.ind lr, $3  }
0x3a: {  	_ = 	snop  }
0x3b: {  	_ = 	snop  }
0x3c: {  	p2 =	seq.s32 s10, $0x1;
	s10 =	sld [smem:$0x3FB3]  }
0x3d: {  	_ =	shalt  }
0x3e: {  	_ =	shalt  }
0x3f: {  	_ =	shalt  }
0x40: {  	_ =	shalt  }
0x41: {  	_ =	shalt  }
0x42: {  	_ =	shalt  }
0x43: {  	_ =	shalt  }
0x44: {  	_ =	shalt  }
0x45: {  	_ =	shalt  }
0x46: {  	_ =	shalt  }
0x47: {  	_ =	shalt  }
0x48: {  	_ =	shalt  }
0x49: {  	_ =	shalt  }
0x4a: {  	_ =	shalt  }
0x4b: {  	_ =	shalt  }
0x4c: {  	_ =	shalt  }
0x4d: {  	_ =	shalt  }
0x4e: {  	_ =	shalt  }
0x4f: {  	_ =	shalt  }
0x50: {  	_ =	shalt  }
0x51: {  	_ =	shalt  }
0x52: {  	_ =	shalt  }
0x53: {  	_ =	shalt  }
0x54: {  	_ =	shalt  }
0x55: {  	_ =	shalt  }
0x56: {  	_ =	shalt  }
0x57: {  	_ =	shalt  }
0x58: {  	_ =	shalt  }
0x59: {  	_ =	shalt  }
0x5a: {  	_ =	shalt  }
0x5b: {  	_ =	shalt  }
0x5c: {  	_ =	shalt  }
0x5d: {  	_ =	shalt  }
0x5e: {  	_ =	shalt  }
0x5f: {  	_ =	shalt  }
0x60: {  	_ =	shalt  }
0x61: {  	_ =	shalt  }
0x62: {  	_ =	shalt  }
0x63: {  	_ =	shalt  }
0x64: {  	_ =	shalt  }
0x65: {  	_ =	shalt  }
0x66: {  	_ =	shalt  }
0x67: {  	_ =	shalt  }
0x68: {  	_ =	shalt  }
0x69: {  	_ =	shalt  }
0x6a: {  	_ =	shalt  }
0x6b: {  	_ =	shalt  }
0x6c: {  	_ =	shalt  }
0x6d: {  	_ =	shalt  }
0x6e: {  	_ =	shalt  }
0x6f: {  	_ =	shalt  }
0x70: {  	_ =	shalt  }
0x71: {  	_ =	shalt  }
0x72: {  	_ =	shalt  }
0x73: {  	_ =	shalt  }
0x74: {  	_ =	shalt  }
0x75: {  	_ =	shalt  }
0x76: {  	_ =	shalt  }
0x77: {  	_ =	shalt  }
0x78: {  	_ =	shalt  }
0x79: {  	_ =	shalt  }
0x7a: {  	_ =	shalt  }
0x7b: {  	_ =	shalt  }
0x7c: {  	_ =	shalt  }
0x7d: {  	_ =	shalt  }
0x7e: {  	_ =	shalt  }
0x7f: {  	_ =	shalt  }
0x80: {  	_ =	shalt  }
0x81: {  	_ =	shalt  }
0x82: {  	_ =	shalt  }
0x83: {  	_ =	shalt  }
0x84: {  	_ =	shalt  }
0x85: {  	_ =	shalt  }
0x86: {  	_ =	shalt  }
0x87: {  	_ =	shalt  }
.Lfunc_end0:
.L_simem_size_0:
called_computation_lowered:
.L_overlay_start_0:
0x88: {  	s2 =	sld [smem:$0x3FD9]  }
0x89: {  	s3 =	sld [smem:$0x3FFE];
	_ =	sdelay $0x1  }
0x8a: {  	s1 =	srdreg.scid  }
0x8b: {  	s0 =	sand.u32 $0x1, s1  }
0x8c: {  	s14 =	sshll.u32 s0, $0xA;
	s2 =	sadd.s32 s3, s2  }
0x8d: {  	s2 =	sadd.s32 s2, s14  }
0x8e: {  	[smem:$0x3FBF] =	sst s2  }
0x8f: {  	_ = 	snop  }
0x90: {  	s2 =	sld [smem:$0x3FD0];
	_ =	sdelay $0x2  }
0x91: {  	s15 =	simm.s32 $0xA;
	s4 =	simm.s32 $0x10  }
0x92: {  	[smem:s4], [sflag:s15] =	dma.local [hbm:s2], $0x1  }
0x93: {  	_ =	swait.eq [sflag:s15], $0x1  }
0x94: {  	[sflag:s15] =	ssyncset.done $0x0  }
0x95: {  	s16 =	sld [smem:$0x10];
	[sflag:s15] =	ssyncadd.s32 $0xFFFFFFFF  }
0x96: {  	s17 =	sld [smem:$0x11];
	(tm) =	ssettm $0x1  }
0x97: {  	s18 =	sld [smem:$0x3FFB];
	_ =	sdelay $0x3  }
0x98: {  	_ =	strace s18  }
0x99: {  	s4 =	sld [smem:$0x3FFC];
	_ =	sdelay $0x3  }
0x9a: {  	_ =	strace s4  }
0x9b: {  	s4 =	sld [smem:$0x3FFD];
	_ =	sdelay $0x3  }
0x9c: {  	_ =	strace s4  }
0x9d: {  	_ =	strace $0x8FFFFFFF  }
0x9e: {  	s19 =	sld [smem:$0x3FDB];
	_ =	sdelay $0x1  }
0x9f: {  	s5 =	simm.s32 $_scs_section_size  }
0xa0: {  	s6 =	simm.s32 $_size__tile_overlayer_lowered;
	s7 =	simm.s32 $_tile_overlayer_lowered  }
0xa1: {  	s22 =	simm.s32 $0x1BFF;
	s21 =	sshll.u32 s7, $0x1;
	s4 =	sadd.s32 s5, s19  }
0xa2: {  	s8 =	simm.s32 $0x0;
	s20 =	sshll.u32 s6, $0x1;
	s6 =	sadd.s32 s21, s4  }
0xa3: {  	[timem:s8], [sflag:s22] =	dma.local [hbm:s6], s20  }
0xa4: {  	_ =	swait.ge [sflag:s22], s20  }
0xa5: {  	s5 =	ssub.s32 $0x0, s20;
	[sflag:s22] =	ssyncset.done $0x0  }
0xa6: {  	[sflag:s22] =	ssyncadd.s32 s5;
	_ =	sdelay $0x1  }
0xa7: {  	s23 =	simm.s32 $0x1B8B  }
0xa8: {  	_ =	swait.ge [sflag:s23], $0x1  }
0xa9: {  	[sflag:s23] =	ssyncset.done $0x0  }
0xaa: {  	s25 =	simm.s32 $0x1B8E;
	s24 =	sld [smem:$0x3FFE];
	[sflag:s23] =	ssyncadd.s32 $0xFFFFFFFF  }
0xab: {  	s26 =	simm.s32 $execute0_lowered;
	[smem:$0x3FD2] =	sst s25  }
0xac: {  	s6 =	sshll.u32 s26, $0x1;
	_ =	strace $0x80000046;
	[dreg:$0x1] =	wrdreg $0xFFFFFFFF  }
0xad: {  	s28 =	simm.s32 $_size_execute0_lowered;
	s4 =	sadd.s32 s4, s6;
	[dreg:$0x0] =	wrdreg $0x0  }
0xae: {  	s6 =	sshll.u32 s28, $0x1;
	[dreg:$0x2] =	wrdreg s4  }
0xaf: {  	[dreg:$0x3] =	wrdreg s6  }
0xb0: {  	[dreg:$0x4] =	wrdreg $0xC0  }
0xb1: {  	_ =	task [dreg:s8], $0x5FFFF  }
0xb2: {  	[dreg:$0x1] =	wrdreg $0xFFFFFFFF  }
0xb3: {  	[dreg:$0x0] =	wrdreg $0x60  }
0xb4: {  	[dreg:$0x2] =	wrdreg s24  }
0xb5: {  	[dreg:$0x3] =	wrdreg s17  }
0xb6: {  	[dreg:$0x4] =	wrdreg s16  }
0xb7: {  	[dreg:$0x5] =	wrdreg $0x68000  }
0xb8: {  	[dreg:$0x6] =	wrdreg $0x9  }
0xb9: {  	_ =	task.clear_ibuf [dreg:s8], $0x7FFFF;
	_ =	strace $0x90000046  }
0xba: {  	s29 =	simm.s32 $0x9;
	_ =	strace $0x80000048  }
0xbb: {  	_ =	swait.ge [sflag:s29], $0x1  }
0xbc: {  	[sflag:s29] =	ssyncadd.s32 $0xFFFFFFFF  }
0xbd: {  	_ =	strace $0x90000048  }
0xbe: {  	_ =	sfence  }
0xbf: {  	s30 =	sld [smem:$0x0];
	_ =	sdelay $0x2  }
0xc0: {  	s31 =	sshll.u32 s1, $0xD;
	s1 =	sshrl.u32 s1, $0x2  }
0xc1: {  	s3 =	sand.u32 $0x4000, s31;
	s1 =	sadd.s32 s1, s30  }
0xc2: {  	s0 =	sor.u32 s3, s0;
	s1 =	sshll.u32 s1, $0x11  }
0xc3: {  	s0 =	sor.u32 s1, s0  }
0xc4: {  	s0 =	sadd.s32 $0x8F2B, s0  }
0xc5: {  	[sflag:s0] =	ssyncadd.remote.s32 $0x1  }
0xc6: {  	_ =	sfence.sel $0xFFFF  }
0xc7: {  	[dreg:$0x0] =	wrdreg $0xFFFFFFFF;
	(pc) =	sbr.abs _section_cstart, $3  }
0xc8: {  	[dreg:$0x1] =	wrdreg $0xFFFFFFFF  }
0xc9: {  	_ =	task.clear_ibuf [dreg:s8], $0x2FFFF;
	_ =	strace $0x9FFFFFFF  }
0xca: {  	(tm) =	ssettm $0x7FFFFFFF  }
0xcb: {  	_ =	shalt  }
tec
execute0_lowered:
.L_overlay_start_1:
0x0: {  	(tag) =	ssettag $0x1  }
0x1: {  	s4 =	rddreg [dreg:$0x0]  }
0x2: {  	s0 =	rddreg [dreg:$0x1]  }
0x3: {  	s1 =	srdreg.scid;
	s6 =	rddreg [dreg:$0x2]  }
0x4: {  	s2 =	rddreg [dreg:$0x3];
	s8 =	stileid.u32  }
0x5: {  	s3 =	simm.s32 $0x0;
	s12 =	simm.s32 $0x1;
	s13 =	simm.s32 $0x2  }
0x6: {  	s14 =	simm.s32 $0x3;
	s5 =	sand.u32 $0x1, s1;
	s1 =	rddreg [dreg:$0x4]  }
0x7: {  	s15 =	simm.s32 $0x4;
	s16 =	simm.s32 $0x0;
	[smem:$0x7FF] =	sst s3  }
0x8: {  	p0 =	sne.s32 s8, $0x0;
	s7 =	sshll.u32 s5, $0x4;
	_ =	strace $0x80000047  }
0x9: {  	s9 =	ssub.s32 $0x2, s5;
	s11 =	smul.u32 $0xC358, s5;
	s7 =	sor.u32 s8, s7  }
0xa: {  	s10 =	sshrl.u32 s9, $0x1;
	s8 =	sshrl.u32 @!p0 s2, $0x3;
	s7 =	smul.u32 $0xC40, s7  }
0xb: {  	s9 =	ssub.s32 s9, s10;
	s6 =	sadd.s32 s6, s11;
	s10 =	simm.s32 $0x6  }
0xc: {  	s11 =	simm.s32 $0x80;
	s7 =	sadd.s32 s7, s4;
	s4 =	sadd.s32 $0x1AE00, s4  }
0xd: {  	s5 =	sadd.s32 $0x2600, s7;
	s7 =	smax.u32 s9, $0x1;
	s9 =	simm.s32 $0x6400  }
.LBB2_1:
0xe: {  	s17 =	simm.s32 @!p0 $0x1C05  }
0xf: {  	[spmem:s8], [sflag:s17] =	dma.local @!p0 [hbm:s0], $0xC358  }
0x10: {  	[tilespmem:s9], [sflag:$0x6] =	stream.linear.gather [hbm4b:s4+s3], $0x400, $0x38;
	[tilespmem:$0xC9B0] =	vst v63  }
0x11: {  	_ =	swait.ge [sflag:s10], $0x400  }
0x12: {  	[sflag:s10] =	ssyncset.done $0x0  }
0x13: {  	[sflag:s10] =	ssyncadd.s32 $0xFFFFFC00  }
0x14: {  	[tilespmem:s3], [sflag:$0x6] =	stream.linear.gather [hbm4b:s5+s3], $0x6200, $0x38;
	[tilespmem:$0xC9B0] =	vst v63  }
0x15: {  	_ =	swait.ge [sflag:s10], $0x6200  }
0x16: {  	[sflag:s10] =	ssyncset.done $0x0  }
0x17: {  	s17 =	simm.s32 @!p0 $0x5;
	[sflag:s10] =	ssyncadd.s32 $0xFFFF9E00  }
0x18: {  	_ =	swait.ge @!p0 [sflag:s17], $0xC358  }
0x19: {  	[sflag:s17] =	ssyncset.done @!p0 $0x0  }
0x1a: {  	s18 =	sand.u32 $0x3, s3;
	p1 =	por $0x1, $0x1;
	[sflag:s17] =	ssyncadd.s32 @!p0 $0xFFFF3CA8  }
0x1b: {  	s19 =	sadd.s32 @!p1 $0x1, s18;
	[bflag:$0x0] =	sbarrier.arrive $0xFFFF  }
0x1c: {  	_ =	swait.ge @!p1 [sflag:s19], $0x400  }
0x1d: {  	[sflag:s19] =	ssyncset.done @!p1 $0x0  }
0x1e: {  	s17 =	simm.s32 $0x40;
	[sflag:s19] =	ssyncadd.s32 @!p1 $0xFFFFFC00  }
0x1f: {  	v0 =	vld [tilespmem:s17+$0xFFFFFFC0];
	_ =	sdelay $0x4  }
0x20: {  	s19 =	sshll.u32 s18, $0x7;
	v0 =	vshrl.u32 v0, $0x10  }
0x21: {  	[tilespmem:s19+$0x6200] =	vst v0  }
0x22: {  	v0 =	vld [tilespmem:s17+$0xFFFFFFD0];
	_ =	sdelay $0x4  }
0x23: {  	v0 =	vshrl.u32 v0, $0x10  }
0x24: {  	[tilespmem:s19+$0x6210] =	vst v0  }
0x25: {  	v0 =	vld [tilespmem:s17+$0xFFFFFFE0];
	_ =	sdelay $0x4  }
0x26: {  	v0 =	vshrl.u32 v0, $0x10  }
0x27: {  	[tilespmem:s19+$0x6220] =	vst v0  }
0x28: {  	v0 =	vld [tilespmem:s17+$0xFFFFFFF0];
	_ =	sdelay $0x4  }
0x29: {  	v0 =	vshrl.u32 v0, $0x10  }
0x2a: {  	[tilespmem:s19+$0x6230] =	vst v0  }
0x2b: {  	v0 =	vld [tilespmem:s17+$0x0];
	_ =	sdelay $0x4  }
0x2c: {  	v0 =	vshrl.u32 v0, $0x10  }
0x2d: {  	[tilespmem:s19+$0x6240] =	vst v0  }
0x2e: {  	v0 =	vld [tilespmem:s17+$0x10];
	_ =	sdelay $0x4  }
0x2f: {  	v0 =	vshrl.u32 v0, $0x10  }
0x30: {  	[tilespmem:s19+$0x6250] =	vst v0  }
0x31: {  	v0 =	vld [tilespmem:s17+$0x20];
	_ =	sdelay $0x4  }
0x32: {  	v0 =	vshrl.u32 v0, $0x10  }
0x33: {  	[tilespmem:s19+$0x6260] =	vst v0  }
0x34: {  	v0 =	vld [tilespmem:s17+$0x30];
	_ =	sdelay $0x3  }
0x35: {  	s21 =	simm.s32 $0x1;
	s20 =	simm.s32 $0x2;
	p2 =	por $0x1, $0x1  }
0x36: {  	s22 =	sadd.s32 $0x1, s18;
	s18 =	sand.u32 $0x3, s21;
	s23 =	sor.u32 $0x6200, s19;
	v0 =	vshrl.u32 v0, $0x10  }
.LBB2_2:
0x37: {  	s24 =	sadd.s32 @!p2 $0x1, s18  }
0x38: {  	[tilespmem:s19+$0x6270] =	vst v0;
	s17 =	sadd.s32 $0x80, s17;
	s21 =	smov.u32 s20;
	s20 =	sadd.s32 $0x1, s20  }
0x39: {  	[spmem:s2] =	stream.indirect.scatter.add.f32 [tilespmem:s9], [sflag:s22], $0x8, s23, s11, $0xb8;
	[tilespmem:$0xC9B0] =	vst v63  }
0x3a: {  	p1 =	sne.s32 s20, $0xC4;
	_ =	swait.ge @!p2 [sflag:s24], $0x400  }
0x3b: {  	[sflag:s24] =	ssyncset.done @!p2 $0x0  }
0x3c: {  	[sflag:s24] =	ssyncadd.s32 @!p2 $0xFFFFFC00  }
0x3d: {  	v0 =	vld [tilespmem:s17+$0xFFFFFFC0];
	_ =	sdelay $0x4  }
0x3e: {  	s19 =	sshll.u32 s18, $0x7;
	v0 =	vshrl.u32 v0, $0x10  }
0x3f: {  	[tilespmem:s19+$0x6200] =	vst v0  }
0x40: {  	v0 =	vld [tilespmem:s17+$0xFFFFFFD0];
	_ =	sdelay $0x4  }
0x41: {  	v0 =	vshrl.u32 v0, $0x10  }
0x42: {  	[tilespmem:s19+$0x6210] =	vst v0  }
0x43: {  	v0 =	vld [tilespmem:s17+$0xFFFFFFE0];
	_ =	sdelay $0x4  }
0x44: {  	v0 =	vshrl.u32 v0, $0x10  }
0x45: {  	[tilespmem:s19+$0x6220] =	vst v0  }
0x46: {  	v0 =	vld [tilespmem:s17+$0xFFFFFFF0];
	_ =	sdelay $0x4  }
0x47: {  	v0 =	vshrl.u32 v0, $0x10  }
0x48: {  	[tilespmem:s19+$0x6230] =	vst v0  }
0x49: {  	v0 =	vld [tilespmem:s17+$0x0];
	_ =	sdelay $0x4  }
0x4a: {  	v0 =	vshrl.u32 v0, $0x10  }
0x4b: {  	[tilespmem:s19+$0x6240] =	vst v0  }
0x4c: {  	v0 =	vld [tilespmem:s17+$0x10];
	_ =	sdelay $0x4  }
0x4d: {  	v0 =	vshrl.u32 v0, $0x10  }
0x4e: {  	[tilespmem:s19+$0x6250] =	vst v0  }
0x4f: {  	v0 =	vld [tilespmem:s17+$0x20];
	_ =	sdelay $0x4  }
0x50: {  	v0 =	vshrl.u32 v0, $0x10  }
0x51: {  	[tilespmem:s19+$0x6260] =	vst v0  }
0x52: {  	v0 =	vld [tilespmem:s17+$0x30]  }
.Ltmp0:
0x53: {  	(pc) =	sbr.rel @p1 .LBB2_2-.Ltmp0, $3  }
0x54: {  	_ =	sdelay $0x1  }
0x55: {  	s22 =	sadd.s32 $0x1, s18  }
0x56: {  	s18 =	sand.u32 $0x3, s21;
	s23 =	sor.u32 $0x6200, s19;
	p2 =	slt.u32 s21, $0x4;
	v0 =	vshrl.u32 v0, $0x10  }
0x57: {  	s20 =	sadd.s32 @!p2 $0x1, s18;
	[tilespmem:s19+$0x6270] =	vst v0  }
0x58: {  	[spmem:s2] =	stream.indirect.scatter.add.f32 [tilespmem:s9], [sflag:s22], $0x8, s23, s11, $0xb8;
	[tilespmem:$0xC9B0] =	vst v63  }
0x59: {  	_ =	swait.ge @!p2 [sflag:s20], $0x400  }
0x5a: {  	[sflag:s20] =	ssyncset.done @!p2 $0x0  }
0x5b: {  	s17 =	sadd.s32 $0x80, s17;
	[sflag:s20] =	ssyncadd.s32 @!p2 $0xFFFFFC00  }
0x5c: {  	v63 =	vld [tilespmem:s17+$0xFFFFFFC0];
	_ =	sdelay $0x4  }
0x5d: {  	s29 =	sshll.u32 s18, $0x7;
	v0 =	vshrl.u32 v63, $0x10  }
0x5e: {  	[tilespmem:s29+$0x6200] =	vst v0  }
0x5f: {  	v0 =	vld [tilespmem:s17+$0xFFFFFFD0];
	_ =	sdelay $0x4  }
0x60: {  	v0 =	vshrl.u32 v0, $0x10  }
0x61: {  	[tilespmem:s29+$0x6210] =	vst v0  }
0x62: {  	v0 =	vld [tilespmem:s17+$0xFFFFFFE0];
	_ =	sdelay $0x4  }
0x63: {  	v0 =	vshrl.u32 v0, $0x10  }
0x64: {  	[tilespmem:s29+$0x6220] =	vst v0  }
0x65: {  	v0 =	vld [tilespmem:s17+$0xFFFFFFF0];
	_ =	sdelay $0x4  }
0x66: {  	v0 =	vshrl.u32 v0, $0x10  }
0x67: {  	[tilespmem:s29+$0x6230] =	vst v0  }
0x68: {  	v0 =	vld [tilespmem:s17+$0x0];
	_ =	sdelay $0x4  }
0x69: {  	v0 =	vshrl.u32 v0, $0x10  }
0x6a: {  	[tilespmem:s29+$0x6240] =	vst v0  }
0x6b: {  	v0 =	vld [tilespmem:s17+$0x10];
	_ =	sdelay $0x4  }
0x6c: {  	v0 =	vshrl.u32 v0, $0x10  }
0x6d: {  	[tilespmem:s29+$0x6250] =	vst v0  }
0x6e: {  	v0 =	vld [tilespmem:s17+$0x20];
	_ =	sdelay $0x4  }
0x6f: {  	v0 =	vshrl.u32 v0, $0x10  }
0x70: {  	[tilespmem:s29+$0x6260] =	vst v0  }
0x71: {  	v0 =	vld [tilespmem:s17+$0x30];
	_ =	sdelay $0x4  }
0x72: {  	v0 =	vshrl.u32 v0, $0x10  }
0x73: {  	s30 =	sadd.s32 $0x1, s18;
	s31 =	sor.u32 $0x6200, s29;
	[tilespmem:s29+$0x6270] =	vst v0  }
0x74: {  	[spmem:s2] =	stream.indirect.scatter.add.f32 [tilespmem:s9], [sflag:s30], $0x8, s31, s11, $0xb8;
	[tilespmem:$0xC9B0] =	vst v63  }
0x75: {  	_ =	swait.ge [sflag:s12], $0x400  }
0x76: {  	[sflag:s12] =	ssyncset.done $0x0  }
0x77: {  	[sflag:s12] =	ssyncadd.s32 $0xFFFFFC00  }
0x78: {  	_ =	swait.ge [sflag:s13], $0x400  }
0x79: {  	[sflag:s13] =	ssyncset.done $0x0  }
0x7a: {  	[sflag:s13] =	ssyncadd.s32 $0xFFFFFC00  }
0x7b: {  	_ =	swait.ge [sflag:s14], $0x400  }
0x7c: {  	[sflag:s14] =	ssyncset.done $0x0  }
0x7d: {  	[sflag:s14] =	ssyncadd.s32 $0xFFFFFC00  }
0x7e: {  	_ =	swait.ge [sflag:s15], $0x400  }
0x7f: {  	[sflag:s15] =	ssyncset.done $0x0  }
0x80: {  	s16 =	sadd.s32 $0x1, s16;
	[sflag:s15] =	ssyncadd.s32 $0xFFFFFC00  }
0x81: {  	p1 =	sne.s32 s16, s7;
	s17 =	simm.s32 @!p0 $0x1C06;
	[bflag:$0x0] =	sbarrier.arrive $0xFFFF  }
0x82: {  	[hbm:s6], [sflag:s17] =	dma.local @!p0 [spmem:s8], $0xC358  }
.Ltmp1:
0x83: {  	_ = 	snop;
	(pc) =	sbr.rel @p1 .LBB2_1-.Ltmp1, $4  }
0x84: {  	s17 =	simm.s32 @!p0 $0x6  }
0x85: {  	_ =	swait.ge @!p0 [sflag:s17], $0xC358  }
0x86: {  	[sflag:s17] =	ssyncset.done @!p0 $0x0  }
0x87: {  	[sflag:s17] =	ssyncadd.s32 @!p0 $0xFFFF3CA8  }
0x88: {  	_ =	sfence.sel $0x180000  }
0x89: {  	[bflag:$0x0] =	sbarrier.arrive $0xFFFF  }
0x8a: {  	_ =	strace $0x90000047  }
0x8b: {  	s0 =	sadd.s32 @!p0 $0x100000, s1;
	[bflag:$0x2] =	sbarrier.arrive $0xFFFF  }
0x8c: {  	[sflag:s0] =	ssyncadd.tile.s32 @!p0 $0x1;
	_ =	shalt  }
.Lfunc_end2:
_tile_overlayer_lowered:
.L_overlay_start_2:
0x8d: {  	(tag) =	ssettag $0x2  }
0x8e: {  	s0 =	rddreg [dreg:$0x0];
	s2 =	stileid.u32  }
0x8f: {  	s1 =	rddreg [dreg:$0x1];
	p0 =	sne.s32 s2, $0x0  }
0x90: {  	s3 =	rddreg [dreg:$0x2];
	[bflag:$0x3] =	sbarrier.arrive $0xFFFF;
	s2 =	simm.s32 @!p0 $0x1C06  }
0x91: {  	[timem:s3], [sflag:s2] =	dma.local @!p0 [hbm:s0], s1  }
0x92: {  	s0 =	simm.s32 @!p0 $0x6  }
0x93: {  	_ =	swait.ge @!p0 [sflag:s0], s1  }
0x94: {  	s1 =	ssub.s32 @!p0 $0x0, s1;
	[sflag:s0] =	ssyncset.done @!p0 $0x0  }
0x95: {  	[sflag:s0] =	ssyncadd.s32 @!p0 s1  }
0x96: {  	[bflag:$0x3] =	sbarrier.arrive $0xFFFF  }
0x97: {  	_ =	shalt  }

// kernel: kernel.14.cloned.1.call-start
scs
__scs_entry_jumppad:
0x0: {  	(pc) =	sbr.rel $0x88, $3  }
0x1: {  	(tag) =	ssettag $0x0;
	lr =	simm.s32 $0x1  }
0x2: {  	[smem:$0x3F98] =	sst lr;
	_ =	strace $0xD0000000  }
0x3: {  	_ = 	snop  }
0x4: {  	_ = 	snop  }
0x5: {  	_ = 	snop  }
0x6: {  	_ = 	snop  }
0x7: {  	_ = 	snop  }
__scs_overlays_trampoline_lowered:
0x8: {  	[smem:$0x3FA7] =	sst s0  }
0x9: {  	[smem:$0x3FA8] =	sst s1  }
0xa: {  	[smem:$0x3FA9] =	sst s2  }
0xb: {  	[smem:$0x3FAA] =	sst s3  }
0xc: {  	[smem:$0x3FAB] =	sst s4  }
0xd: {  	[smem:$0x3FAC] =	sst s5  }
0xe: {  	[smem:$0x3FAD] =	sst s6  }
0xf: {  	[smem:$0x3FAE] =	sst s7  }
0x10: {  	[smem:$0x3FAF] =	sst s8  }
0x11: {  	[smem:$0x3FB0] =	sst s9;
	s0 =	simm.s32 @!p0 $0x0  }
0x12: {  	s1 =	sld [smem:$0x3F96];
	s0 =	simm.s32 @p0 $0x1  }
0x13: {  	[smem:$0x3FB1] =	sst s0;
	s0 =	simm.s32 @!p1 $0x0  }
0x14: {  	s2 =	sld [smem:$0x3F95];
	s0 =	simm.s32 @p1 $0x1  }
0x15: {  	[smem:$0x3FB2] =	sst s0;
	s0 =	simm.s32 @!p2 $0x0  }
0x16: {  	s3 =	sld [smem:$0x3FDB];
	s0 =	simm.s32 @p2 $0x1  }
0x17: {  	s4 =	simm.s32 $0x1BF5;
	[smem:$0x3FB4] =	sst s0  }
0x18: {  	s0 =	sld [smem:$0x3F97];
	_ =	swait.ge [sflag:s4], $0x0  }
0x19: {  	s7 =	sld [smem:$0x3F98]  }
0x1a: {  	s8 =	sadd.s32 $0xFFFFE003, lr  }
0x1b: {  	s9 =	sadd.s32 $0xFFFFFEF7, lr;
	s5 =	simm.s32 $0xFFFFFFFF;
	p2 =	slt.u32 s8, $0xFFFFF086  }
0x1c: {  	p1 =	slt.u32 s9, $0xF7A;
	s5 =	simm.s32 @!p2 $0x0  }
0x1d: {  	s5 =	simm.s32 @p1 $0x1;
	p0 =	seq.s32 s7, s2  }
0x1e: {  	s7 =	smul.u32 @!p0 $0xF7A, s2;
	p2 =	seq.s32 @!p0 s5, $0x0  }
0x1f: {  	s9 =	smul.u32 $0xF7A, s1;
	s8 =	simm.s32 @!p0 $0x1BF5;
	p2 =	por !p2, p0  }
0x20: {  	[sflag:s8] =	ssyncset.s32 @!p0 $0xFFFFF086;
	s6 =	sadd.s32 @!p0 s3, s7;
	s7 =	simm.s32 @!p0 $0x108  }
0x21: {  	s3 =	sadd.s32 s3, s9;
	s6 =	sadd.s32 @!p0 $0x88, s6;
	s7 =	simm.s32 @p2 $0x1082  }
0x22: {  	[simem:s7], [sflag:s8] =	dma.local @!p0 [hbm:s6], $0xF7A  }
0x23: {  	s9 =	sor.u32 $0xD0000000, s2;
	s6 =	simm.s32 $0x108;
	_ =	swait.ge @!p0 [sflag:s8], $0x0  }
0x24: {  	s3 =	sadd.s32 $0x88, s3;
	s6 =	simm.s32 @!p1 $0x1082;
	[sflag:s4] =	ssyncset.s32 $0xFFFFF086  }
0x25: {  	[simem:s6], [sflag:s4] =	dma.local [hbm:s3], $0xF7A  }
0x26: {  	[smem:$0x3F98] =	sst s1;
	(tag) =	ssettag s2;
	_ =	strace s9  }
0x27: {  	s1 =	sld [smem:$0x3FA8]  }
0x28: {  	s2 =	sld [smem:$0x3FA9]  }
0x29: {  	s4 =	sld [smem:$0x3FAB]  }
0x2a: {  	p0 =	seq.s32 s5, $0x0;
	s5 =	sld [smem:$0x3FAC]  }
0x2b: {  	s6 =	sld [smem:$0x3FAD]  }
0x2c: {  	s7 =	sld [smem:$0x3FAE]  }
0x2d: {  	s3 =	simm.s32 $0x108;
	s8 =	sld [smem:$0x3FAF]  }
0x2e: {  	s3 =	simm.s32 @!p0 $0x1082;
	s9 =	sld [smem:$0x3FB0]  }
0x2f: {  	lr =	sadd.s32 s0, s3;
	s0 =	sld [smem:$0x3FA7]  }
0x30: {  	s3 =	sld [smem:$0x3FAA]  }
0x31: {  	[smem:$0x3FB3] =	sst s10  }
0x32: {  	s10 =	sld [smem:$0x3FB1];
	_ =	sdelay $0x3  }
0x33: {  	p0 =	seq.s32 s10, $0x1;
	s10 =	sld [smem:$0x3FB3];
	_ =	sdelay $0x3  }
0x34: {  	[smem:$0x3FB3] =	sst s10  }
0x35: {  	s10 =	sld [smem:$0x3FB2];
	_ =	sdelay $0x3  }
0x36: {  	p1 =	seq.s32 s10, $0x1;
	s10 =	sld [smem:$0x3FB3];
	_ =	sdelay $0x3  }
0x37: {  	[smem:$0x3FB3] =	sst s10  }
0x38: {  	s10 =	sld [smem:$0x3FB4]  }
0x39: {  	_ = 	snop;
	(pc) =	sbr.ind lr, $3  }
0x3a: {  	_ = 	snop  }
0x3b: {  	_ = 	snop  }
0x3c: {  	p2 =	seq.s32 s10, $0x1;
	s10 =	sld [smem:$0x3FB3]  }
0x3d: {  	_ =	shalt  }
0x3e: {  	_ =	shalt  }
0x3f: {  	_ =	shalt  }
0x40: {  	_ =	shalt  }
0x41: {  	_ =	shalt  }
0x42: {  	_ =	shalt  }
0x43: {  	_ =	shalt  }
0x44: {  	_ =	shalt  }
0x45: {  	_ =	shalt  }
0x46: {  	_ =	shalt  }
0x47: {  	_ =	shalt  }
0x48: {  	_ =	shalt  }
0x49: {  	_ =	shalt  }
0x4a: {  	_ =	shalt  }
0x4b: {  	_ =	shalt  }
0x4c: {  	_ =	shalt  }
0x4d: {  	_ =	shalt  }
0x4e: {  	_ =	shalt  }
0x4f: {  	_ =	shalt  }
0x50: {  	_ =	shalt  }
0x51: {  	_ =	shalt  }
0x52: {  	_ =	shalt  }
0x53: {  	_ =	shalt  }
0x54: {  	_ =	shalt  }
0x55: {  	_ =	shalt  }
0x56: {  	_ =	shalt  }
0x57: {  	_ =	shalt  }
0x58: {  	_ =	shalt  }
0x59: {  	_ =	shalt  }
0x5a: {  	_ =	shalt  }
0x5b: {  	_ =	shalt  }
0x5c: {  	_ =	shalt  }
0x5d: {  	_ =	shalt  }
0x5e: {  	_ =	shalt  }
0x5f: {  	_ =	shalt  }
0x60: {  	_ =	shalt  }
0x61: {  	_ =	shalt  }
0x62: {  	_ =	shalt  }
0x63: {  	_ =	shalt  }
0x64: {  	_ =	shalt  }
0x65: {  	_ =	shalt  }
0x66: {  	_ =	shalt  }
0x67: {  	_ =	shalt  }
0x68: {  	_ =	shalt  }
0x69: {  	_ =	shalt  }
0x6a: {  	_ =	shalt  }
0x6b: {  	_ =	shalt  }
0x6c: {  	_ =	shalt  }
0x6d: {  	_ =	shalt  }
0x6e: {  	_ =	shalt  }
0x6f: {  	_ =	shalt  }
0x70: {  	_ =	shalt  }
0x71: {  	_ =	shalt  }
0x72: {  	_ =	shalt  }
0x73: {  	_ =	shalt  }
0x74: {  	_ =	shalt  }
0x75: {  	_ =	shalt  }
0x76: {  	_ =	shalt  }
0x77: {  	_ =	shalt  }
0x78: {  	_ =	shalt  }
0x79: {  	_ =	shalt  }
0x7a: {  	_ =	shalt  }
0x7b: {  	_ =	shalt  }
0x7c: {  	_ =	shalt  }
0x7d: {  	_ =	shalt  }
0x7e: {  	_ =	shalt  }
0x7f: {  	_ =	shalt  }
0x80: {  	_ =	shalt  }
0x81: {  	_ =	shalt  }
0x82: {  	_ =	shalt  }
0x83: {  	_ =	shalt  }
0x84: {  	_ =	shalt  }
0x85: {  	_ =	shalt  }
0x86: {  	_ =	shalt  }
0x87: {  	_ =	shalt  }
.Lfunc_end0:
.L_simem_size_0:
called_computation.1_lowered:
.L_overlay_start_0:
0x88: {  	s2 =	sld [smem:$0x3FD9]  }
0x89: {  	s3 =	sld [smem:$0x3FFE];
	_ =	sdelay $0x1  }
0x8a: {  	s1 =	srdreg.scid  }
0x8b: {  	s0 =	sand.u32 $0x1, s1  }
0x8c: {  	s14 =	sshll.u32 s0, $0xA;
	s2 =	sadd.s32 s3, s2  }
0x8d: {  	s2 =	sadd.s32 s2, s14  }
0x8e: {  	[smem:$0x3FBF] =	sst s2  }
0x8f: {  	_ = 	snop  }
0x90: {  	s2 =	sld [smem:$0x3FD0];
	_ =	sdelay $0x2  }
0x91: {  	s15 =	simm.s32 $0xA;
	s4 =	simm.s32 $0x10  }
0x92: {  	[smem:s4], [sflag:s15] =	dma.local [hbm:s2], $0x1  }
0x93: {  	_ =	swait.eq [sflag:s15], $0x1  }
0x94: {  	[sflag:s15] =	ssyncset.done $0x0  }
0x95: {  	[sflag:s15] =	ssyncadd.s32 $0xFFFFFFFF  }
0x96: {  	s16 =	sld [smem:$0x10];
	(tm) =	ssettm $0x1  }
0x97: {  	s17 =	sld [smem:$0x3FFB];
	_ =	sdelay $0x3  }
0x98: {  	_ =	strace s17  }
0x99: {  	s3 =	sld [smem:$0x3FFC];
	_ =	sdelay $0x3  }
0x9a: {  	_ =	strace s3  }
0x9b: {  	s3 =	sld [smem:$0x3FFD];
	_ =	sdelay $0x3  }
0x9c: {  	_ =	strace s3  }
0x9d: {  	_ =	strace $0x8FFFFFFF  }
0x9e: {  	s18 =	sld [smem:$0x3FDB];
	_ =	sdelay $0x1  }
0x9f: {  	s19 =	simm.s32 $_scs_section_size  }
0xa0: {  	s5 =	simm.s32 $_size__tile_overlayer_lowered;
	s6 =	simm.s32 $_tile_overlayer_lowered  }
0xa1: {  	s22 =	simm.s32 $0x1BFF;
	s21 =	sshll.u32 s6, $0x1;
	s3 =	sadd.s32 s19, s18  }
0xa2: {  	s7 =	simm.s32 $0x0;
	s20 =	sshll.u32 s5, $0x1;
	s5 =	sadd.s32 s21, s3  }
0xa3: {  	[timem:s7], [sflag:s22] =	dma.local [hbm:s5], s20  }
0xa4: {  	_ =	swait.ge [sflag:s22], s20  }
0xa5: {  	s4 =	ssub.s32 $0x0, s20;
	[sflag:s22] =	ssyncset.done $0x0  }
0xa6: {  	[sflag:s22] =	ssyncadd.s32 s4;
	_ =	sdelay $0x1  }
0xa7: {  	s23 =	simm.s32 $0x1B8B  }
0xa8: {  	_ =	swait.ge [sflag:s23], $0x1  }
0xa9: {  	[sflag:s23] =	ssyncset.done $0x0  }
0xaa: {  	s25 =	simm.s32 $0x1B8E;
	s24 =	sld [smem:$0x3FFE];
	[sflag:s23] =	ssyncadd.s32 $0xFFFFFFFF  }
0xab: {  	s26 =	simm.s32 $execute0_lowered;
	[smem:$0x3FD2] =	sst s25  }
0xac: {  	s5 =	sshll.u32 s26, $0x1;
	_ =	strace $0x80000049;
	[dreg:$0x1] =	wrdreg $0xFFFFFFFF  }
0xad: {  	s28 =	simm.s32 $_size_execute0_lowered;
	s3 =	sadd.s32 s3, s5;
	[dreg:$0x0] =	wrdreg $0x0  }
0xae: {  	s5 =	sshll.u32 s28, $0x1;
	[dreg:$0x2] =	wrdreg s3  }
0xaf: {  	[dreg:$0x3] =	wrdreg s5  }
0xb0: {  	[dreg:$0x4] =	wrdreg $0xC0  }
0xb1: {  	_ =	task [dreg:s7], $0x5FFFF  }
0xb2: {  	[dreg:$0x1] =	wrdreg $0xFFFFFFFF  }
0xb3: {  	[dreg:$0x0] =	wrdreg $0x60  }
0xb4: {  	[dreg:$0x2] =	wrdreg s24  }
0xb5: {  	[dreg:$0x3] =	wrdreg s16  }
0xb6: {  	[dreg:$0x4] =	wrdreg $0x46000  }
0xb7: {  	[dreg:$0x5] =	wrdreg $0x9  }
0xb8: {  	_ =	task.clear_ibuf [dreg:s7], $0x6FFFF;
	_ =	strace $0x90000049  }
0xb9: {  	s29 =	simm.s32 $0x9;
	_ =	strace $0x8000004B  }
0xba: {  	_ =	swait.ge [sflag:s29], $0x1  }
0xbb: {  	[sflag:s29] =	ssyncadd.s32 $0xFFFFFFFF  }
0xbc: {  	_ =	strace $0x9000004B  }
0xbd: {  	_ =	sfence  }
0xbe: {  	s30 =	sld [smem:$0x0];
	_ =	sdelay $0x2  }
0xbf: {  	s31 =	sshll.u32 s1, $0xD;
	s1 =	sshrl.u32 s1, $0x2  }
0xc0: {  	s3 =	sand.u32 $0x4000, s31;
	s1 =	sadd.s32 s1, s30  }
0xc1: {  	s0 =	sor.u32 s3, s0;
	s1 =	sshll.u32 s1, $0x11  }
0xc2: {  	s0 =	sor.u32 s1, s0  }
0xc3: {  	s0 =	sadd.s32 $0x8F2B, s0  }
0xc4: {  	[sflag:s0] =	ssyncadd.remote.s32 $0x1  }
0xc5: {  	_ =	sfence.sel $0xFFFF  }
0xc6: {  	[dreg:$0x0] =	wrdreg $0xFFFFFFFF;
	(pc) =	sbr.abs _section_cstart, $3  }
0xc7: {  	[dreg:$0x1] =	wrdreg $0xFFFFFFFF  }
0xc8: {  	_ =	task.clear_ibuf [dreg:s7], $0x2FFFF;
	_ =	strace $0x9FFFFFFF  }
0xc9: {  	(tm) =	ssettm $0x7FFFFFFF  }
tec
execute0_lowered:
.L_overlay_start_1:
0x0: {  	(tag) =	ssettag $0x1  }
0x1: {  	s4 =	rddreg [dreg:$0x0]  }
0x2: {  	s9 =	rddreg [dreg:$0x1]  }
0x3: {  	s1 =	rddreg [dreg:$0x2]  }
0x4: {  	s0 =	rddreg [dreg:$0x3];
	s2 =	simm.s32 $0x0  }
0x5: {  	s11 =	stileid.u32;
	s5 =	srdreg.scid;
	s16 =	simm.s32 $0x0  }
0x6: {  	[smem:$0x7FF] =	sst s2;
	s12 =	sadd.s32 $0x2600, s4;
	s6 =	smul.u32 $0xC400, s11  }
0x7: {  	s3 =	sadd.s32 $0xDE600, s4;
	s4 =	sadd.s32 $0x140200, s4;
	s7 =	sand.u32 $0x1, s5  }
0x8: {  	s15 =	smul.u32 $0x1880, s11;
	p0 =	sne.s32 s11, $0x0;
	_ =	strace $0x8000004A  }
0x9: {  	s8 =	ssub.s32 $0x2, s7;
	s10 =	smul.u32 $0x30D60, s7;
	s30 =	sshrl.u32 s6, $0x3  }
0xa: {  	s14 =	smul.u32 $0xC350, s7;
	s31 =	sshrl.u32 s8, $0x1;
	s5 =	sadd.s32 s12, s30  }
0xb: {  	s13 =	ssub.s32 s8, s31;
	s9 =	sadd.s32 s9, s10;
	s12 =	sadd.s32 s15, s12  }
0xc: {  	v0 =	vmov s14;
	s14 =	simm.s32 $0x100;
	s15 =	simm.s32 $0x180;
	s6 =	sadd.s32 $0x10, s5  }
0xd: {  	s7 =	sadd.s32 $0x20, s5;
	s8 =	sadd.s32 $0x30, s5;
	s10 =	smax.u32 s13, $0x1  }
0xe: {  	s11 =	sadd.s32 $0x40, s12;
	s12 =	sshrl.u32 @!p0 s1, $0x3;
	s13 =	simm.s32 $0x80  }
.LBB2_1:
0xf: {  	s17 =	simm.s32 @!p0 $0x1C0D  }
0x10: {  	[spmem:s12], [sflag:s17] =	dma.local @!p0 [hbm:s4], $0x30D60  }
0x11: {  	[tilespmem:s2], [sflag:$0x1] =	stream.linear.gather [hbm4b:s5+s2], $0x80, $0x38;
	[tilespmem:$0x1CCB0] =	vst v63  }
0x12: {  	_ = 	snop  }
0x13: {  	[tilespmem:s13], [sflag:$0x2] =	stream.linear.gather [hbm4b:s6+s2], $0x80, $0x38;
	[tilespmem:$0x1CCB0] =	vst v63  }
0x14: {  	_ = 	snop  }
0x15: {  	[tilespmem:s14], [sflag:$0x3] =	stream.linear.gather [hbm4b:s7+s2], $0x80, $0x38;
	[tilespmem:$0x1CCB0] =	vst v63  }
0x16: {  	s17 =	simm.s32 @!p0 $0xD  }
0x17: {  	[tilespmem:s15], [sflag:$0x4] =	stream.linear.gather [hbm4b:s8+s2], $0x80, $0x38;
	[tilespmem:$0x1CCB0] =	vst v63  }
0x18: {  	_ =	swait.ge @!p0 [sflag:s17], $0x30D60  }
0x19: {  	[sflag:s17] =	ssyncset.done @!p0 $0x0  }
0x1a: {  	s18 =	sand.u32 $0x3, s2;
	[sflag:s17] =	ssyncadd.s32 @!p0 $0xFFFCF2A0  }
0x1b: {  	s17 =	sadd.s32 $0x1, s18;
	[bflag:$0x0] =	sbarrier.arrive $0xFFFF  }
0x1c: {  	_ =	swait.ge [sflag:s17], $0x80  }
0x1d: {  	[sflag:s17] =	ssyncset.done $0x0  }
0x1e: {  	s19 =	sshll.u32 s18, $0x7;
	[sflag:s17] =	ssyncadd.s32 $0xFFFFFF80  }
0x1f: {  	v1 =	vld [tilespmem:s19+$0x70]  }
0x20: {  	v3 =	vld [tilespmem:s19+$0x10]  }
0x21: {  	v2 =	vld [tilespmem:s19+$0x60]  }
0x22: {  	v5 =	vld [tilespmem:s19+$0x0];
	_ =	sdelay $0x1  }
0x23: {  	v4 =	vld [tilespmem:s19+$0x40];
	v7 =	vshrl.u32 v1, $0x10  }
0x24: {  	v9 =	vld [tilespmem:s19+$0x50];
	v10 =	vshrl.u32 v3, $0x10;
	[tilespmem:s19+$0x270] =	vst v7  }
0x25: {  	v6 =	vld [tilespmem:s19+$0x20];
	v1 =	vand.u32 $0xFFFF, v1;
	v7 =	vshrl.u32 v2, $0x10;
	[tilespmem:s19+$0x210] =	vst v10  }
0x26: {  	v63 =	vadd.s32 v0, v1;
	v1 =	vshrl.u32 v5, $0x10;
	[tilespmem:s19+$0x260] =	vst v7  }
0x27: {  	v8 =	vld [tilespmem:s19+$0x30];
	v2 =	vand.u32 $0xFFFF, v2;
	[tilespmem:s19+$0x200] =	vst v1  }
0x28: {  	v2 =	vadd.s32 v0, v2;
	v7 =	vshrl.u32 v4, $0x10;
	[tilespmem:s19+$0x470] =	vst v63  }
0x29: {  	v4 =	vand.u32 $0xFFFF, v4;
	v1 =	vand.u32 $0xFFFF, v5;
	v5 =	vshrl.u32 v9, $0x10;
	[tilespmem:s19+$0x460] =	vst v2  }
0x2a: {  	v9 =	vand.u32 $0xFFFF, v9;
	[tilespmem:s19+$0x240] =	vst v7;
	v2 =	vand.u32 $0xFFFF, v3;
	v3 =	vshrl.u32 v6, $0x10  }
0x2b: {  	v1 =	vadd.s32 v0, v1;
	[tilespmem:s19+$0x250] =	vst v5;
	v5 =	vadd.s32 v0, v9;
	v7 =	vadd.s32 v0, v2  }
0x2c: {  	s22 =	simm.s32 $0x1;
	s23 =	smov.u32 s11;
	v2 =	vand.u32 $0xFFFF, v6;
	[tilespmem:s19+$0x220] =	vst v3;
	v3 =	vadd.s32 v0, v4;
	v4 =	vand.u32 $0xFFFF, v8  }
0x2d: {  	s21 =	simm.s32 $0x0;
	s20 =	smov.u32 s11;
	s24 =	sshll.u32 s18, $0xC;
	v6 =	vshrl.u32 v8, $0x10;
	v2 =	vadd.s32 v0, v2;
	v4 =	vadd.s32 v0, v4;
	[tilespmem:s19+$0x410] =	vst v7  }
.LBB2_2:
0x2e: {  	[tilespmem:s19+$0x230] =	vst v6;
	s23 =	sadd.s32 $0x10, s23;
	s25 =	smov.u32 s22;
	s22 =	sadd.s32 $0x1, s22  }
0x2f: {  	p1 =	sne.s32 s22, $0x188;
	[tilespmem:s19+$0x440] =	vst v3  }
0x30: {  	[tilespmem:s19+$0x450] =	vst v5  }
0x31: {  	[tilespmem:s19+$0x420] =	vst v2  }
0x32: {  	s26 =	sor.u32 $0x400, s19;
	s24 =	sor.u32 $0x600, s24;
	s28 =	sadd.s32 $0x5, s18;
	[tilespmem:s19+$0x430] =	vst v4  }
0x33: {  	[tilespmem:s19+$0x400] =	vst v1  }
0x34: {  	[tilespmem:s24], [sflag:s28] =	stream.indirect.gather [hbm4b:s3+s13], $0x20, s26, s13, $0xb8;
	[tilespmem:$0x1CCB0] =	vst v63  }
0x35: {  	_ =	swait.ge [sflag:s28], $0x1000  }
0x36: {  	s19 =	sor.u32 $0x200, s19;
	s26 =	sadd.s32 $0x9, s18;
	[sflag:s28] =	ssyncset.done $0x0  }
0x37: {  	[sflag:s28] =	ssyncadd.s32 $0xFFFFF000  }
0x38: {  	[spmem:s1] =	stream.indirect.scatter.add.f32 [tilespmem:s24], [sflag:s26], $0x20, s19, s13, $0xb8;
	[tilespmem:$0x1CCB0] =	vst v63  }
0x39: {  	p2 =	sgt.u32 s21, $0x183;
	s21 =	smov.u32 s25;
	_ =	swait.ge [sflag:s26], $0x1000  }
0x3a: {  	s19 =	sshll.u32 @!p2 s18, $0x7;
	s24 =	simm.s32 @!p2 $0x0;
	[sflag:s26] =	ssyncset.done $0x0  }
0x3b: {  	s18 =	sand.u32 $0x3, s21;
	[sflag:s26] =	ssyncadd.s32 $0xFFFFF000  }
0x3c: {  	[tilespmem:s19], [sflag:s17] =	stream.linear.gather @!p2 [hbm4b:s20+s24], $0x80, $0x38;
	[tilespmem:$0x1CCB0] =	vst v63  }
0x3d: {  	s17 =	sadd.s32 $0x1, s18;
	s24 =	sshll.u32 s18, $0xC;
	s20 =	smov.u32 s23  }
0x3e: {  	_ =	swait.ge [sflag:s17], $0x80  }
0x3f: {  	[sflag:s17] =	ssyncset.done $0x0  }
0x40: {  	s19 =	sshll.u32 s18, $0x7;
	[sflag:s17] =	ssyncadd.s32 $0xFFFFFF80  }
0x41: {  	v1 =	vld [tilespmem:s19+$0x70]  }
0x42: {  	v2 =	vld [tilespmem:s19+$0x60]  }
0x43: {  	v3 =	vld [tilespmem:s19+$0x10]  }
0x44: {  	v4 =	vld [tilespmem:s19+$0x40]  }
0x45: {  	v5 =	vld [tilespmem:s19+$0x0]  }
0x46: {  	v6 =	vld [tilespmem:s19+$0x20];
	v7 =	vshrl.u32 v1, $0x10;
	v1 =	vand.u32 $0xFFFF, v1  }
0x47: {  	v8 =	vld [tilespmem:s19+$0x30];
	v9 =	vshrl.u32 v2, $0x10;
	v2 =	vand.u32 $0xFFFF, v2;
	[tilespmem:s19+$0x270] =	vst v7  }
0x48: {  	v7 =	vshrl.u32 v3, $0x10;
	v10 =	vld [tilespmem:s19+$0x50];
	[tilespmem:s19+$0x260] =	vst v9;
	v2 =	vadd.s32 v0, v2;
	v9 =	vadd.s32 v0, v1  }
0x49: {  	[tilespmem:s19+$0x210] =	vst v7;
	v1 =	vshrl.u32 v4, $0x10;
	v4 =	vand.u32 $0xFFFF, v4  }
0x4a: {  	v3 =	vand.u32 $0xFFFF, v3;
	v7 =	vshrl.u32 v5, $0x10;
	v5 =	vand.u32 $0xFFFF, v5;
	[tilespmem:s19+$0x460] =	vst v2  }
0x4b: {  	v11 =	vadd.s32 v0, v3;
	v12 =	vshrl.u32 v6, $0x10;
	v2 =	vand.u32 $0xFFFF, v6;
	[tilespmem:s19+$0x240] =	vst v1  }
.Ltmp0:
0x4c: {  	v3 =	vadd.s32 v0, v4;
	v1 =	vadd.s32 v0, v5;
	[tilespmem:s19+$0x200] =	vst v7;
	v2 =	vadd.s32 v0, v2;
	(pc) =	sbr.rel @p1 .LBB2_2-.Ltmp0, $4  }
0x4d: {  	v4 =	vand.u32 $0xFFFF, v8;
	[tilespmem:s19+$0x220] =	vst v12;
	v7 =	vshrl.u32 v10, $0x10;
	v5 =	vand.u32 $0xFFFF, v10  }
0x4e: {  	v6 =	vshrl.u32 v8, $0x10;
	v4 =	vadd.s32 v0, v4;
	v5 =	vadd.s32 v0, v5;
	[tilespmem:s19+$0x470] =	vst v9  }
0x4f: {  	[tilespmem:s19+$0x250] =	vst v7  }
0x50: {  	[tilespmem:s19+$0x410] =	vst v11  }
0x51: {  	[tilespmem:s19+$0x230] =	vst v6  }
0x52: {  	[tilespmem:s19+$0x440] =	vst v3  }
0x53: {  	[tilespmem:s19+$0x450] =	vst v5  }
0x54: {  	[tilespmem:s19+$0x420] =	vst v2  }
0x55: {  	[tilespmem:s19+$0x430] =	vst v4  }
0x56: {  	s22 =	sor.u32 $0x400, s19;
	s23 =	sor.u32 $0x600, s24;
	s29 =	sadd.s32 $0x5, s18;
	[tilespmem:s19+$0x400] =	vst v1  }
0x57: {  	[tilespmem:s23], [sflag:s29] =	stream.indirect.gather [hbm4b:s3+s13], $0x20, s22, s13, $0xb8;
	[tilespmem:$0x1CCB0] =	vst v63  }
0x58: {  	_ =	swait.ge [sflag:s29], $0x1000  }
0x59: {  	[sflag:s29] =	ssyncset.done $0x0  }
0x5a: {  	s30 =	sor.u32 $0x200, s19;
	s31 =	sadd.s32 $0x9, s18;
	[sflag:s29] =	ssyncadd.s32 $0xFFFFF000  }
0x5b: {  	[spmem:s1] =	stream.indirect.scatter.add.f32 [tilespmem:s23], [sflag:s31], $0x20, s30, s13, $0xb8;
	[tilespmem:$0x1CCB0] =	vst v63  }
0x5c: {  	_ =	swait.ge [sflag:s31], $0x1000  }
0x5d: {  	p1 =	sgt.u32 s21, $0x183;
	s16 =	sadd.s32 $0x1, s16;
	[sflag:s31] =	ssyncset.done $0x0  }
0x5e: {  	s18 =	sshll.u32 @!p1 s18, $0x7;
	s19 =	simm.s32 @!p1 $0x0;
	[sflag:s31] =	ssyncadd.s32 $0xFFFFF000  }
0x5f: {  	[tilespmem:s18], [sflag:s17] =	stream.linear.gather @!p1 [hbm4b:s20+s19], $0x80, $0x38;
	[tilespmem:$0x1CCB0] =	vst v63  }
0x60: {  	s17 =	simm.s32 @!p0 $0x1C0E;
	p1 =	sne.s32 s16, s10;
	[bflag:$0x0] =	sbarrier.arrive $0xFFFF  }
0x61: {  	[hbm:s9], [sflag:s17] =	dma.local @!p0 [spmem:s12], $0x30D60  }
.Ltmp1:
0x62: {  	_ = 	snop;
	(pc) =	sbr.rel @p1 .LBB2_1-.Ltmp1, $4  }
0x63: {  	s17 =	simm.s32 @!p0 $0xE  }
0x64: {  	_ =	swait.ge @!p0 [sflag:s17], $0x30D60  }
0x65: {  	[sflag:s17] =	ssyncset.done @!p0 $0x0  }
0x66: {  	[sflag:s17] =	ssyncadd.s32 @!p0 $0xFFFCF2A0  }
0x67: {  	_ =	sfence.sel $0x180000  }
0x68: {  	[bflag:$0x0] =	sbarrier.arrive $0xFFFF  }
0x69: {  	_ =	strace $0x9000004A  }
0x6a: {  	s0 =	sadd.s32 @!p0 $0x100000, s0;
	[bflag:$0x2] =	sbarrier.arrive $0xFFFF  }
0x6b: {  	[sflag:s0] =	ssyncadd.tile.s32 @!p0 $0x1;
	_ =	shalt  }
.Lfunc_end2:
_tile_overlayer_lowered:
.L_overlay_start_2:
0x6c: {  	(tag) =	ssettag $0x2  }
0x6d: {  	s0 =	rddreg [dreg:$0x0];
	s2 =	stileid.u32  }
0x6e: {  	s1 =	rddreg [dreg:$0x1];
	p0 =	sne.s32 s2, $0x0  }
0x6f: {  	s3 =	rddreg [dreg:$0x2];
	[bflag:$0x3] =	sbarrier.arrive $0xFFFF;
	s2 =	simm.s32 @!p0 $0x1C0E  }
0x70: {  	[timem:s3], [sflag:s2] =	dma.local @!p0 [hbm:s0], s1  }
0x71: {  	s0 =	simm.s32 @!p0 $0xE  }
0x72: {  	_ =	swait.ge @!p0 [sflag:s0], s1  }
0x73: {  	s1 =	ssub.s32 @!p0 $0x0, s1;
	[sflag:s0] =	ssyncset.done @!p0 $0x0  }
0x74: {  	[sflag:s0] =	ssyncadd.s32 @!p0 s1  }
0x75: {  	[bflag:$0x3] =	sbarrier.arrive $0xFFFF  }
0x76: {  	_ =	shalt  }

// kernel: kernel.17.cloned.1.call-start
scs
__scs_entry_jumppad:
0x0: {  	(pc) =	sbr.rel $0x88, $3  }
0x1: {  	(tag) =	ssettag $0x0;
	lr =	simm.s32 $0x1  }
0x2: {  	[smem:$0x3F98] =	sst lr;
	_ =	strace $0xD0000000  }
0x3: {  	_ = 	snop  }
0x4: {  	_ = 	snop  }
0x5: {  	_ = 	snop  }
0x6: {  	_ = 	snop  }
0x7: {  	_ = 	snop  }
__scs_overlays_trampoline_lowered:
0x8: {  	[smem:$0x3FA7] =	sst s0  }
0x9: {  	[smem:$0x3FA8] =	sst s1  }
0xa: {  	[smem:$0x3FA9] =	sst s2  }
0xb: {  	[smem:$0x3FAA] =	sst s3  }
0xc: {  	[smem:$0x3FAB] =	sst s4  }
0xd: {  	[smem:$0x3FAC] =	sst s5  }
0xe: {  	[smem:$0x3FAD] =	sst s6  }
0xf: {  	[smem:$0x3FAE] =	sst s7  }
0x10: {  	[smem:$0x3FAF] =	sst s8  }
0x11: {  	[smem:$0x3FB0] =	sst s9;
	s0 =	simm.s32 @!p0 $0x0  }
0x12: {  	s1 =	sld [smem:$0x3F96];
	s0 =	simm.s32 @p0 $0x1  }
0x13: {  	[smem:$0x3FB1] =	sst s0;
	s0 =	simm.s32 @!p1 $0x0  }
0x14: {  	s2 =	sld [smem:$0x3F95];
	s0 =	simm.s32 @p1 $0x1  }
0x15: {  	[smem:$0x3FB2] =	sst s0;
	s0 =	simm.s32 @!p2 $0x0  }
0x16: {  	s3 =	sld [smem:$0x3FDB];
	s0 =	simm.s32 @p2 $0x1  }
0x17: {  	s4 =	simm.s32 $0x1BF5;
	[smem:$0x3FB4] =	sst s0  }
0x18: {  	s0 =	sld [smem:$0x3F97];
	_ =	swait.ge [sflag:s4], $0x0  }
0x19: {  	s7 =	sld [smem:$0x3F98]  }
0x1a: {  	s8 =	sadd.s32 $0xFFFFE003, lr  }
0x1b: {  	s9 =	sadd.s32 $0xFFFFFEF7, lr;
	s5 =	simm.s32 $0xFFFFFFFF;
	p2 =	slt.u32 s8, $0xFFFFF086  }
0x1c: {  	p1 =	slt.u32 s9, $0xF7A;
	s5 =	simm.s32 @!p2 $0x0  }
0x1d: {  	s5 =	simm.s32 @p1 $0x1;
	p0 =	seq.s32 s7, s2  }
0x1e: {  	s7 =	smul.u32 @!p0 $0xF7A, s2;
	p2 =	seq.s32 @!p0 s5, $0x0  }
0x1f: {  	s9 =	smul.u32 $0xF7A, s1;
	s8 =	simm.s32 @!p0 $0x1BF5;
	p2 =	por !p2, p0  }
0x20: {  	[sflag:s8] =	ssyncset.s32 @!p0 $0xFFFFF086;
	s6 =	sadd.s32 @!p0 s3, s7;
	s7 =	simm.s32 @!p0 $0x108  }
0x21: {  	s3 =	sadd.s32 s3, s9;
	s6 =	sadd.s32 @!p0 $0x88, s6;
	s7 =	simm.s32 @p2 $0x1082  }
0x22: {  	[simem:s7], [sflag:s8] =	dma.local @!p0 [hbm:s6], $0xF7A  }
0x23: {  	s9 =	sor.u32 $0xD0000000, s2;
	s6 =	simm.s32 $0x108;
	_ =	swait.ge @!p0 [sflag:s8], $0x0  }
0x24: {  	s3 =	sadd.s32 $0x88, s3;
	s6 =	simm.s32 @!p1 $0x1082;
	[sflag:s4] =	ssyncset.s32 $0xFFFFF086  }
0x25: {  	[simem:s6], [sflag:s4] =	dma.local [hbm:s3], $0xF7A  }
0x26: {  	[smem:$0x3F98] =	sst s1;
	(tag) =	ssettag s2;
	_ =	strace s9  }
0x27: {  	s1 =	sld [smem:$0x3FA8]  }
0x28: {  	s2 =	sld [smem:$0x3FA9]  }
0x29: {  	s4 =	sld [smem:$0x3FAB]  }
0x2a: {  	p0 =	seq.s32 s5, $0x0;
	s5 =	sld [smem:$0x3FAC]  }
0x2b: {  	s6 =	sld [smem:$0x3FAD]  }
0x2c: {  	s7 =	sld [smem:$0x3FAE]  }
0x2d: {  	s3 =	simm.s32 $0x108;
	s8 =	sld [smem:$0x3FAF]  }
0x2e: {  	s3 =	simm.s32 @!p0 $0x1082;
	s9 =	sld [smem:$0x3FB0]  }
0x2f: {  	lr =	sadd.s32 s0, s3;
	s0 =	sld [smem:$0x3FA7]  }
0x30: {  	s3 =	sld [smem:$0x3FAA]  }
0x31: {  	[smem:$0x3FB3] =	sst s10  }
0x32: {  	s10 =	sld [smem:$0x3FB1];
	_ =	sdelay $0x3  }
0x33: {  	p0 =	seq.s32 s10, $0x1;
	s10 =	sld [smem:$0x3FB3];
	_ =	sdelay $0x3  }
0x34: {  	[smem:$0x3FB3] =	sst s10  }
0x35: {  	s10 =	sld [smem:$0x3FB2];
	_ =	sdelay $0x3  }
0x36: {  	p1 =	seq.s32 s10, $0x1;
	s10 =	sld [smem:$0x3FB3];
	_ =	sdelay $0x3  }
0x37: {  	[smem:$0x3FB3] =	sst s10  }
0x38: {  	s10 =	sld [smem:$0x3FB4]  }
0x39: {  	_ = 	snop;
	(pc) =	sbr.ind lr, $3  }
0x3a: {  	_ = 	snop  }
0x3b: {  	_ = 	snop  }
0x3c: {  	p2 =	seq.s32 s10, $0x1;
	s10 =	sld [smem:$0x3FB3]  }
0x3d: {  	_ =	shalt  }
0x3e: {  	_ =	shalt  }
0x3f: {  	_ =	shalt  }
0x40: {  	_ =	shalt  }
0x41: {  	_ =	shalt  }
0x42: {  	_ =	shalt  }
0x43: {  	_ =	shalt  }
0x44: {  	_ =	shalt  }
0x45: {  	_ =	shalt  }
0x46: {  	_ =	shalt  }
0x47: {  	_ =	shalt  }
0x48: {  	_ =	shalt  }
0x49: {  	_ =	shalt  }
0x4a: {  	_ =	shalt  }
0x4b: {  	_ =	shalt  }
0x4c: {  	_ =	shalt  }
0x4d: {  	_ =	shalt  }
0x4e: {  	_ =	shalt  }
0x4f: {  	_ =	shalt  }
0x50: {  	_ =	shalt  }
0x51: {  	_ =	shalt  }
0x52: {  	_ =	shalt  }
0x53: {  	_ =	shalt  }
0x54: {  	_ =	shalt  }
0x55: {  	_ =	shalt  }
0x56: {  	_ =	shalt  }
0x57: {  	_ =	shalt  }
0x58: {  	_ =	shalt  }
0x59: {  	_ =	shalt  }
0x5a: {  	_ =	shalt  }
0x5b: {  	_ =	shalt  }
0x5c: {  	_ =	shalt  }
0x5d: {  	_ =	shalt  }
0x5e: {  	_ =	shalt  }
0x5f: {  	_ =	shalt  }
0x60: {  	_ =	shalt  }
0x61: {  	_ =	shalt  }
0x62: {  	_ =	shalt  }
0x63: {  	_ =	shalt  }
0x64: {  	_ =	shalt  }
0x65: {  	_ =	shalt  }
0x66: {  	_ =	shalt  }
0x67: {  	_ =	shalt  }
0x68: {  	_ =	shalt  }
0x69: {  	_ =	shalt  }
0x6a: {  	_ =	shalt  }
0x6b: {  	_ =	shalt  }
0x6c: {  	_ =	shalt  }
0x6d: {  	_ =	shalt  }
0x6e: {  	_ =	shalt  }
0x6f: {  	_ =	shalt  }
0x70: {  	_ =	shalt  }
0x71: {  	_ =	shalt  }
0x72: {  	_ =	shalt  }
0x73: {  	_ =	shalt  }
0x74: {  	_ =	shalt  }
0x75: {  	_ =	shalt  }
0x76: {  	_ =	shalt  }
0x77: {  	_ =	shalt  }
0x78: {  	_ =	shalt  }
0x79: {  	_ =	shalt  }
0x7a: {  	_ =	shalt  }
0x7b: {  	_ =	shalt  }
0x7c: {  	_ =	shalt  }
0x7d: {  	_ =	shalt  }
0x7e: {  	_ =	shalt  }
0x7f: {  	_ =	shalt  }
0x80: {  	_ =	shalt  }
0x81: {  	_ =	shalt  }
0x82: {  	_ =	shalt  }
0x83: {  	_ =	shalt  }
0x84: {  	_ =	shalt  }
0x85: {  	_ =	shalt  }
0x86: {  	_ =	shalt  }
0x87: {  	_ =	shalt  }
.Lfunc_end0:
.L_simem_size_0:
called_computation.2_lowered:
.L_overlay_start_0:
0x88: {  	s2 =	sld [smem:$0x3FD9]  }
0x89: {  	s3 =	sld [smem:$0x3FFE];
	_ =	sdelay $0x1  }
0x8a: {  	s1 =	srdreg.scid  }
0x8b: {  	s0 =	sand.u32 $0x1, s1  }
0x8c: {  	s14 =	sshll.u32 s0, $0xA;
	s2 =	sadd.s32 s3, s2  }
0x8d: {  	s2 =	sadd.s32 s2, s14  }
0x8e: {  	[smem:$0x3FBF] =	sst s2  }
0x8f: {  	_ = 	snop  }
0x90: {  	s2 =	sld [smem:$0x3FD0];
	_ =	sdelay $0x2  }
0x91: {  	s15 =	simm.s32 $0xA;
	s4 =	simm.s32 $0x10  }
0x92: {  	[smem:s4], [sflag:s15] =	dma.local [hbm:s2], $0x1  }
0x93: {  	_ =	swait.eq [sflag:s15], $0x1  }
0x94: {  	[sflag:s15] =	ssyncset.done $0x0  }
0x95: {  	[sflag:s15] =	ssyncadd.s32 $0xFFFFFFFF  }
0x96: {  	s16 =	sld [smem:$0x10];
	(tm) =	ssettm $0x1  }
0x97: {  	s17 =	sld [smem:$0x3FFB];
	_ =	sdelay $0x3  }
0x98: {  	_ =	strace s17  }
0x99: {  	s3 =	sld [smem:$0x3FFC];
	_ =	sdelay $0x3  }
0x9a: {  	_ =	strace s3  }
0x9b: {  	s3 =	sld [smem:$0x3FFD];
	_ =	sdelay $0x3  }
0x9c: {  	_ =	strace s3  }
0x9d: {  	_ =	strace $0x8FFFFFFF  }
0x9e: {  	s18 =	sld [smem:$0x3FDB];
	_ =	sdelay $0x1  }
0x9f: {  	s19 =	simm.s32 $_scs_section_size  }
0xa0: {  	s5 =	simm.s32 $_size__tile_overlayer_lowered;
	s6 =	simm.s32 $_tile_overlayer_lowered  }
0xa1: {  	s22 =	simm.s32 $0x1BFF;
	s21 =	sshll.u32 s6, $0x1;
	s3 =	sadd.s32 s19, s18  }
0xa2: {  	s7 =	simm.s32 $0x0;
	s20 =	sshll.u32 s5, $0x1;
	s5 =	sadd.s32 s21, s3  }
0xa3: {  	[timem:s7], [sflag:s22] =	dma.local [hbm:s5], s20  }
0xa4: {  	_ =	swait.ge [sflag:s22], s20  }
0xa5: {  	s4 =	ssub.s32 $0x0, s20;
	[sflag:s22] =	ssyncset.done $0x0  }
0xa6: {  	[sflag:s22] =	ssyncadd.s32 s4;
	_ =	sdelay $0x1  }
0xa7: {  	s23 =	simm.s32 $0x1B8B  }
0xa8: {  	_ =	swait.ge [sflag:s23], $0x1  }
0xa9: {  	[sflag:s23] =	ssyncset.done $0x0  }
0xaa: {  	s25 =	simm.s32 $0x1B8E;
	s24 =	sld [smem:$0x3FFE];
	[sflag:s23] =	ssyncadd.s32 $0xFFFFFFFF  }
0xab: {  	s26 =	simm.s32 $execute0_lowered;
	[smem:$0x3FD2] =	sst s25  }
0xac: {  	s5 =	sshll.u32 s26, $0x1;
	_ =	strace $0x8000004C;
	[dreg:$0x1] =	wrdreg $0xFFFFFFFF  }
0xad: {  	s28 =	simm.s32 $_size_execute0_lowered;
	s3 =	sadd.s32 s3, s5;
	[dreg:$0x0] =	wrdreg $0x0  }
0xae: {  	s5 =	sshll.u32 s28, $0x1;
	[dreg:$0x2] =	wrdreg s3  }
0xaf: {  	[dreg:$0x3] =	wrdreg s5  }
0xb0: {  	[dreg:$0x4] =	wrdreg $0xC0  }
0xb1: {  	_ =	task [dreg:s7], $0x5FFFF  }
0xb2: {  	[dreg:$0x1] =	wrdreg $0xFFFFFFFF  }
0xb3: {  	[dreg:$0x0] =	wrdreg $0x60  }
0xb4: {  	[dreg:$0x2] =	wrdreg s24  }
0xb5: {  	[dreg:$0x3] =	wrdreg s16  }
0xb6: {  	[dreg:$0x4] =	wrdreg $0x46000  }
0xb7: {  	[dreg:$0x5] =	wrdreg $0x9  }
0xb8: {  	_ =	task.clear_ibuf [dreg:s7], $0x6FFFF;
	_ =	strace $0x9000004C  }
0xb9: {  	s29 =	simm.s32 $0x9;
	_ =	strace $0x8000004E  }
0xba: {  	_ =	swait.ge [sflag:s29], $0x1  }
0xbb: {  	[sflag:s29] =	ssyncadd.s32 $0xFFFFFFFF  }
0xbc: {  	_ =	strace $0x9000004E  }
0xbd: {  	_ =	sfence  }
0xbe: {  	s30 =	sld [smem:$0x0];
	_ =	sdelay $0x2  }
0xbf: {  	s31 =	sshll.u32 s1, $0xD;
	s1 =	sshrl.u32 s1, $0x2  }
0xc0: {  	s3 =	sand.u32 $0x4000, s31;
	s1 =	sadd.s32 s1, s30  }
0xc1: {  	s0 =	sor.u32 s3, s0;
	s1 =	sshll.u32 s1, $0x11  }
0xc2: {  	s0 =	sor.u32 s1, s0  }
0xc3: {  	s0 =	sadd.s32 $0x8F2B, s0  }
0xc4: {  	[sflag:s0] =	ssyncadd.remote.s32 $0x1  }
0xc5: {  	_ =	sfence.sel $0xFFFF  }
0xc6: {  	[dreg:$0x0] =	wrdreg $0xFFFFFFFF;
	(pc) =	sbr.abs _section_cstart, $3  }
0xc7: {  	[dreg:$0x1] =	wrdreg $0xFFFFFFFF  }
0xc8: {  	_ =	task.clear_ibuf [dreg:s7], $0x2FFFF;
	_ =	strace $0x9FFFFFFF  }
0xc9: {  	(tm) =	ssettm $0x7FFFFFFF  }
tec
execute0_lowered:
.L_overlay_start_1:
0x0: {  	(tag) =	ssettag $0x1  }
0x1: {  	s4 =	rddreg [dreg:$0x0]  }
0x2: {  	s9 =	rddreg [dreg:$0x1]  }
0x3: {  	s1 =	rddreg [dreg:$0x2]  }
0x4: {  	s0 =	rddreg [dreg:$0x3];
	s2 =	simm.s32 $0x0  }
0x5: {  	s11 =	stileid.u32;
	s5 =	srdreg.scid;
	s16 =	simm.s32 $0x0  }
0x6: {  	[smem:$0x7FF] =	sst s2;
	s12 =	sadd.s32 $0x2600, s4;
	s6 =	smul.u32 $0xC400, s11  }
0x7: {  	s3 =	sadd.s32 $0xDE600, s4;
	s4 =	sadd.s32 $0x140200, s4;
	s7 =	sand.u32 $0x1, s5  }
0x8: {  	s15 =	smul.u32 $0x1880, s11;
	p0 =	sne.s32 s11, $0x0;
	_ =	strace $0x8000004D  }
0x9: {  	s8 =	ssub.s32 $0x2, s7;
	s10 =	smul.u32 $0x30D60, s7;
	s30 =	sshrl.u32 s6, $0x3  }
0xa: {  	s14 =	smul.u32 $0xC350, s7;
	s31 =	sshrl.u32 s8, $0x1;
	s5 =	sadd.s32 s12, s30  }
0xb: {  	s13 =	ssub.s32 s8, s31;
	s9 =	sadd.s32 s9, s10;
	s12 =	sadd.s32 s15, s12  }
0xc: {  	v0 =	vmov s14;
	s14 =	simm.s32 $0x100;
	s15 =	simm.s32 $0x180;
	s6 =	sadd.s32 $0x10, s5  }
0xd: {  	s7 =	sadd.s32 $0x20, s5;
	s8 =	sadd.s32 $0x30, s5;
	s10 =	smax.u32 s13, $0x1  }
0xe: {  	s11 =	sadd.s32 $0x40, s12;
	s12 =	sshrl.u32 @!p0 s1, $0x3;
	s13 =	simm.s32 $0x80  }
.LBB2_1:
0xf: {  	s17 =	simm.s32 @!p0 $0x1C0D  }
0x10: {  	[spmem:s12], [sflag:s17] =	dma.local @!p0 [hbm:s4], $0x30D60  }
0x11: {  	[tilespmem:s2], [sflag:$0x1] =	stream.linear.gather [hbm4b:s5+s2], $0x80, $0x38;
	[tilespmem:$0x1CCB0] =	vst v63  }
0x12: {  	_ = 	snop  }
0x13: {  	[tilespmem:s13], [sflag:$0x2] =	stream.linear.gather [hbm4b:s6+s2], $0x80, $0x38;
	[tilespmem:$0x1CCB0] =	vst v63  }
0x14: {  	_ = 	snop  }
0x15: {  	[tilespmem:s14], [sflag:$0x3] =	stream.linear.gather [hbm4b:s7+s2], $0x80, $0x38;
	[tilespmem:$0x1CCB0] =	vst v63  }
0x16: {  	s17 =	simm.s32 @!p0 $0xD  }
0x17: {  	[tilespmem:s15], [sflag:$0x4] =	stream.linear.gather [hbm4b:s8+s2], $0x80, $0x38;
	[tilespmem:$0x1CCB0] =	vst v63  }
0x18: {  	_ =	swait.ge @!p0 [sflag:s17], $0x30D60  }
0x19: {  	[sflag:s17] =	ssyncset.done @!p0 $0x0  }
0x1a: {  	s18 =	sand.u32 $0x3, s2;
	[sflag:s17] =	ssyncadd.s32 @!p0 $0xFFFCF2A0  }
0x1b: {  	s17 =	sadd.s32 $0x1, s18;
	[bflag:$0x0] =	sbarrier.arrive $0xFFFF  }
0x1c: {  	_ =	swait.ge [sflag:s17], $0x80  }
0x1d: {  	[sflag:s17] =	ssyncset.done $0x0  }
0x1e: {  	s19 =	sshll.u32 s18, $0x7;
	[sflag:s17] =	ssyncadd.s32 $0xFFFFFF80  }
0x1f: {  	v1 =	vld [tilespmem:s19+$0x70]  }
0x20: {  	v3 =	vld [tilespmem:s19+$0x10]  }
0x21: {  	v2 =	vld [tilespmem:s19+$0x60]  }
0x22: {  	v5 =	vld [tilespmem:s19+$0x0];
	_ =	sdelay $0x1  }
0x23: {  	v4 =	vld [tilespmem:s19+$0x40];
	v7 =	vshrl.u32 v1, $0x10  }
0x24: {  	v9 =	vld [tilespmem:s19+$0x50];
	v10 =	vshrl.u32 v3, $0x10;
	[tilespmem:s19+$0x270] =	vst v7  }
0x25: {  	v6 =	vld [tilespmem:s19+$0x20];
	v1 =	vand.u32 $0xFFFF, v1;
	v7 =	vshrl.u32 v2, $0x10;
	[tilespmem:s19+$0x210] =	vst v10  }
0x26: {  	v63 =	vadd.s32 v0, v1;
	v1 =	vshrl.u32 v5, $0x10;
	[tilespmem:s19+$0x260] =	vst v7  }
0x27: {  	v8 =	vld [tilespmem:s19+$0x30];
	v2 =	vand.u32 $0xFFFF, v2;
	[tilespmem:s19+$0x200] =	vst v1  }
0x28: {  	v2 =	vadd.s32 v0, v2;
	v7 =	vshrl.u32 v4, $0x10;
	[tilespmem:s19+$0x470] =	vst v63  }
0x29: {  	v4 =	vand.u32 $0xFFFF, v4;
	v1 =	vand.u32 $0xFFFF, v5;
	v5 =	vshrl.u32 v9, $0x10;
	[tilespmem:s19+$0x460] =	vst v2  }
0x2a: {  	v9 =	vand.u32 $0xFFFF, v9;
	[tilespmem:s19+$0x240] =	vst v7;
	v2 =	vand.u32 $0xFFFF, v3;
	v3 =	vshrl.u32 v6, $0x10  }
0x2b: {  	v1 =	vadd.s32 v0, v1;
	[tilespmem:s19+$0x250] =	vst v5;
	v5 =	vadd.s32 v0, v9;
	v7 =	vadd.s32 v0, v2  }
0x2c: {  	s22 =	simm.s32 $0x1;
	s23 =	smov.u32 s11;
	v2 =	vand.u32 $0xFFFF, v6;
	[tilespmem:s19+$0x220] =	vst v3;
	v3 =	vadd.s32 v0, v4;
	v4 =	vand.u32 $0xFFFF, v8  }
0x2d: {  	s21 =	simm.s32 $0x0;
	s20 =	smov.u32 s11;
	s24 =	sshll.u32 s18, $0xC;
	v6 =	vshrl.u32 v8, $0x10;
	v2 =	vadd.s32 v0, v2;
	v4 =	vadd.s32 v0, v4;
	[tilespmem:s19+$0x410] =	vst v7  }
.LBB2_2:
0x2e: {  	[tilespmem:s19+$0x230] =	vst v6;
	s23 =	sadd.s32 $0x10, s23;
	s25 =	smov.u32 s22;
	s22 =	sadd.s32 $0x1, s22  }
0x2f: {  	p1 =	sne.s32 s22, $0x188;
	[tilespmem:s19+$0x440] =	vst v3  }
0x30: {  	[tilespmem:s19+$0x450] =	vst v5  }
0x31: {  	[tilespmem:s19+$0x420] =	vst v2  }
0x32: {  	s26 =	sor.u32 $0x400, s19;
	s24 =	sor.u32 $0x600, s24;
	s28 =	sadd.s32 $0x5, s18;
	[tilespmem:s19+$0x430] =	vst v4  }
0x33: {  	[tilespmem:s19+$0x400] =	vst v1  }
0x34: {  	[tilespmem:s24], [sflag:s28] =	stream.indirect.gather [hbm4b:s3+s13], $0x20, s26, s13, $0xb8;
	[tilespmem:$0x1CCB0] =	vst v63  }
0x35: {  	_ =	swait.ge [sflag:s28], $0x1000  }
0x36: {  	s19 =	sor.u32 $0x200, s19;
	s26 =	sadd.s32 $0x9, s18;
	[sflag:s28] =	ssyncset.done $0x0  }
0x37: {  	[sflag:s28] =	ssyncadd.s32 $0xFFFFF000  }
0x38: {  	[spmem:s1] =	stream.indirect.scatter.add.f32 [tilespmem:s24], [sflag:s26], $0x20, s19, s13, $0xb8;
	[tilespmem:$0x1CCB0] =	vst v63  }
0x39: {  	p2 =	sgt.u32 s21, $0x183;
	s21 =	smov.u32 s25;
	_ =	swait.ge [sflag:s26], $0x1000  }
0x3a: {  	s19 =	sshll.u32 @!p2 s18, $0x7;
	s24 =	simm.s32 @!p2 $0x0;
	[sflag:s26] =	ssyncset.done $0x0  }
0x3b: {  	s18 =	sand.u32 $0x3, s21;
	[sflag:s26] =	ssyncadd.s32 $0xFFFFF000  }
0x3c: {  	[tilespmem:s19], [sflag:s17] =	stream.linear.gather @!p2 [hbm4b:s20+s24], $0x80, $0x38;
	[tilespmem:$0x1CCB0] =	vst v63  }
0x3d: {  	s17 =	sadd.s32 $0x1, s18;
	s24 =	sshll.u32 s18, $0xC;
	s20 =	smov.u32 s23  }
0x3e: {  	_ =	swait.ge [sflag:s17], $0x80  }
0x3f: {  	[sflag:s17] =	ssyncset.done $0x0  }
0x40: {  	s19 =	sshll.u32 s18, $0x7;
	[sflag:s17] =	ssyncadd.s32 $0xFFFFFF80  }
0x41: {  	v1 =	vld [tilespmem:s19+$0x70]  }
0x42: {  	v2 =	vld [tilespmem:s19+$0x60]  }
0x43: {  	v3 =	vld [tilespmem:s19+$0x10]  }
0x44: {  	v4 =	vld [tilespmem:s19+$0x40]  }
0x45: {  	v5 =	vld [tilespmem:s19+$0x0]  }
0x46: {  	v6 =	vld [tilespmem:s19+$0x20];
	v7 =	vshrl.u32 v1, $0x10;
	v1 =	vand.u32 $0xFFFF, v1  }
0x47: {  	v8 =	vld [tilespmem:s19+$0x30];
	v9 =	vshrl.u32 v2, $0x10;
	v2 =	vand.u32 $0xFFFF, v2;
	[tilespmem:s19+$0x270] =	vst v7  }
0x48: {  	v7 =	vshrl.u32 v3, $0x10;
	v10 =	vld [tilespmem:s19+$0x50];
	[tilespmem:s19+$0x260] =	vst v9;
	v2 =	vadd.s32 v0, v2;
	v9 =	vadd.s32 v0, v1  }
0x49: {  	[tilespmem:s19+$0x210] =	vst v7;
	v1 =	vshrl.u32 v4, $0x10;
	v4 =	vand.u32 $0xFFFF, v4  }
0x4a: {  	v3 =	vand.u32 $0xFFFF, v3;
	v7 =	vshrl.u32 v5, $0x10;
	v5 =	vand.u32 $0xFFFF, v5;
	[tilespmem:s19+$0x460] =	vst v2  }
0x4b: {  	v11 =	vadd.s32 v0, v3;
	v12 =	vshrl.u32 v6, $0x10;
	v2 =	vand.u32 $0xFFFF, v6;
	[tilespmem:s19+$0x240] =	vst v1  }
.Ltmp0:
0x4c: {  	v3 =	vadd.s32 v0, v4;
	v1 =	vadd.s32 v0, v5;
	[tilespmem:s19+$0x200] =	vst v7;
	v2 =	vadd.s32 v0, v2;
	(pc) =	sbr.rel @p1 .LBB2_2-.Ltmp0, $4  }
0x4d: {  	v4 =	vand.u32 $0xFFFF, v8;
	[tilespmem:s19+$0x220] =	vst v12;
	v7 =	vshrl.u32 v10, $0x10;
	v5 =	vand.u32 $0xFFFF, v10  }
0x4e: {  	v6 =	vshrl.u32 v8, $0x10;
	v4 =	vadd.s32 v0, v4;
	v5 =	vadd.s32 v0, v5;
	[tilespmem:s19+$0x470] =	vst v9  }
0x4f: {  	[tilespmem:s19+$0x250] =	vst v7  }
0x50: {  	[tilespmem:s19+$0x410] =	vst v11  }
0x51: {  	[tilespmem:s19+$0x230] =	vst v6  }
0x52: {  	[tilespmem:s19+$0x440] =	vst v3  }
0x53: {  	[tilespmem:s19+$0x450] =	vst v5  }
0x54: {  	[tilespmem:s19+$0x420] =	vst v2  }
0x55: {  	[tilespmem:s19+$0x430] =	vst v4  }
0x56: {  	s22 =	sor.u32 $0x400, s19;
	s23 =	sor.u32 $0x600, s24;
	s29 =	sadd.s32 $0x5, s18;
	[tilespmem:s19+$0x400] =	vst v1  }
0x57: {  	[tilespmem:s23], [sflag:s29] =	stream.indirect.gather [hbm4b:s3+s13], $0x20, s22, s13, $0xb8;
	[tilespmem:$0x1CCB0] =	vst v63  }
0x58: {  	_ =	swait.ge [sflag:s29], $0x1000  }
0x59: {  	[sflag:s29] =	ssyncset.done $0x0  }
0x5a: {  	s30 =	sor.u32 $0x200, s19;
	s31 =	sadd.s32 $0x9, s18;
	[sflag:s29] =	ssyncadd.s32 $0xFFFFF000  }
0x5b: {  	[spmem:s1] =	stream.indirect.scatter.add.f32 [tilespmem:s23], [sflag:s31], $0x20, s30, s13, $0xb8;
	[tilespmem:$0x1CCB0] =	vst v63  }
0x5c: {  	_ =	swait.ge [sflag:s31], $0x1000  }
0x5d: {  	p1 =	sgt.u32 s21, $0x183;
	s16 =	sadd.s32 $0x1, s16;
	[sflag:s31] =	ssyncset.done $0x0  }
0x5e: {  	s18 =	sshll.u32 @!p1 s18, $0x7;
	s19 =	simm.s32 @!p1 $0x0;
	[sflag:s31] =	ssyncadd.s32 $0xFFFFF000  }
0x5f: {  	[tilespmem:s18], [sflag:s17] =	stream.linear.gather @!p1 [hbm4b:s20+s19], $0x80, $0x38;
	[tilespmem:$0x1CCB0] =	vst v63  }
0x60: {  	s17 =	simm.s32 @!p0 $0x1C0E;
	p1 =	sne.s32 s16, s10;
	[bflag:$0x0] =	sbarrier.arrive $0xFFFF  }
0x61: {  	[hbm:s9], [sflag:s17] =	dma.local @!p0 [spmem:s12], $0x30D60  }
.Ltmp1:
0x62: {  	_ = 	snop;
	(pc) =	sbr.rel @p1 .LBB2_1-.Ltmp1, $4  }
0x63: {  	s17 =	simm.s32 @!p0 $0xE  }
0x64: {  	_ =	swait.ge @!p0 [sflag:s17], $0x30D60  }
0x65: {  	[sflag:s17] =	ssyncset.done @!p0 $0x0  }
0x66: {  	[sflag:s17] =	ssyncadd.s32 @!p0 $0xFFFCF2A0  }
0x67: {  	_ =	sfence.sel $0x180000  }
0x68: {  	[bflag:$0x0] =	sbarrier.arrive $0xFFFF  }
0x69: {  	_ =	strace $0x9000004D  }
0x6a: {  	s0 =	sadd.s32 @!p0 $0x100000, s0;
	[bflag:$0x2] =	sbarrier.arrive $0xFFFF  }
0x6b: {  	[sflag:s0] =	ssyncadd.tile.s32 @!p0 $0x1;
	_ =	shalt  }
.Lfunc_end2:
_tile_overlayer_lowered:
.L_overlay_start_2:
0x6c: {  	(tag) =	ssettag $0x2  }
0x6d: {  	s0 =	rddreg [dreg:$0x0];
	s2 =	stileid.u32  }
0x6e: {  	s1 =	rddreg [dreg:$0x1];
	p0 =	sne.s32 s2, $0x0  }
0x6f: {  	s3 =	rddreg [dreg:$0x2];
	[bflag:$0x3] =	sbarrier.arrive $0xFFFF;
	s2 =	simm.s32 @!p0 $0x1C0E  }
0x70: {  	[timem:s3], [sflag:s2] =	dma.local @!p0 [hbm:s0], s1  }
0x71: {  	s0 =	simm.s32 @!p0 $0xE  }
0x72: {  	_ =	swait.ge @!p0 [sflag:s0], s1  }
0x73: {  	s1 =	ssub.s32 @!p0 $0x0, s1;
	[sflag:s0] =	ssyncset.done @!p0 $0x0  }
0x74: {  	[sflag:s0] =	ssyncadd.s32 @!p0 s1  }
0x75: {  	[bflag:$0x3] =	sbarrier.arrive $0xFFFF  }
0x76: {  	_ =	shalt  }

</sc_bundles>
